<compile_context>
chip_gen: v7x
topology: tpu7x:2x2x1
jax: 0.10.2.dev20260603
libtpu: 0.0.44.dev20260713+nightly
codegen_flags: <defaults>
</compile_context>

<pallas_src>
import jax
import jax.numpy as jnp
from jax import lax
from jax.experimental import pallas as pl
from jax.experimental.pallas import tpu as pltpu
from jax.experimental.pallas import tpu_sc as plsc

_VOCAB = 1000000
_D = 64
_B = 16384
_L = 200

_BLK = 8192


def _mv_body(tT_ref, w_ref, b_ref, o_ref):
    tT = tT_ref[...]
    w = w_ref[...]
    col = jnp.sum(tT * w, axis=0, keepdims=True)
    o_ref[...] = ((col + b_ref[0, 0]) * (1.0 / _L)).reshape(_BLK)


def _matvec(tableT, w, b2):
    return pl.pallas_call(
        _mv_body,
        grid=(pl.cdiv(_VOCAB, _BLK),),
        in_specs=[
            pl.BlockSpec((_D, _BLK), lambda i: (0, i)),
            pl.BlockSpec((_D, 1), lambda i: (0, 0)),
            pl.BlockSpec((1, 1), lambda i: (0, 0)),
        ],
        out_specs=pl.BlockSpec((_BLK,), lambda i: (i,)),
        out_shape=jax.ShapeDtypeStruct((_VOCAB,), jnp.float32),
    )(tableT, w, b2)


_NC = 2
_NS = 16
_NW = _NC * _NS
_ROWS_W = _B // _NW
_CHUNK_ROWS = 64
_NCHUNK = _ROWS_W // _CHUNK_ROWS


_CHUNK = _CHUNK_ROWS * _L
_STAGE_TILES = 8
_STAGE_SZ = _VOCAB // _STAGE_TILES
_STAGE_CHUNK = 5000


def _accumulate_chunk(val_ref, out_v, c, lane):

    def grp(g, carry2):
        goff = g * (16 * _L)

        def jbody(j, accs):
            a0, a1 = accs
            off = goff + j * 8
            for u in range(8):
                gth = plsc.load_gather(val_ref, [lane + (off + u)])
                if u % 2 == 0:
                    a0 = a0 + gth
                else:
                    a1 = a1 + gth
            return (a0, a1)

        z = jnp.zeros((16,), jnp.float32)
        a0, a1 = lax.fori_loop(0, _L // 8, jbody, (z, z))
        out_v[pl.ds(c * _CHUNK_ROWS + g * 16, 16)] = a0 + a1
        return carry2

    lax.fori_loop(0, _CHUNK_ROWS // 16, grp, 0)


def _gather_body(v_hbm, xf_hbm, out_hbm, spv, stg, idx0, idx1, val0, val1,
                 out_v, sem0, sem1):
    cid = lax.axis_index("c")
    sid = lax.axis_index("s")
    wid = sid * _NC + cid
    lane = lax.iota(jnp.int32, 16) * _L

    @pl.when(sid < _STAGE_TILES)
    def _():
        for k in range(_STAGE_SZ // _STAGE_CHUNK):
            off = sid * _STAGE_SZ + k * _STAGE_CHUNK
            pltpu.sync_copy(v_hbm.at[pl.ds(off, _STAGE_CHUNK)], stg)
            pltpu.sync_copy(stg, spv.at[pl.ds(off, _STAGE_CHUNK)])

    plsc.subcore_barrier()

    base = wid * (_ROWS_W * _L)
    bufs = [(idx0, val0, sem0), (idx1, val1, sem1)]

    pltpu.sync_copy(xf_hbm.at[pl.ds(base, _CHUNK)], idx0)
    pending = pltpu.async_copy(spv.at[idx0], val0, sem0)
    for c in range(_NCHUNK):
        _, val_c, _ = bufs[c % 2]
        wait_c = pending
        if c + 1 < _NCHUNK:
            idx_n, val_n, sem_n = bufs[(c + 1) % 2]
            pltpu.sync_copy(xf_hbm.at[pl.ds(base + (c + 1) * _CHUNK, _CHUNK)],
                            idx_n)
            pending = pltpu.async_copy(spv.at[idx_n], val_n, sem_n)
        wait_c.wait()
        _accumulate_chunk(val_c, out_v, c, lane)

    pltpu.sync_copy(out_v, out_hbm.at[pl.ds(wid * _ROWS_W, _ROWS_W)])


def _gather_sum(v, xf):
    f = pl.kernel(
        _gather_body,
        mesh=plsc.VectorSubcoreMesh(core_axis_name="c", subcore_axis_name="s"),
        compiler_params=pltpu.CompilerParams(needs_layout_passes=False),
        out_type=jax.ShapeDtypeStruct((_B,), jnp.float32),
        scratch_types=[
            pltpu.VMEM_SHARED((_VOCAB,), jnp.float32),
            pltpu.VMEM((_STAGE_CHUNK,), jnp.float32),
            pltpu.VMEM((_CHUNK,), jnp.int32),
            pltpu.VMEM((_CHUNK,), jnp.int32),
            pltpu.VMEM((_CHUNK,), jnp.float32),
            pltpu.VMEM((_CHUNK,), jnp.float32),
            pltpu.VMEM((_ROWS_W,), jnp.float32),
            pltpu.SemaphoreType.DMA,
            pltpu.SemaphoreType.DMA,
        ],
    )
    return f(v, xf)


def kernel(x, table, W, b):
    v = _matvec(table.T, W, b.reshape(1, 1))
    sums = _gather_sum(v, x.reshape(-1))
    return sums.reshape(_B, 1)

# --- scband reference (transcript-rebuilt; emitter-appended) ---
"""Pipeline reference for scband-logistic-regression-91336774517622 (READ-ONLY COPY).

The authoritative reference and input builder live on the scoring server;
editing this copy changes nothing except your own understanding.
"""

import jax, jax.numpy as jnp
import numpy as np

VOCAB = 1000000
EMBED_DIM = 64
BATCH = 16384
HIST = 200

def setup_inputs(seed: int = 0) -> dict:
    key = jax.random.key(seed)
    k1, k2, k3, k4 = jax.random.split(key, 4)
    x = jax.random.randint(k1, (BATCH, HIST), 0, VOCAB, dtype=jnp.int32)
    table = jax.random.normal(k2, (VOCAB, EMBED_DIM), dtype=jnp.float32) * 0.02
    W = jax.random.normal(k3, (EMBED_DIM, 1), dtype=jnp.float32) * 0.1
    b = jnp.zeros((1,), dtype=jnp.float32)
    return {"x": x, "table": table, "W": W, "b": b}

def reference(x, table, W, b):
    # nn.Embedding lookup -> gather rows of the table
    emb = jnp.take(table, x, axis=0)              # [B, L, D]
    # torch.mean(x, dim=1)
    pooled = jnp.mean(emb, axis=1)                # [B, D]
    # nn.Linear(D, 1)
    return pooled @ W + b                         # [B, 1]

if __name__ == "__main__":
    import jax
    _d = setup_inputs()
    print(jax.jit(kernel)(*tuple(_d.values())))

</pallas_src>

<mosaic_0001>
#map = affine_map<(d0, d1) -> (0)>
module attributes {stable_mosaic.version = 14 : i64} {
  func.func @_gather_body(%arg0: i32, %arg1: i32, %arg2: memref<1000000xf32, #tpu.memory_space<hbm>>, %arg3: memref<3276800xi32, #tpu.memory_space<hbm>>, %arg4: memref<16384xf32, #tpu.memory_space<hbm>>, %arg5: memref<1000000xf32, #tpu.memory_space<vmem_shared>>, %arg6: memref<5000xf32, #tpu.memory_space<vmem>>, %arg7: memref<12800xi32, #tpu.memory_space<vmem>>, %arg8: memref<12800xi32, #tpu.memory_space<vmem>>, %arg9: memref<12800xf32, #tpu.memory_space<vmem>>, %arg10: memref<12800xf32, #tpu.memory_space<vmem>>, %arg11: memref<512xf32, #tpu.memory_space<vmem>>, %arg12: memref<!tpu.dma_semaphore, #tpu.memory_space<semaphore_mem>>, %arg13: memref<!tpu.dma_semaphore, #tpu.memory_space<semaphore_mem>>) attributes {dimension_semantics = [#tpu.dimension_semantics<core_parallel>, #tpu.dimension_semantics<subcore_parallel>], iteration_bounds = array<i64: 2, 16>, scalar_prefetch = 0 : i64, scratch_operands = 9 : i64, tpu.core_type = #tpu.core_type<sc_vector_subcore>, window_params = [{transform_indices = #map}, {transform_indices = #map}, {transform_indices = #map}]} {
    %mul3A = arith.constant 2 : i32
    %mul3A_0 = arith.muli %arg1, %mul3A : i32
    %add3A = arith.addi %mul3A_0, %arg0 : i32
    %iota3A = tpu.iota {dimensions = array<i32: 0>} : vector<16xi32>
    %mul3A_1 = arith.constant 200 : i32
    %mul3A_2 = vector.broadcast %mul3A_1 : i32 to vector<16xi32>
    %mul3A_3 = arith.muli %iota3A, %mul3A_2 : vector<16xi32>
    %lt3A = arith.constant 8 : i32
    %lt3A_4 = arith.cmpi slt, %arg1, %lt3A : i32
    %convert_element_type3A = arith.extui %lt3A_4 : i1 to i32
    %cond3A = arith.constant 0 : i32
    %cond3A_5 = arith.cmpi ne, %convert_element_type3A, %cond3A : i32
    scf.if %cond3A_5 {
      %mul3A_101 = arith.constant 125000 : i32
      %mul3A_102 = arith.muli %arg1, %mul3A_101 : i32
      %add3A_103 = arith.constant 0 : i32
      %add3A_104 = arith.addi %mul3A_102, %add3A_103 : i32
      "tpu.region"() ({
        %run_scoped3A = tpu.sem_alloc : memref<!tpu.dma_semaphore, #tpu.memory_space<semaphore_mem>>
        %dma_start3A_201 = tpu.memref_slice %arg2[%add3A_104] : memref<1000000xf32, #tpu.memory_space<hbm>> -> memref<5000xf32, #tpu.memory_space<hbm>>
        %dma_start3A_202 = tpu.memref_slice %arg2[%add3A_104] : memref<1000000xf32, #tpu.memory_space<hbm>> -> memref<5000xf32, #tpu.memory_space<hbm>>
        tpu.enqueue_dma source(%dma_start3A_202 : memref<5000xf32, #tpu.memory_space<hbm>>) target(%arg6 : memref<5000xf32, #tpu.memory_space<vmem>>) target_semaphore(%run_scoped3A : memref<!tpu.dma_semaphore, #tpu.memory_space<semaphore_mem>>)
        %dma_wait3A_203 = tpu.memref_slice %arg2[%add3A_104] : memref<1000000xf32, #tpu.memory_space<hbm>> -> memref<5000xf32, #tpu.memory_space<hbm>>
        %dma_wait3A_204 = tpu.memref_slice %arg2[%add3A_104] : memref<1000000xf32, #tpu.memory_space<hbm>> -> memref<5000xf32, #tpu.memory_space<hbm>>
        tpu.wait_dma2 semaphore(%run_scoped3A : memref<!tpu.dma_semaphore, #tpu.memory_space<semaphore_mem>>) src(%dma_wait3A_204 : memref<5000xf32, #tpu.memory_space<hbm>>) dst(%arg6 : memref<5000xf32, #tpu.memory_space<vmem>>)
        tpu.yield
      }) : () -> ()
      "tpu.region"() ({
        %run_scoped3A = tpu.sem_alloc : memref<!tpu.dma_semaphore, #tpu.memory_space<semaphore_mem>>
        %dma_start3A_201 = tpu.memref_slice %arg5[%add3A_104] : memref<1000000xf32, #tpu.memory_space<vmem_shared>> -> memref<5000xf32, #tpu.memory_space<vmem_shared>>
        %dma_start3A_202 = tpu.memref_slice %arg5[%add3A_104] : memref<1000000xf32, #tpu.memory_space<vmem_shared>> -> memref<5000xf32, #tpu.memory_space<vmem_shared>>
        tpu.enqueue_dma source(%arg6 : memref<5000xf32, #tpu.memory_space<vmem>>) target(%dma_start3A_202 : memref<5000xf32, #tpu.memory_space<vmem_shared>>) target_semaphore(%run_scoped3A : memref<!tpu.dma_semaphore, #tpu.memory_space<semaphore_mem>>)
        %dma_wait3A_203 = tpu.memref_slice %arg5[%add3A_104] : memref<1000000xf32, #tpu.memory_space<vmem_shared>> -> memref<5000xf32, #tpu.memory_space<vmem_shared>>
        %dma_wait3A_204 = tpu.memref_slice %arg5[%add3A_104] : memref<1000000xf32, #tpu.memory_space<vmem_shared>> -> memref<5000xf32, #tpu.memory_space<vmem_shared>>
        tpu.wait_dma2 semaphore(%run_scoped3A : memref<!tpu.dma_semaphore, #tpu.memory_space<semaphore_mem>>) src(%arg6 : memref<5000xf32, #tpu.memory_space<vmem>>) dst(%dma_wait3A_204 : memref<5000xf32, #tpu.memory_space<vmem_shared>>)
        tpu.yield
      }) : () -> ()
      %mul3A_105 = arith.constant 125000 : i32
      %mul3A_106 = arith.muli %arg1, %mul3A_105 : i32
      %add3A_107 = arith.constant 5000 : i32
      %add3A_108 = arith.addi %mul3A_106, %add3A_107 : i32
      "tpu.region"() ({
        %run_scoped3A = tpu.sem_alloc : memref<!tpu.dma_semaphore, #tpu.memory_space<semaphore_mem>>
        %dma_start3A_201 = tpu.memref_slice %arg2[%add3A_108] : memref<1000000xf32, #tpu.memory_space<hbm>> -> memref<5000xf32, #tpu.memory_space<hbm>>
        %dma_start3A_202 = tpu.memref_slice %arg2[%add3A_108] : memref<1000000xf32, #tpu.memory_space<hbm>> -> memref<5000xf32, #tpu.memory_space<hbm>>
        tpu.enqueue_dma source(%dma_start3A_202 : memref<5000xf32, #tpu.memory_space<hbm>>) target(%arg6 : memref<5000xf32, #tpu.memory_space<vmem>>) target_semaphore(%run_scoped3A : memref<!tpu.dma_semaphore, #tpu.memory_space<semaphore_mem>>)
        %dma_wait3A_203 = tpu.memref_slice %arg2[%add3A_108] : memref<1000000xf32, #tpu.memory_space<hbm>> -> memref<5000xf32, #tpu.memory_space<hbm>>
        %dma_wait3A_204 = tpu.memref_slice %arg2[%add3A_108] : memref<1000000xf32, #tpu.memory_space<hbm>> -> memref<5000xf32, #tpu.memory_space<hbm>>
        tpu.wait_dma2 semaphore(%run_scoped3A : memref<!tpu.dma_semaphore, #tpu.memory_space<semaphore_mem>>) src(%dma_wait3A_204 : memref<5000xf32, #tpu.memory_space<hbm>>) dst(%arg6 : memref<5000xf32, #tpu.memory_space<vmem>>)
        tpu.yield
      }) : () -> ()
      "tpu.region"() ({
        %run_scoped3A = tpu.sem_alloc : memref<!tpu.dma_semaphore, #tpu.memory_space<semaphore_mem>>
        %dma_start3A_201 = tpu.memref_slice %arg5[%add3A_108] : memref<1000000xf32, #tpu.memory_space<vmem_shared>> -> memref<5000xf32, #tpu.memory_space<vmem_shared>>
        %dma_start3A_202 = tpu.memref_slice %arg5[%add3A_108] : memref<1000000xf32, #tpu.memory_space<vmem_shared>> -> memref<5000xf32, #tpu.memory_space<vmem_shared>>
        tpu.enqueue_dma source(%arg6 : memref<5000xf32, #tpu.memory_space<vmem>>) target(%dma_start3A_202 : memref<5000xf32, #tpu.memory_space<vmem_shared>>) target_semaphore(%run_scoped3A : memref<!tpu.dma_semaphore, #tpu.memory_space<semaphore_mem>>)
        %dma_wait3A_203 = tpu.memref_slice %arg5[%add3A_108] : memref<1000000xf32, #tpu.memory_space<vmem_shared>> -> memref<5000xf32, #tpu.memory_space<vmem_shared>>
        %dma_wait3A_204 = tpu.memref_slice %arg5[%add3A_108] : memref<1000000xf32, #tpu.memory_space<vmem_shared>> -> memref<5000xf32, #tpu.memory_space<vmem_shared>>
        tpu.wait_dma2 semaphore(%run_scoped3A : memref<!tpu.dma_semaphore, #tpu.memory_space<semaphore_mem>>) src(%arg6 : memref<5000xf32, #tpu.memory_space<vmem>>) dst(%dma_wait3A_204 : memref<5000xf32, #tpu.memory_space<vmem_shared>>)
        tpu.yield
      }) : () -> ()
      %mul3A_109 = arith.constant 125000 : i32
      %mul3A_110 = arith.muli %arg1, %mul3A_109 : i32
      %add3A_111 = arith.constant 10000 : i32
      %add3A_112 = arith.addi %mul3A_110, %add3A_111 : i32
      "tpu.region"() ({
        %run_scoped3A = tpu.sem_alloc : memref<!tpu.dma_semaphore, #tpu.memory_space<semaphore_mem>>
        %dma_start3A_201 = tpu.memref_slice %arg2[%add3A_112] : memref<1000000xf32, #tpu.memory_space<hbm>> -> memref<5000xf32, #tpu.memory_space<hbm>>
        %dma_start3A_202 = tpu.memref_slice %arg2[%add3A_112] : memref<1000000xf32, #tpu.memory_space<hbm>> -> memref<5000xf32, #tpu.memory_space<hbm>>
        tpu.enqueue_dma source(%dma_start3A_202 : memref<5000xf32, #tpu.memory_space<hbm>>) target(%arg6 : memref<5000xf32, #tpu.memory_space<vmem>>) target_semaphore(%run_scoped3A : memref<!tpu.dma_semaphore, #tpu.memory_space<semaphore_mem>>)
        %dma_wait3A_203 = tpu.memref_slice %arg2[%add3A_112] : memref<1000000xf32, #tpu.memory_space<hbm>> -> memref<5000xf32, #tpu.memory_space<hbm>>
        %dma_wait3A_204 = tpu.memref_slice %arg2[%add3A_112] : memref<1000000xf32, #tpu.memory_space<hbm>> -> memref<5000xf32, #tpu.memory_space<hbm>>
        tpu.wait_dma2 semaphore(%run_scoped3A : memref<!tpu.dma_semaphore, #tpu.memory_space<semaphore_mem>>) src(%dma_wait3A_204 : memref<5000xf32, #tpu.memory_space<hbm>>) dst(%arg6 : memref<5000xf32, #tpu.memory_space<vmem>>)
        tpu.yield
      }) : () -> ()
      "tpu.region"() ({
        %run_scoped3A = tpu.sem_alloc : memref<!tpu.dma_semaphore, #tpu.memory_space<semaphore_mem>>
        %dma_start3A_201 = tpu.memref_slice %arg5[%add3A_112] : memref<1000000xf32, #tpu.memory_space<vmem_shared>> -> memref<5000xf32, #tpu.memory_space<vmem_shared>>
        %dma_start3A_202 = tpu.memref_slice %arg5[%add3A_112] : memref<1000000xf32, #tpu.memory_space<vmem_shared>> -> memref<5000xf32, #tpu.memory_space<vmem_shared>>
        tpu.enqueue_dma source(%arg6 : memref<5000xf32, #tpu.memory_space<vmem>>) target(%dma_start3A_202 : memref<5000xf32, #tpu.memory_space<vmem_shared>>) target_semaphore(%run_scoped3A : memref<!tpu.dma_semaphore, #tpu.memory_space<semaphore_mem>>)
        %dma_wait3A_203 = tpu.memref_slice %arg5[%add3A_112] : memref<1000000xf32, #tpu.memory_space<vmem_shared>> -> memref<5000xf32, #tpu.memory_space<vmem_shared>>
        %dma_wait3A_204 = tpu.memref_slice %arg5[%add3A_112] : memref<1000000xf32, #tpu.memory_space<vmem_shared>> -> memref<5000xf32, #tpu.memory_space<vmem_shared>>
        tpu.wait_dma2 semaphore(%run_scoped3A : memref<!tpu.dma_semaphore, #tpu.memory_space<semaphore_mem>>) src(%arg6 : memref<5000xf32, #tpu.memory_space<vmem>>) dst(%dma_wait3A_204 : memref<5000xf32, #tpu.memory_space<vmem_shared>>)
        tpu.yield
      }) : () -> ()
      %mul3A_113 = arith.constant 125000 : i32
      %mul3A_114 = arith.muli %arg1, %mul3A_113 : i32
      %add3A_115 = arith.constant 15000 : i32
      %add3A_116 = arith.addi %mul3A_114, %add3A_115 : i32
      "tpu.region"() ({
        %run_scoped3A = tpu.sem_alloc : memref<!tpu.dma_semaphore, #tpu.memory_space<semaphore_mem>>
        %dma_start3A_201 = tpu.memref_slice %arg2[%add3A_116] : memref<1000000xf32, #tpu.memory_space<hbm>> -> memref<5000xf32, #tpu.memory_space<hbm>>
        %dma_start3A_202 = tpu.memref_slice %arg2[%add3A_116] : memref<1000000xf32, #tpu.memory_space<hbm>> -> memref<5000xf32, #tpu.memory_space<hbm>>
        tpu.enqueue_dma source(%dma_start3A_202 : memref<5000xf32, #tpu.memory_space<hbm>>) target(%arg6 : memref<5000xf32, #tpu.memory_space<vmem>>) target_semaphore(%run_scoped3A : memref<!tpu.dma_semaphore, #tpu.memory_space<semaphore_mem>>)
        %dma_wait3A_203 = tpu.memref_slice %arg2[%add3A_116] : memref<1000000xf32, #tpu.memory_space<hbm>> -> memref<5000xf32, #tpu.memory_space<hbm>>
        %dma_wait3A_204 = tpu.memref_slice %arg2[%add3A_116] : memref<1000000xf32, #tpu.memory_space<hbm>> -> memref<5000xf32, #tpu.memory_space<hbm>>
        tpu.wait_dma2 semaphore(%run_scoped3A : memref<!tpu.dma_semaphore, #tpu.memory_space<semaphore_mem>>) src(%dma_wait3A_204 : memref<5000xf32, #tpu.memory_space<hbm>>) dst(%arg6 : memref<5000xf32, #tpu.memory_space<vmem>>)
        tpu.yield
      }) : () -> ()
      "tpu.region"() ({
        %run_scoped3A = tpu.sem_alloc : memref<!tpu.dma_semaphore, #tpu.memory_space<semaphore_mem>>
        %dma_start3A_201 = tpu.memref_slice %arg5[%add3A_116] : memref<1000000xf32, #tpu.memory_space<vmem_shared>> -> memref<5000xf32, #tpu.memory_space<vmem_shared>>
        %dma_start3A_202 = tpu.memref_slice %arg5[%add3A_116] : memref<1000000xf32, #tpu.memory_space<vmem_shared>> -> memref<5000xf32, #tpu.memory_space<vmem_shared>>
        tpu.enqueue_dma source(%arg6 : memref<5000xf32, #tpu.memory_space<vmem>>) target(%dma_start3A_202 : memref<5000xf32, #tpu.memory_space<vmem_shared>>) target_semaphore(%run_scoped3A : memref<!tpu.dma_semaphore, #tpu.memory_space<semaphore_mem>>)
        %dma_wait3A_203 = tpu.memref_slice %arg5[%add3A_116] : memref<1000000xf32, #tpu.memory_space<vmem_shared>> -> memref<5000xf32, #tpu.memory_space<vmem_shared>>
        %dma_wait3A_204 = tpu.memref_slice %arg5[%add3A_116] : memref<1000000xf32, #tpu.memory_space<vmem_shared>> -> memref<5000xf32, #tpu.memory_space<vmem_shared>>
        tpu.wait_dma2 semaphore(%run_scoped3A : memref<!tpu.dma_semaphore, #tpu.memory_space<semaphore_mem>>) src(%arg6 : memref<5000xf32, #tpu.memory_space<vmem>>) dst(%dma_wait3A_204 : memref<5000xf32, #tpu.memory_space<vmem_shared>>)
        tpu.yield
      }) : () -> ()
      %mul3A_117 = arith.constant 125000 : i32
      %mul3A_118 = arith.muli %arg1, %mul3A_117 : i32
      %add3A_119 = arith.constant 20000 : i32
      %add3A_120 = arith.addi %mul3A_118, %add3A_119 : i32
      "tpu.region"() ({
        %run_scoped3A = tpu.sem_alloc : memref<!tpu.dma_semaphore, #tpu.memory_space<semaphore_mem>>
        %dma_start3A_201 = tpu.memref_slice %arg2[%add3A_120] : memref<1000000xf32, #tpu.memory_space<hbm>> -> memref<5000xf32, #tpu.memory_space<hbm>>
        %dma_start3A_202 = tpu.memref_slice %arg2[%add3A_120] : memref<1000000xf32, #tpu.memory_space<hbm>> -> memref<5000xf32, #tpu.memory_space<hbm>>
        tpu.enqueue_dma source(%dma_start3A_202 : memref<5000xf32, #tpu.memory_space<hbm>>) target(%arg6 : memref<5000xf32, #tpu.memory_space<vmem>>) target_semaphore(%run_scoped3A : memref<!tpu.dma_semaphore, #tpu.memory_space<semaphore_mem>>)
        %dma_wait3A_203 = tpu.memref_slice %arg2[%add3A_120] : memref<1000000xf32, #tpu.memory_space<hbm>> -> memref<5000xf32, #tpu.memory_space<hbm>>
        %dma_wait3A_204 = tpu.memref_slice %arg2[%add3A_120] : memref<1000000xf32, #tpu.memory_space<hbm>> -> memref<5000xf32, #tpu.memory_space<hbm>>
        tpu.wait_dma2 semaphore(%run_scoped3A : memref<!tpu.dma_semaphore, #tpu.memory_space<semaphore_mem>>) src(%dma_wait3A_204 : memref<5000xf32, #tpu.memory_space<hbm>>) dst(%arg6 : memref<5000xf32, #tpu.memory_space<vmem>>)
        tpu.yield
      }) : () -> ()
      "tpu.region"() ({
        %run_scoped3A = tpu.sem_alloc : memref<!tpu.dma_semaphore, #tpu.memory_space<semaphore_mem>>
        %dma_start3A_201 = tpu.memref_slice %arg5[%add3A_120] : memref<1000000xf32, #tpu.memory_space<vmem_shared>> -> memref<5000xf32, #tpu.memory_space<vmem_shared>>
        %dma_start3A_202 = tpu.memref_slice %arg5[%add3A_120] : memref<1000000xf32, #tpu.memory_space<vmem_shared>> -> memref<5000xf32, #tpu.memory_space<vmem_shared>>
        tpu.enqueue_dma source(%arg6 : memref<5000xf32, #tpu.memory_space<vmem>>) target(%dma_start3A_202 : memref<5000xf32, #tpu.memory_space<vmem_shared>>) target_semaphore(%run_scoped3A : memref<!tpu.dma_semaphore, #tpu.memory_space<semaphore_mem>>)
        %dma_wait3A_203 = tpu.memref_slice %arg5[%add3A_120] : memref<1000000xf32, #tpu.memory_space<vmem_shared>> -> memref<5000xf32, #tpu.memory_space<vmem_shared>>
        %dma_wait3A_204 = tpu.memref_slice %arg5[%add3A_120] : memref<1000000xf32, #tpu.memory_space<vmem_shared>> -> memref<5000xf32, #tpu.memory_space<vmem_shared>>
        tpu.wait_dma2 semaphore(%run_scoped3A : memref<!tpu.dma_semaphore, #tpu.memory_space<semaphore_mem>>) src(%arg6 : memref<5000xf32, #tpu.memory_space<vmem>>) dst(%dma_wait3A_204 : memref<5000xf32, #tpu.memory_space<vmem_shared>>)
        tpu.yield
      }) : () -> ()
      %mul3A_121 = arith.constant 125000 : i32
      %mul3A_122 = arith.muli %arg1, %mul3A_121 : i32
      %add3A_123 = arith.constant 25000 : i32
      %add3A_124 = arith.addi %mul3A_122, %add3A_123 : i32
      "tpu.region"() ({
        %run_scoped3A = tpu.sem_alloc : memref<!tpu.dma_semaphore, #tpu.memory_space<semaphore_mem>>
        %dma_start3A_201 = tpu.memref_slice %arg2[%add3A_124] : memref<1000000xf32, #tpu.memory_space<hbm>> -> memref<5000xf32, #tpu.memory_space<hbm>>
        %dma_start3A_202 = tpu.memref_slice %arg2[%add3A_124] : memref<1000000xf32, #tpu.memory_space<hbm>> -> memref<5000xf32, #tpu.memory_space<hbm>>
        tpu.enqueue_dma source(%dma_start3A_202 : memref<5000xf32, #tpu.memory_space<hbm>>) target(%arg6 : memref<5000xf32, #tpu.memory_space<vmem>>) target_semaphore(%run_scoped3A : memref<!tpu.dma_semaphore, #tpu.memory_space<semaphore_mem>>)
        %dma_wait3A_203 = tpu.memref_slice %arg2[%add3A_124] : memref<1000000xf32, #tpu.memory_space<hbm>> -> memref<5000xf32, #tpu.memory_space<hbm>>
        %dma_wait3A_204 = tpu.memref_slice %arg2[%add3A_124] : memref<1000000xf32, #tpu.memory_space<hbm>> -> memref<5000xf32, #tpu.memory_space<hbm>>
        tpu.wait_dma2 semaphore(%run_scoped3A : memref<!tpu.dma_semaphore, #tpu.memory_space<semaphore_mem>>) src(%dma_wait3A_204 : memref<5000xf32, #tpu.memory_space<hbm>>) dst(%arg6 : memref<5000xf32, #tpu.memory_space<vmem>>)
        tpu.yield
      }) : () -> ()
      "tpu.region"() ({
        %run_scoped3A = tpu.sem_alloc : memref<!tpu.dma_semaphore, #tpu.memory_space<semaphore_mem>>
        %dma_start3A_201 = tpu.memref_slice %arg5[%add3A_124] : memref<1000000xf32, #tpu.memory_space<vmem_shared>> -> memref<5000xf32, #tpu.memory_space<vmem_shared>>
        %dma_start3A_202 = tpu.memref_slice %arg5[%add3A_124] : memref<1000000xf32, #tpu.memory_space<vmem_shared>> -> memref<5000xf32, #tpu.memory_space<vmem_shared>>
        tpu.enqueue_dma source(%arg6 : memref<5000xf32, #tpu.memory_space<vmem>>) target(%dma_start3A_202 : memref<5000xf32, #tpu.memory_space<vmem_shared>>) target_semaphore(%run_scoped3A : memref<!tpu.dma_semaphore, #tpu.memory_space<semaphore_mem>>)
        %dma_wait3A_203 = tpu.memref_slice %arg5[%add3A_124] : memref<1000000xf32, #tpu.memory_space<vmem_shared>> -> memref<5000xf32, #tpu.memory_space<vmem_shared>>
        %dma_wait3A_204 = tpu.memref_slice %arg5[%add3A_124] : memref<1000000xf32, #tpu.memory_space<vmem_shared>> -> memref<5000xf32, #tpu.memory_space<vmem_shared>>
        tpu.wait_dma2 semaphore(%run_scoped3A : memref<!tpu.dma_semaphore, #tpu.memory_space<semaphore_mem>>) src(%arg6 : memref<5000xf32, #tpu.memory_space<vmem>>) dst(%dma_wait3A_204 : memref<5000xf32, #tpu.memory_space<vmem_shared>>)
        tpu.yield
      }) : () -> ()
      %mul3A_125 = arith.constant 125000 : i32
      %mul3A_126 = arith.muli %arg1, %mul3A_125 : i32
      %add3A_127 = arith.constant 30000 : i32
      %add3A_128 = arith.addi %mul3A_126, %add3A_127 : i32
      "tpu.region"() ({
        %run_scoped3A = tpu.sem_alloc : memref<!tpu.dma_semaphore, #tpu.memory_space<semaphore_mem>>
        %dma_start3A_201 = tpu.memref_slice %arg2[%add3A_128] : memref<1000000xf32, #tpu.memory_space<hbm>> -> memref<5000xf32, #tpu.memory_space<hbm>>
        %dma_start3A_202 = tpu.memref_slice %arg2[%add3A_128] : memref<1000000xf32, #tpu.memory_space<hbm>> -> memref<5000xf32, #tpu.memory_space<hbm>>
        tpu.enqueue_dma source(%dma_start3A_202 : memref<5000xf32, #tpu.memory_space<hbm>>) target(%arg6 : memref<5000xf32, #tpu.memory_space<vmem>>) target_semaphore(%run_scoped3A : memref<!tpu.dma_semaphore, #tpu.memory_space<semaphore_mem>>)
        %dma_wait3A_203 = tpu.memref_slice %arg2[%add3A_128] : memref<1000000xf32, #tpu.memory_space<hbm>> -> memref<5000xf32, #tpu.memory_space<hbm>>
        %dma_wait3A_204 = tpu.memref_slice %arg2[%add3A_128] : memref<1000000xf32, #tpu.memory_space<hbm>> -> memref<5000xf32, #tpu.memory_space<hbm>>
        tpu.wait_dma2 semaphore(%run_scoped3A : memref<!tpu.dma_semaphore, #tpu.memory_space<semaphore_mem>>) src(%dma_wait3A_204 : memref<5000xf32, #tpu.memory_space<hbm>>) dst(%arg6 : memref<5000xf32, #tpu.memory_space<vmem>>)
        tpu.yield
      }) : () -> ()
      "tpu.region"() ({
        %run_scoped3A = tpu.sem_alloc : memref<!tpu.dma_semaphore, #tpu.memory_space<semaphore_mem>>
        %dma_start3A_201 = tpu.memref_slice %arg5[%add3A_128] : memref<1000000xf32, #tpu.memory_space<vmem_shared>> -> memref<5000xf32, #tpu.memory_space<vmem_shared>>
        %dma_start3A_202 = tpu.memref_slice %arg5[%add3A_128] : memref<1000000xf32, #tpu.memory_space<vmem_shared>> -> memref<5000xf32, #tpu.memory_space<vmem_shared>>
        tpu.enqueue_dma source(%arg6 : memref<5000xf32, #tpu.memory_space<vmem>>) target(%dma_start3A_202 : memref<5000xf32, #tpu.memory_space<vmem_shared>>) target_semaphore(%run_scoped3A : memref<!tpu.dma_semaphore, #tpu.memory_space<semaphore_mem>>)
        %dma_wait3A_203 = tpu.memref_slice %arg5[%add3A_128] : memref<1000000xf32, #tpu.memory_space<vmem_shared>> -> memref<5000xf32, #tpu.memory_space<vmem_shared>>
        %dma_wait3A_204 = tpu.memref_slice %arg5[%add3A_128] : memref<1000000xf32, #tpu.memory_space<vmem_shared>> -> memref<5000xf32, #tpu.memory_space<vmem_shared>>
        tpu.wait_dma2 semaphore(%run_scoped3A : memref<!tpu.dma_semaphore, #tpu.memory_space<semaphore_mem>>) src(%arg6 : memref<5000xf32, #tpu.memory_space<vmem>>) dst(%dma_wait3A_204 : memref<5000xf32, #tpu.memory_space<vmem_shared>>)
        tpu.yield
      }) : () -> ()
      %mul3A_129 = arith.constant 125000 : i32
      %mul3A_130 = arith.muli %arg1, %mul3A_129 : i32
      %add3A_131 = arith.constant 35000 : i32
      %add3A_132 = arith.addi %mul3A_130, %add3A_131 : i32
      "tpu.region"() ({
        %run_scoped3A = tpu.sem_alloc : memref<!tpu.dma_semaphore, #tpu.memory_space<semaphore_mem>>
        %dma_start3A_201 = tpu.memref_slice %arg2[%add3A_132] : memref<1000000xf32, #tpu.memory_space<hbm>> -> memref<5000xf32, #tpu.memory_space<hbm>>
        %dma_start3A_202 = tpu.memref_slice %arg2[%add3A_132] : memref<1000000xf32, #tpu.memory_space<hbm>> -> memref<5000xf32, #tpu.memory_space<hbm>>
        tpu.enqueue_dma source(%dma_start3A_202 : memref<5000xf32, #tpu.memory_space<hbm>>) target(%arg6 : memref<5000xf32, #tpu.memory_space<vmem>>) target_semaphore(%run_scoped3A : memref<!tpu.dma_semaphore, #tpu.memory_space<semaphore_mem>>)
        %dma_wait3A_203 = tpu.memref_slice %arg2[%add3A_132] : memref<1000000xf32, #tpu.memory_space<hbm>> -> memref<5000xf32, #tpu.memory_space<hbm>>
        %dma_wait3A_204 = tpu.memref_slice %arg2[%add3A_132] : memref<1000000xf32, #tpu.memory_space<hbm>> -> memref<5000xf32, #tpu.memory_space<hbm>>
        tpu.wait_dma2 semaphore(%run_scoped3A : memref<!tpu.dma_semaphore, #tpu.memory_space<semaphore_mem>>) src(%dma_wait3A_204 : memref<5000xf32, #tpu.memory_space<hbm>>) dst(%arg6 : memref<5000xf32, #tpu.memory_space<vmem>>)
        tpu.yield
      }) : () -> ()
      "tpu.region"() ({
        %run_scoped3A = tpu.sem_alloc : memref<!tpu.dma_semaphore, #tpu.memory_space<semaphore_mem>>
        %dma_start3A_201 = tpu.memref_slice %arg5[%add3A_132] : memref<1000000xf32, #tpu.memory_space<vmem_shared>> -> memref<5000xf32, #tpu.memory_space<vmem_shared>>
        %dma_start3A_202 = tpu.memref_slice %arg5[%add3A_132] : memref<1000000xf32, #tpu.memory_space<vmem_shared>> -> memref<5000xf32, #tpu.memory_space<vmem_shared>>
        tpu.enqueue_dma source(%arg6 : memref<5000xf32, #tpu.memory_space<vmem>>) target(%dma_start3A_202 : memref<5000xf32, #tpu.memory_space<vmem_shared>>) target_semaphore(%run_scoped3A : memref<!tpu.dma_semaphore, #tpu.memory_space<semaphore_mem>>)
        %dma_wait3A_203 = tpu.memref_slice %arg5[%add3A_132] : memref<1000000xf32, #tpu.memory_space<vmem_shared>> -> memref<5000xf32, #tpu.memory_space<vmem_shared>>
        %dma_wait3A_204 = tpu.memref_slice %arg5[%add3A_132] : memref<1000000xf32, #tpu.memory_space<vmem_shared>> -> memref<5000xf32, #tpu.memory_space<vmem_shared>>
        tpu.wait_dma2 semaphore(%run_scoped3A : memref<!tpu.dma_semaphore, #tpu.memory_space<semaphore_mem>>) src(%arg6 : memref<5000xf32, #tpu.memory_space<vmem>>) dst(%dma_wait3A_204 : memref<5000xf32, #tpu.memory_space<vmem_shared>>)
        tpu.yield
      }) : () -> ()
      %mul3A_133 = arith.constant 125000 : i32
      %mul3A_134 = arith.muli %arg1, %mul3A_133 : i32
      %add3A_135 = arith.constant 40000 : i32
      %add3A_136 = arith.addi %mul3A_134, %add3A_135 : i32
      "tpu.region"() ({
        %run_scoped3A = tpu.sem_alloc : memref<!tpu.dma_semaphore, #tpu.memory_space<semaphore_mem>>
        %dma_start3A_201 = tpu.memref_slice %arg2[%add3A_136] : memref<1000000xf32, #tpu.memory_space<hbm>> -> memref<5000xf32, #tpu.memory_space<hbm>>
        %dma_start3A_202 = tpu.memref_slice %arg2[%add3A_136] : memref<1000000xf32, #tpu.memory_space<hbm>> -> memref<5000xf32, #tpu.memory_space<hbm>>
        tpu.enqueue_dma source(%dma_start3A_202 : memref<5000xf32, #tpu.memory_space<hbm>>) target(%arg6 : memref<5000xf32, #tpu.memory_space<vmem>>) target_semaphore(%run_scoped3A : memref<!tpu.dma_semaphore, #tpu.memory_space<semaphore_mem>>)
        %dma_wait3A_203 = tpu.memref_slice %arg2[%add3A_136] : memref<1000000xf32, #tpu.memory_space<hbm>> -> memref<5000xf32, #tpu.memory_space<hbm>>
        %dma_wait3A_204 = tpu.memref_slice %arg2[%add3A_136] : memref<1000000xf32, #tpu.memory_space<hbm>> -> memref<5000xf32, #tpu.memory_space<hbm>>
        tpu.wait_dma2 semaphore(%run_scoped3A : memref<!tpu.dma_semaphore, #tpu.memory_space<semaphore_mem>>) src(%dma_wait3A_204 : memref<5000xf32, #tpu.memory_space<hbm>>) dst(%arg6 : memref<5000xf32, #tpu.memory_space<vmem>>)
        tpu.yield
      }) : () -> ()
      "tpu.region"() ({
        %run_scoped3A = tpu.sem_alloc : memref<!tpu.dma_semaphore, #tpu.memory_space<semaphore_mem>>
        %dma_start3A_201 = tpu.memref_slice %arg5[%add3A_136] : memref<1000000xf32, #tpu.memory_space<vmem_shared>> -> memref<5000xf32, #tpu.memory_space<vmem_shared>>
        %dma_start3A_202 = tpu.memref_slice %arg5[%add3A_136] : memref<1000000xf32, #tpu.memory_space<vmem_shared>> -> memref<5000xf32, #tpu.memory_space<vmem_shared>>
        tpu.enqueue_dma source(%arg6 : memref<5000xf32, #tpu.memory_space<vmem>>) target(%dma_start3A_202 : memref<5000xf32, #tpu.memory_space<vmem_shared>>) target_semaphore(%run_scoped3A : memref<!tpu.dma_semaphore, #tpu.memory_space<semaphore_mem>>)
        %dma_wait3A_203 = tpu.memref_slice %arg5[%add3A_136] : memref<1000000xf32, #tpu.memory_space<vmem_shared>> -> memref<5000xf32, #tpu.memory_space<vmem_shared>>
        %dma_wait3A_204 = tpu.memref_slice %arg5[%add3A_136] : memref<1000000xf32, #tpu.memory_space<vmem_shared>> -> memref<5000xf32, #tpu.memory_space<vmem_shared>>
        tpu.wait_dma2 semaphore(%run_scoped3A : memref<!tpu.dma_semaphore, #tpu.memory_space<semaphore_mem>>) src(%arg6 : memref<5000xf32, #tpu.memory_space<vmem>>) dst(%dma_wait3A_204 : memref<5000xf32, #tpu.memory_space<vmem_shared>>)
        tpu.yield
      }) : () -> ()
      %mul3A_137 = arith.constant 125000 : i32
      %mul3A_138 = arith.muli %arg1, %mul3A_137 : i32
      %add3A_139 = arith.constant 45000 : i32
      %add3A_140 = arith.addi %mul3A_138, %add3A_139 : i32
      "tpu.region"() ({
        %run_scoped3A = tpu.sem_alloc : memref<!tpu.dma_semaphore, #tpu.memory_space<semaphore_mem>>
        %dma_start3A_201 = tpu.memref_slice %arg2[%add3A_140] : memref<1000000xf32, #tpu.memory_space<hbm>> -> memref<5000xf32, #tpu.memory_space<hbm>>
        %dma_start3A_202 = tpu.memref_slice %arg2[%add3A_140] : memref<1000000xf32, #tpu.memory_space<hbm>> -> memref<5000xf32, #tpu.memory_space<hbm>>
        tpu.enqueue_dma source(%dma_start3A_202 : memref<5000xf32, #tpu.memory_space<hbm>>) target(%arg6 : memref<5000xf32, #tpu.memory_space<vmem>>) target_semaphore(%run_scoped3A : memref<!tpu.dma_semaphore, #tpu.memory_space<semaphore_mem>>)
        %dma_wait3A_203 = tpu.memref_slice %arg2[%add3A_140] : memref<1000000xf32, #tpu.memory_space<hbm>> -> memref<5000xf32, #tpu.memory_space<hbm>>
        %dma_wait3A_204 = tpu.memref_slice %arg2[%add3A_140] : memref<1000000xf32, #tpu.memory_space<hbm>> -> memref<5000xf32, #tpu.memory_space<hbm>>
        tpu.wait_dma2 semaphore(%run_scoped3A : memref<!tpu.dma_semaphore, #tpu.memory_space<semaphore_mem>>) src(%dma_wait3A_204 : memref<5000xf32, #tpu.memory_space<hbm>>) dst(%arg6 : memref<5000xf32, #tpu.memory_space<vmem>>)
        tpu.yield
      }) : () -> ()
      "tpu.region"() ({
        %run_scoped3A = tpu.sem_alloc : memref<!tpu.dma_semaphore, #tpu.memory_space<semaphore_mem>>
        %dma_start3A_201 = tpu.memref_slice %arg5[%add3A_140] : memref<1000000xf32, #tpu.memory_space<vmem_shared>> -> memref<5000xf32, #tpu.memory_space<vmem_shared>>
        %dma_start3A_202 = tpu.memref_slice %arg5[%add3A_140] : memref<1000000xf32, #tpu.memory_space<vmem_shared>> -> memref<5000xf32, #tpu.memory_space<vmem_shared>>
        tpu.enqueue_dma source(%arg6 : memref<5000xf32, #tpu.memory_space<vmem>>) target(%dma_start3A_202 : memref<5000xf32, #tpu.memory_space<vmem_shared>>) target_semaphore(%run_scoped3A : memref<!tpu.dma_semaphore, #tpu.memory_space<semaphore_mem>>)
        %dma_wait3A_203 = tpu.memref_slice %arg5[%add3A_140] : memref<1000000xf32, #tpu.memory_space<vmem_shared>> -> memref<5000xf32, #tpu.memory_space<vmem_shared>>
        %dma_wait3A_204 = tpu.memref_slice %arg5[%add3A_140] : memref<1000000xf32, #tpu.memory_space<vmem_shared>> -> memref<5000xf32, #tpu.memory_space<vmem_shared>>
        tpu.wait_dma2 semaphore(%run_scoped3A : memref<!tpu.dma_semaphore, #tpu.memory_space<semaphore_mem>>) src(%arg6 : memref<5000xf32, #tpu.memory_space<vmem>>) dst(%dma_wait3A_204 : memref<5000xf32, #tpu.memory_space<vmem_shared>>)
        tpu.yield
      }) : () -> ()
      %mul3A_141 = arith.constant 125000 : i32
      %mul3A_142 = arith.muli %arg1, %mul3A_141 : i32
      %add3A_143 = arith.constant 50000 : i32
      %add3A_144 = arith.addi %mul3A_142, %add3A_143 : i32
      "tpu.region"() ({
        %run_scoped3A = tpu.sem_alloc : memref<!tpu.dma_semaphore, #tpu.memory_space<semaphore_mem>>
        %dma_start3A_201 = tpu.memref_slice %arg2[%add3A_144] : memref<1000000xf32, #tpu.memory_space<hbm>> -> memref<5000xf32, #tpu.memory_space<hbm>>
        %dma_start3A_202 = tpu.memref_slice %arg2[%add3A_144] : memref<1000000xf32, #tpu.memory_space<hbm>> -> memref<5000xf32, #tpu.memory_space<hbm>>
        tpu.enqueue_dma source(%dma_start3A_202 : memref<5000xf32, #tpu.memory_space<hbm>>) target(%arg6 : memref<5000xf32, #tpu.memory_space<vmem>>) target_semaphore(%run_scoped3A : memref<!tpu.dma_semaphore, #tpu.memory_space<semaphore_mem>>)
        %dma_wait3A_203 = tpu.memref_slice %arg2[%add3A_144] : memref<1000000xf32, #tpu.memory_space<hbm>> -> memref<5000xf32, #tpu.memory_space<hbm>>
        %dma_wait3A_204 = tpu.memref_slice %arg2[%add3A_144] : memref<1000000xf32, #tpu.memory_space<hbm>> -> memref<5000xf32, #tpu.memory_space<hbm>>
        tpu.wait_dma2 semaphore(%run_scoped3A : memref<!tpu.dma_semaphore, #tpu.memory_space<semaphore_mem>>) src(%dma_wait3A_204 : memref<5000xf32, #tpu.memory_space<hbm>>) dst(%arg6 : memref<5000xf32, #tpu.memory_space<vmem>>)
        tpu.yield
      }) : () -> ()
      "tpu.region"() ({
        %run_scoped3A = tpu.sem_alloc : memref<!tpu.dma_semaphore, #tpu.memory_space<semaphore_mem>>
        %dma_start3A_201 = tpu.memref_slice %arg5[%add3A_144] : memref<1000000xf32, #tpu.memory_space<vmem_shared>> -> memref<5000xf32, #tpu.memory_space<vmem_shared>>
        %dma_start3A_202 = tpu.memref_slice %arg5[%add3A_144] : memref<1000000xf32, #tpu.memory_space<vmem_shared>> -> memref<5000xf32, #tpu.memory_space<vmem_shared>>
        tpu.enqueue_dma source(%arg6 : memref<5000xf32, #tpu.memory_space<vmem>>) target(%dma_start3A_202 : memref<5000xf32, #tpu.memory_space<vmem_shared>>) target_semaphore(%run_scoped3A : memref<!tpu.dma_semaphore, #tpu.memory_space<semaphore_mem>>)
        %dma_wait3A_203 = tpu.memref_slice %arg5[%add3A_144] : memref<1000000xf32, #tpu.memory_space<vmem_shared>> -> memref<5000xf32, #tpu.memory_space<vmem_shared>>
        %dma_wait3A_204 = tpu.memref_slice %arg5[%add3A_144] : memref<1000000xf32, #tpu.memory_space<vmem_shared>> -> memref<5000xf32, #tpu.memory_space<vmem_shared>>
        tpu.wait_dma2 semaphore(%run_scoped3A : memref<!tpu.dma_semaphore, #tpu.memory_space<semaphore_mem>>) src(%arg6 : memref<5000xf32, #tpu.memory_space<vmem>>) dst(%dma_wait3A_204 : memref<5000xf32, #tpu.memory_space<vmem_shared>>)
        tpu.yield
      }) : () -> ()
      %mul3A_145 = arith.constant 125000 : i32
      %mul3A_146 = arith.muli %arg1, %mul3A_145 : i32
      %add3A_147 = arith.constant 55000 : i32
      %add3A_148 = arith.addi %mul3A_146, %add3A_147 : i32
      "tpu.region"() ({
        %run_scoped3A = tpu.sem_alloc : memref<!tpu.dma_semaphore, #tpu.memory_space<semaphore_mem>>
        %dma_start3A_201 = tpu.memref_slice %arg2[%add3A_148] : memref<1000000xf32, #tpu.memory_space<hbm>> -> memref<5000xf32, #tpu.memory_space<hbm>>
        %dma_start3A_202 = tpu.memref_slice %arg2[%add3A_148] : memref<1000000xf32, #tpu.memory_space<hbm>> -> memref<5000xf32, #tpu.memory_space<hbm>>
        tpu.enqueue_dma source(%dma_start3A_202 : memref<5000xf32, #tpu.memory_space<hbm>>) target(%arg6 : memref<5000xf32, #tpu.memory_space<vmem>>) target_semaphore(%run_scoped3A : memref<!tpu.dma_semaphore, #tpu.memory_space<semaphore_mem>>)
        %dma_wait3A_203 = tpu.memref_slice %arg2[%add3A_148] : memref<1000000xf32, #tpu.memory_space<hbm>> -> memref<5000xf32, #tpu.memory_space<hbm>>
        %dma_wait3A_204 = tpu.memref_slice %arg2[%add3A_148] : memref<1000000xf32, #tpu.memory_space<hbm>> -> memref<5000xf32, #tpu.memory_space<hbm>>
        tpu.wait_dma2 semaphore(%run_scoped3A : memref<!tpu.dma_semaphore, #tpu.memory_space<semaphore_mem>>) src(%dma_wait3A_204 : memref<5000xf32, #tpu.memory_space<hbm>>) dst(%arg6 : memref<5000xf32, #tpu.memory_space<vmem>>)
        tpu.yield
      }) : () -> ()
      "tpu.region"() ({
        %run_scoped3A = tpu.sem_alloc : memref<!tpu.dma_semaphore, #tpu.memory_space<semaphore_mem>>
        %dma_start3A_201 = tpu.memref_slice %arg5[%add3A_148] : memref<1000000xf32, #tpu.memory_space<vmem_shared>> -> memref<5000xf32, #tpu.memory_space<vmem_shared>>
        %dma_start3A_202 = tpu.memref_slice %arg5[%add3A_148] : memref<1000000xf32, #tpu.memory_space<vmem_shared>> -> memref<5000xf32, #tpu.memory_space<vmem_shared>>
        tpu.enqueue_dma source(%arg6 : memref<5000xf32, #tpu.memory_space<vmem>>) target(%dma_start3A_202 : memref<5000xf32, #tpu.memory_space<vmem_shared>>) target_semaphore(%run_scoped3A : memref<!tpu.dma_semaphore, #tpu.memory_space<semaphore_mem>>)
        %dma_wait3A_203 = tpu.memref_slice %arg5[%add3A_148] : memref<1000000xf32, #tpu.memory_space<vmem_shared>> -> memref<5000xf32, #tpu.memory_space<vmem_shared>>
        %dma_wait3A_204 = tpu.memref_slice %arg5[%add3A_148] : memref<1000000xf32, #tpu.memory_space<vmem_shared>> -> memref<5000xf32, #tpu.memory_space<vmem_shared>>
        tpu.wait_dma2 semaphore(%run_scoped3A : memref<!tpu.dma_semaphore, #tpu.memory_space<semaphore_mem>>) src(%arg6 : memref<5000xf32, #tpu.memory_space<vmem>>) dst(%dma_wait3A_204 : memref<5000xf32, #tpu.memory_space<vmem_shared>>)
        tpu.yield
      }) : () -> ()
      %mul3A_149 = arith.constant 125000 : i32
      %mul3A_150 = arith.muli %arg1, %mul3A_149 : i32
      %add3A_151 = arith.constant 60000 : i32
      %add3A_152 = arith.addi %mul3A_150, %add3A_151 : i32
      "tpu.region"() ({
        %run_scoped3A = tpu.sem_alloc : memref<!tpu.dma_semaphore, #tpu.memory_space<semaphore_mem>>
        %dma_start3A_201 = tpu.memref_slice %arg2[%add3A_152] : memref<1000000xf32, #tpu.memory_space<hbm>> -> memref<5000xf32, #tpu.memory_space<hbm>>
        %dma_start3A_202 = tpu.memref_slice %arg2[%add3A_152] : memref<1000000xf32, #tpu.memory_space<hbm>> -> memref<5000xf32, #tpu.memory_space<hbm>>
        tpu.enqueue_dma source(%dma_start3A_202 : memref<5000xf32, #tpu.memory_space<hbm>>) target(%arg6 : memref<5000xf32, #tpu.memory_space<vmem>>) target_semaphore(%run_scoped3A : memref<!tpu.dma_semaphore, #tpu.memory_space<semaphore_mem>>)
        %dma_wait3A_203 = tpu.memref_slice %arg2[%add3A_152] : memref<1000000xf32, #tpu.memory_space<hbm>> -> memref<5000xf32, #tpu.memory_space<hbm>>
        %dma_wait3A_204 = tpu.memref_slice %arg2[%add3A_152] : memref<1000000xf32, #tpu.memory_space<hbm>> -> memref<5000xf32, #tpu.memory_space<hbm>>
        tpu.wait_dma2 semaphore(%run_scoped3A : memref<!tpu.dma_semaphore, #tpu.memory_space<semaphore_mem>>) src(%dma_wait3A_204 : memref<5000xf32, #tpu.memory_space<hbm>>) dst(%arg6 : memref<5000xf32, #tpu.memory_space<vmem>>)
        tpu.yield
      }) : () -> ()
      "tpu.region"() ({
        %run_scoped3A = tpu.sem_alloc : memref<!tpu.dma_semaphore, #tpu.memory_space<semaphore_mem>>
        %dma_start3A_201 = tpu.memref_slice %arg5[%add3A_152] : memref<1000000xf32, #tpu.memory_space<vmem_shared>> -> memref<5000xf32, #tpu.memory_space<vmem_shared>>
        %dma_start3A_202 = tpu.memref_slice %arg5[%add3A_152] : memref<1000000xf32, #tpu.memory_space<vmem_shared>> -> memref<5000xf32, #tpu.memory_space<vmem_shared>>
        tpu.enqueue_dma source(%arg6 : memref<5000xf32, #tpu.memory_space<vmem>>) target(%dma_start3A_202 : memref<5000xf32, #tpu.memory_space<vmem_shared>>) target_semaphore(%run_scoped3A : memref<!tpu.dma_semaphore, #tpu.memory_space<semaphore_mem>>)
        %dma_wait3A_203 = tpu.memref_slice %arg5[%add3A_152] : memref<1000000xf32, #tpu.memory_space<vmem_shared>> -> memref<5000xf32, #tpu.memory_space<vmem_shared>>
        %dma_wait3A_204 = tpu.memref_slice %arg5[%add3A_152] : memref<1000000xf32, #tpu.memory_space<vmem_shared>> -> memref<5000xf32, #tpu.memory_space<vmem_shared>>
        tpu.wait_dma2 semaphore(%run_scoped3A : memref<!tpu.dma_semaphore, #tpu.memory_space<semaphore_mem>>) src(%arg6 : memref<5000xf32, #tpu.memory_space<vmem>>) dst(%dma_wait3A_204 : memref<5000xf32, #tpu.memory_space<vmem_shared>>)
        tpu.yield
      }) : () -> ()
      %mul3A_153 = arith.constant 125000 : i32
      %mul3A_154 = arith.muli %arg1, %mul3A_153 : i32
      %add3A_155 = arith.constant 65000 : i32
      %add3A_156 = arith.addi %mul3A_154, %add3A_155 : i32
      "tpu.region"() ({
        %run_scoped3A = tpu.sem_alloc : memref<!tpu.dma_semaphore, #tpu.memory_space<semaphore_mem>>
        %dma_start3A_201 = tpu.memref_slice %arg2[%add3A_156] : memref<1000000xf32, #tpu.memory_space<hbm>> -> memref<5000xf32, #tpu.memory_space<hbm>>
        %dma_start3A_202 = tpu.memref_slice %arg2[%add3A_156] : memref<1000000xf32, #tpu.memory_space<hbm>> -> memref<5000xf32, #tpu.memory_space<hbm>>
        tpu.enqueue_dma source(%dma_start3A_202 : memref<5000xf32, #tpu.memory_space<hbm>>) target(%arg6 : memref<5000xf32, #tpu.memory_space<vmem>>) target_semaphore(%run_scoped3A : memref<!tpu.dma_semaphore, #tpu.memory_space<semaphore_mem>>)
        %dma_wait3A_203 = tpu.memref_slice %arg2[%add3A_156] : memref<1000000xf32, #tpu.memory_space<hbm>> -> memref<5000xf32, #tpu.memory_space<hbm>>
        %dma_wait3A_204 = tpu.memref_slice %arg2[%add3A_156] : memref<1000000xf32, #tpu.memory_space<hbm>> -> memref<5000xf32, #tpu.memory_space<hbm>>
        tpu.wait_dma2 semaphore(%run_scoped3A : memref<!tpu.dma_semaphore, #tpu.memory_space<semaphore_mem>>) src(%dma_wait3A_204 : memref<5000xf32, #tpu.memory_space<hbm>>) dst(%arg6 : memref<5000xf32, #tpu.memory_space<vmem>>)
        tpu.yield
      }) : () -> ()
      "tpu.region"() ({
        %run_scoped3A = tpu.sem_alloc : memref<!tpu.dma_semaphore, #tpu.memory_space<semaphore_mem>>
        %dma_start3A_201 = tpu.memref_slice %arg5[%add3A_156] : memref<1000000xf32, #tpu.memory_space<vmem_shared>> -> memref<5000xf32, #tpu.memory_space<vmem_shared>>
        %dma_start3A_202 = tpu.memref_slice %arg5[%add3A_156] : memref<1000000xf32, #tpu.memory_space<vmem_shared>> -> memref<5000xf32, #tpu.memory_space<vmem_shared>>
        tpu.enqueue_dma source(%arg6 : memref<5000xf32, #tpu.memory_space<vmem>>) target(%dma_start3A_202 : memref<5000xf32, #tpu.memory_space<vmem_shared>>) target_semaphore(%run_scoped3A : memref<!tpu.dma_semaphore, #tpu.memory_space<semaphore_mem>>)
        %dma_wait3A_203 = tpu.memref_slice %arg5[%add3A_156] : memref<1000000xf32, #tpu.memory_space<vmem_shared>> -> memref<5000xf32, #tpu.memory_space<vmem_shared>>
        %dma_wait3A_204 = tpu.memref_slice %arg5[%add3A_156] : memref<1000000xf32, #tpu.memory_space<vmem_shared>> -> memref<5000xf32, #tpu.memory_space<vmem_shared>>
        tpu.wait_dma2 semaphore(%run_scoped3A : memref<!tpu.dma_semaphore, #tpu.memory_space<semaphore_mem>>) src(%arg6 : memref<5000xf32, #tpu.memory_space<vmem>>) dst(%dma_wait3A_204 : memref<5000xf32, #tpu.memory_space<vmem_shared>>)
        tpu.yield
      }) : () -> ()
      %mul3A_157 = arith.constant 125000 : i32
      %mul3A_158 = arith.muli %arg1, %mul3A_157 : i32
      %add3A_159 = arith.constant 70000 : i32
      %add3A_160 = arith.addi %mul3A_158, %add3A_159 : i32
      "tpu.region"() ({
        %run_scoped3A = tpu.sem_alloc : memref<!tpu.dma_semaphore, #tpu.memory_space<semaphore_mem>>
        %dma_start3A_201 = tpu.memref_slice %arg2[%add3A_160] : memref<1000000xf32, #tpu.memory_space<hbm>> -> memref<5000xf32, #tpu.memory_space<hbm>>
        %dma_start3A_202 = tpu.memref_slice %arg2[%add3A_160] : memref<1000000xf32, #tpu.memory_space<hbm>> -> memref<5000xf32, #tpu.memory_space<hbm>>
        tpu.enqueue_dma source(%dma_start3A_202 : memref<5000xf32, #tpu.memory_space<hbm>>) target(%arg6 : memref<5000xf32, #tpu.memory_space<vmem>>) target_semaphore(%run_scoped3A : memref<!tpu.dma_semaphore, #tpu.memory_space<semaphore_mem>>)
        %dma_wait3A_203 = tpu.memref_slice %arg2[%add3A_160] : memref<1000000xf32, #tpu.memory_space<hbm>> -> memref<5000xf32, #tpu.memory_space<hbm>>
        %dma_wait3A_204 = tpu.memref_slice %arg2[%add3A_160] : memref<1000000xf32, #tpu.memory_space<hbm>> -> memref<5000xf32, #tpu.memory_space<hbm>>
        tpu.wait_dma2 semaphore(%run_scoped3A : memref<!tpu.dma_semaphore, #tpu.memory_space<semaphore_mem>>) src(%dma_wait3A_204 : memref<5000xf32, #tpu.memory_space<hbm>>) dst(%arg6 : memref<5000xf32, #tpu.memory_space<vmem>>)
        tpu.yield
      }) : () -> ()
      "tpu.region"() ({
        %run_scoped3A = tpu.sem_alloc : memref<!tpu.dma_semaphore, #tpu.memory_space<semaphore_mem>>
        %dma_start3A_201 = tpu.memref_slice %arg5[%add3A_160] : memref<1000000xf32, #tpu.memory_space<vmem_shared>> -> memref<5000xf32, #tpu.memory_space<vmem_shared>>
        %dma_start3A_202 = tpu.memref_slice %arg5[%add3A_160] : memref<1000000xf32, #tpu.memory_space<vmem_shared>> -> memref<5000xf32, #tpu.memory_space<vmem_shared>>
        tpu.enqueue_dma source(%arg6 : memref<5000xf32, #tpu.memory_space<vmem>>) target(%dma_start3A_202 : memref<5000xf32, #tpu.memory_space<vmem_shared>>) target_semaphore(%run_scoped3A : memref<!tpu.dma_semaphore, #tpu.memory_space<semaphore_mem>>)
        %dma_wait3A_203 = tpu.memref_slice %arg5[%add3A_160] : memref<1000000xf32, #tpu.memory_space<vmem_shared>> -> memref<5000xf32, #tpu.memory_space<vmem_shared>>
        %dma_wait3A_204 = tpu.memref_slice %arg5[%add3A_160] : memref<1000000xf32, #tpu.memory_space<vmem_shared>> -> memref<5000xf32, #tpu.memory_space<vmem_shared>>
        tpu.wait_dma2 semaphore(%run_scoped3A : memref<!tpu.dma_semaphore, #tpu.memory_space<semaphore_mem>>) src(%arg6 : memref<5000xf32, #tpu.memory_space<vmem>>) dst(%dma_wait3A_204 : memref<5000xf32, #tpu.memory_space<vmem_shared>>)
        tpu.yield
      }) : () -> ()
      %mul3A_161 = arith.constant 125000 : i32
      %mul3A_162 = arith.muli %arg1, %mul3A_161 : i32
      %add3A_163 = arith.constant 75000 : i32
      %add3A_164 = arith.addi %mul3A_162, %add3A_163 : i32
      "tpu.region"() ({
        %run_scoped3A = tpu.sem_alloc : memref<!tpu.dma_semaphore, #tpu.memory_space<semaphore_mem>>
        %dma_start3A_201 = tpu.memref_slice %arg2[%add3A_164] : memref<1000000xf32, #tpu.memory_space<hbm>> -> memref<5000xf32, #tpu.memory_space<hbm>>
        %dma_start3A_202 = tpu.memref_slice %arg2[%add3A_164] : memref<1000000xf32, #tpu.memory_space<hbm>> -> memref<5000xf32, #tpu.memory_space<hbm>>
        tpu.enqueue_dma source(%dma_start3A_202 : memref<5000xf32, #tpu.memory_space<hbm>>) target(%arg6 : memref<5000xf32, #tpu.memory_space<vmem>>) target_semaphore(%run_scoped3A : memref<!tpu.dma_semaphore, #tpu.memory_space<semaphore_mem>>)
        %dma_wait3A_203 = tpu.memref_slice %arg2[%add3A_164] : memref<1000000xf32, #tpu.memory_space<hbm>> -> memref<5000xf32, #tpu.memory_space<hbm>>
        %dma_wait3A_204 = tpu.memref_slice %arg2[%add3A_164] : memref<1000000xf32, #tpu.memory_space<hbm>> -> memref<5000xf32, #tpu.memory_space<hbm>>
        tpu.wait_dma2 semaphore(%run_scoped3A : memref<!tpu.dma_semaphore, #tpu.memory_space<semaphore_mem>>) src(%dma_wait3A_204 : memref<5000xf32, #tpu.memory_space<hbm>>) dst(%arg6 : memref<5000xf32, #tpu.memory_space<vmem>>)
        tpu.yield
      }) : () -> ()
      "tpu.region"() ({
        %run_scoped3A = tpu.sem_alloc : memref<!tpu.dma_semaphore, #tpu.memory_space<semaphore_mem>>
        %dma_start3A_201 = tpu.memref_slice %arg5[%add3A_164] : memref<1000000xf32, #tpu.memory_space<vmem_shared>> -> memref<5000xf32, #tpu.memory_space<vmem_shared>>
        %dma_start3A_202 = tpu.memref_slice %arg5[%add3A_164] : memref<1000000xf32, #tpu.memory_space<vmem_shared>> -> memref<5000xf32, #tpu.memory_space<vmem_shared>>
        tpu.enqueue_dma source(%arg6 : memref<5000xf32, #tpu.memory_space<vmem>>) target(%dma_start3A_202 : memref<5000xf32, #tpu.memory_space<vmem_shared>>) target_semaphore(%run_scoped3A : memref<!tpu.dma_semaphore, #tpu.memory_space<semaphore_mem>>)
        %dma_wait3A_203 = tpu.memref_slice %arg5[%add3A_164] : memref<1000000xf32, #tpu.memory_space<vmem_shared>> -> memref<5000xf32, #tpu.memory_space<vmem_shared>>
        %dma_wait3A_204 = tpu.memref_slice %arg5[%add3A_164] : memref<1000000xf32, #tpu.memory_space<vmem_shared>> -> memref<5000xf32, #tpu.memory_space<vmem_shared>>
        tpu.wait_dma2 semaphore(%run_scoped3A : memref<!tpu.dma_semaphore, #tpu.memory_space<semaphore_mem>>) src(%arg6 : memref<5000xf32, #tpu.memory_space<vmem>>) dst(%dma_wait3A_204 : memref<5000xf32, #tpu.memory_space<vmem_shared>>)
        tpu.yield
      }) : () -> ()
      %mul3A_165 = arith.constant 125000 : i32
      %mul3A_166 = arith.muli %arg1, %mul3A_165 : i32
      %add3A_167 = arith.constant 80000 : i32
      %add3A_168 = arith.addi %mul3A_166, %add3A_167 : i32
      "tpu.region"() ({
        %run_scoped3A = tpu.sem_alloc : memref<!tpu.dma_semaphore, #tpu.memory_space<semaphore_mem>>
        %dma_start3A_201 = tpu.memref_slice %arg2[%add3A_168] : memref<1000000xf32, #tpu.memory_space<hbm>> -> memref<5000xf32, #tpu.memory_space<hbm>>
        %dma_start3A_202 = tpu.memref_slice %arg2[%add3A_168] : memref<1000000xf32, #tpu.memory_space<hbm>> -> memref<5000xf32, #tpu.memory_space<hbm>>
        tpu.enqueue_dma source(%dma_start3A_202 : memref<5000xf32, #tpu.memory_space<hbm>>) target(%arg6 : memref<5000xf32, #tpu.memory_space<vmem>>) target_semaphore(%run_scoped3A : memref<!tpu.dma_semaphore, #tpu.memory_space<semaphore_mem>>)
        %dma_wait3A_203 = tpu.memref_slice %arg2[%add3A_168] : memref<1000000xf32, #tpu.memory_space<hbm>> -> memref<5000xf32, #tpu.memory_space<hbm>>
        %dma_wait3A_204 = tpu.memref_slice %arg2[%add3A_168] : memref<1000000xf32, #tpu.memory_space<hbm>> -> memref<5000xf32, #tpu.memory_space<hbm>>
        tpu.wait_dma2 semaphore(%run_scoped3A : memref<!tpu.dma_semaphore, #tpu.memory_space<semaphore_mem>>) src(%dma_wait3A_204 : memref<5000xf32, #tpu.memory_space<hbm>>) dst(%arg6 : memref<5000xf32, #tpu.memory_space<vmem>>)
        tpu.yield
      }) : () -> ()
      "tpu.region"() ({
        %run_scoped3A = tpu.sem_alloc : memref<!tpu.dma_semaphore, #tpu.memory_space<semaphore_mem>>
        %dma_start3A_201 = tpu.memref_slice %arg5[%add3A_168] : memref<1000000xf32, #tpu.memory_space<vmem_shared>> -> memref<5000xf32, #tpu.memory_space<vmem_shared>>
        %dma_start3A_202 = tpu.memref_slice %arg5[%add3A_168] : memref<1000000xf32, #tpu.memory_space<vmem_shared>> -> memref<5000xf32, #tpu.memory_space<vmem_shared>>
        tpu.enqueue_dma source(%arg6 : memref<5000xf32, #tpu.memory_space<vmem>>) target(%dma_start3A_202 : memref<5000xf32, #tpu.memory_space<vmem_shared>>) target_semaphore(%run_scoped3A : memref<!tpu.dma_semaphore, #tpu.memory_space<semaphore_mem>>)
        %dma_wait3A_203 = tpu.memref_slice %arg5[%add3A_168] : memref<1000000xf32, #tpu.memory_space<vmem_shared>> -> memref<5000xf32, #tpu.memory_space<vmem_shared>>
        %dma_wait3A_204 = tpu.memref_slice %arg5[%add3A_168] : memref<1000000xf32, #tpu.memory_space<vmem_shared>> -> memref<5000xf32, #tpu.memory_space<vmem_shared>>
        tpu.wait_dma2 semaphore(%run_scoped3A : memref<!tpu.dma_semaphore, #tpu.memory_space<semaphore_mem>>) src(%arg6 : memref<5000xf32, #tpu.memory_space<vmem>>) dst(%dma_wait3A_204 : memref<5000xf32, #tpu.memory_space<vmem_shared>>)
        tpu.yield
      }) : () -> ()
      %mul3A_169 = arith.constant 125000 : i32
      %mul3A_170 = arith.muli %arg1, %mul3A_169 : i32
      %add3A_171 = arith.constant 85000 : i32
      %add3A_172 = arith.addi %mul3A_170, %add3A_171 : i32
      "tpu.region"() ({
        %run_scoped3A = tpu.sem_alloc : memref<!tpu.dma_semaphore, #tpu.memory_space<semaphore_mem>>
        %dma_start3A_201 = tpu.memref_slice %arg2[%add3A_172] : memref<1000000xf32, #tpu.memory_space<hbm>> -> memref<5000xf32, #tpu.memory_space<hbm>>
        %dma_start3A_202 = tpu.memref_slice %arg2[%add3A_172] : memref<1000000xf32, #tpu.memory_space<hbm>> -> memref<5000xf32, #tpu.memory_space<hbm>>
        tpu.enqueue_dma source(%dma_start3A_202 : memref<5000xf32, #tpu.memory_space<hbm>>) target(%arg6 : memref<5000xf32, #tpu.memory_space<vmem>>) target_semaphore(%run_scoped3A : memref<!tpu.dma_semaphore, #tpu.memory_space<semaphore_mem>>)
        %dma_wait3A_203 = tpu.memref_slice %arg2[%add3A_172] : memref<1000000xf32, #tpu.memory_space<hbm>> -> memref<5000xf32, #tpu.memory_space<hbm>>
        %dma_wait3A_204 = tpu.memref_slice %arg2[%add3A_172] : memref<1000000xf32, #tpu.memory_space<hbm>> -> memref<5000xf32, #tpu.memory_space<hbm>>
        tpu.wait_dma2 semaphore(%run_scoped3A : memref<!tpu.dma_semaphore, #tpu.memory_space<semaphore_mem>>) src(%dma_wait3A_204 : memref<5000xf32, #tpu.memory_space<hbm>>) dst(%arg6 : memref<5000xf32, #tpu.memory_space<vmem>>)
        tpu.yield
      }) : () -> ()
      "tpu.region"() ({
        %run_scoped3A = tpu.sem_alloc : memref<!tpu.dma_semaphore, #tpu.memory_space<semaphore_mem>>
        %dma_start3A_201 = tpu.memref_slice %arg5[%add3A_172] : memref<1000000xf32, #tpu.memory_space<vmem_shared>> -> memref<5000xf32, #tpu.memory_space<vmem_shared>>
        %dma_start3A_202 = tpu.memref_slice %arg5[%add3A_172] : memref<1000000xf32, #tpu.memory_space<vmem_shared>> -> memref<5000xf32, #tpu.memory_space<vmem_shared>>
        tpu.enqueue_dma source(%arg6 : memref<5000xf32, #tpu.memory_space<vmem>>) target(%dma_start3A_202 : memref<5000xf32, #tpu.memory_space<vmem_shared>>) target_semaphore(%run_scoped3A : memref<!tpu.dma_semaphore, #tpu.memory_space<semaphore_mem>>)
        %dma_wait3A_203 = tpu.memref_slice %arg5[%add3A_172] : memref<1000000xf32, #tpu.memory_space<vmem_shared>> -> memref<5000xf32, #tpu.memory_space<vmem_shared>>
        %dma_wait3A_204 = tpu.memref_slice %arg5[%add3A_172] : memref<1000000xf32, #tpu.memory_space<vmem_shared>> -> memref<5000xf32, #tpu.memory_space<vmem_shared>>
        tpu.wait_dma2 semaphore(%run_scoped3A : memref<!tpu.dma_semaphore, #tpu.memory_space<semaphore_mem>>) src(%arg6 : memref<5000xf32, #tpu.memory_space<vmem>>) dst(%dma_wait3A_204 : memref<5000xf32, #tpu.memory_space<vmem_shared>>)
        tpu.yield
      }) : () -> ()
      %mul3A_173 = arith.constant 125000 : i32
      %mul3A_174 = arith.muli %arg1, %mul3A_173 : i32
      %add3A_175 = arith.constant 90000 : i32
      %add3A_176 = arith.addi %mul3A_174, %add3A_175 : i32
      "tpu.region"() ({
        %run_scoped3A = tpu.sem_alloc : memref<!tpu.dma_semaphore, #tpu.memory_space<semaphore_mem>>
        %dma_start3A_201 = tpu.memref_slice %arg2[%add3A_176] : memref<1000000xf32, #tpu.memory_space<hbm>> -> memref<5000xf32, #tpu.memory_space<hbm>>
        %dma_start3A_202 = tpu.memref_slice %arg2[%add3A_176] : memref<1000000xf32, #tpu.memory_space<hbm>> -> memref<5000xf32, #tpu.memory_space<hbm>>
        tpu.enqueue_dma source(%dma_start3A_202 : memref<5000xf32, #tpu.memory_space<hbm>>) target(%arg6 : memref<5000xf32, #tpu.memory_space<vmem>>) target_semaphore(%run_scoped3A : memref<!tpu.dma_semaphore, #tpu.memory_space<semaphore_mem>>)
        %dma_wait3A_203 = tpu.memref_slice %arg2[%add3A_176] : memref<1000000xf32, #tpu.memory_space<hbm>> -> memref<5000xf32, #tpu.memory_space<hbm>>
        %dma_wait3A_204 = tpu.memref_slice %arg2[%add3A_176] : memref<1000000xf32, #tpu.memory_space<hbm>> -> memref<5000xf32, #tpu.memory_space<hbm>>
        tpu.wait_dma2 semaphore(%run_scoped3A : memref<!tpu.dma_semaphore, #tpu.memory_space<semaphore_mem>>) src(%dma_wait3A_204 : memref<5000xf32, #tpu.memory_space<hbm>>) dst(%arg6 : memref<5000xf32, #tpu.memory_space<vmem>>)
        tpu.yield
      }) : () -> ()
      "tpu.region"() ({
        %run_scoped3A = tpu.sem_alloc : memref<!tpu.dma_semaphore, #tpu.memory_space<semaphore_mem>>
        %dma_start3A_201 = tpu.memref_slice %arg5[%add3A_176] : memref<1000000xf32, #tpu.memory_space<vmem_shared>> -> memref<5000xf32, #tpu.memory_space<vmem_shared>>
        %dma_start3A_202 = tpu.memref_slice %arg5[%add3A_176] : memref<1000000xf32, #tpu.memory_space<vmem_shared>> -> memref<5000xf32, #tpu.memory_space<vmem_shared>>
        tpu.enqueue_dma source(%arg6 : memref<5000xf32, #tpu.memory_space<vmem>>) target(%dma_start3A_202 : memref<5000xf32, #tpu.memory_space<vmem_shared>>) target_semaphore(%run_scoped3A : memref<!tpu.dma_semaphore, #tpu.memory_space<semaphore_mem>>)
        %dma_wait3A_203 = tpu.memref_slice %arg5[%add3A_176] : memref<1000000xf32, #tpu.memory_space<vmem_shared>> -> memref<5000xf32, #tpu.memory_space<vmem_shared>>
        %dma_wait3A_204 = tpu.memref_slice %arg5[%add3A_176] : memref<1000000xf32, #tpu.memory_space<vmem_shared>> -> memref<5000xf32, #tpu.memory_space<vmem_shared>>
        tpu.wait_dma2 semaphore(%run_scoped3A : memref<!tpu.dma_semaphore, #tpu.memory_space<semaphore_mem>>) src(%arg6 : memref<5000xf32, #tpu.memory_space<vmem>>) dst(%dma_wait3A_204 : memref<5000xf32, #tpu.memory_space<vmem_shared>>)
        tpu.yield
      }) : () -> ()
      %mul3A_177 = arith.constant 125000 : i32
      %mul3A_178 = arith.muli %arg1, %mul3A_177 : i32
      %add3A_179 = arith.constant 95000 : i32
      %add3A_180 = arith.addi %mul3A_178, %add3A_179 : i32
      "tpu.region"() ({
        %run_scoped3A = tpu.sem_alloc : memref<!tpu.dma_semaphore, #tpu.memory_space<semaphore_mem>>
        %dma_start3A_201 = tpu.memref_slice %arg2[%add3A_180] : memref<1000000xf32, #tpu.memory_space<hbm>> -> memref<5000xf32, #tpu.memory_space<hbm>>
        %dma_start3A_202 = tpu.memref_slice %arg2[%add3A_180] : memref<1000000xf32, #tpu.memory_space<hbm>> -> memref<5000xf32, #tpu.memory_space<hbm>>
        tpu.enqueue_dma source(%dma_start3A_202 : memref<5000xf32, #tpu.memory_space<hbm>>) target(%arg6 : memref<5000xf32, #tpu.memory_space<vmem>>) target_semaphore(%run_scoped3A : memref<!tpu.dma_semaphore, #tpu.memory_space<semaphore_mem>>)
        %dma_wait3A_203 = tpu.memref_slice %arg2[%add3A_180] : memref<1000000xf32, #tpu.memory_space<hbm>> -> memref<5000xf32, #tpu.memory_space<hbm>>
        %dma_wait3A_204 = tpu.memref_slice %arg2[%add3A_180] : memref<1000000xf32, #tpu.memory_space<hbm>> -> memref<5000xf32, #tpu.memory_space<hbm>>
        tpu.wait_dma2 semaphore(%run_scoped3A : memref<!tpu.dma_semaphore, #tpu.memory_space<semaphore_mem>>) src(%dma_wait3A_204 : memref<5000xf32, #tpu.memory_space<hbm>>) dst(%arg6 : memref<5000xf32, #tpu.memory_space<vmem>>)
        tpu.yield
      }) : () -> ()
      "tpu.region"() ({
        %run_scoped3A = tpu.sem_alloc : memref<!tpu.dma_semaphore, #tpu.memory_space<semaphore_mem>>
        %dma_start3A_201 = tpu.memref_slice %arg5[%add3A_180] : memref<1000000xf32, #tpu.memory_space<vmem_shared>> -> memref<5000xf32, #tpu.memory_space<vmem_shared>>
        %dma_start3A_202 = tpu.memref_slice %arg5[%add3A_180] : memref<1000000xf32, #tpu.memory_space<vmem_shared>> -> memref<5000xf32, #tpu.memory_space<vmem_shared>>
        tpu.enqueue_dma source(%arg6 : memref<5000xf32, #tpu.memory_space<vmem>>) target(%dma_start3A_202 : memref<5000xf32, #tpu.memory_space<vmem_shared>>) target_semaphore(%run_scoped3A : memref<!tpu.dma_semaphore, #tpu.memory_space<semaphore_mem>>)
        %dma_wait3A_203 = tpu.memref_slice %arg5[%add3A_180] : memref<1000000xf32, #tpu.memory_space<vmem_shared>> -> memref<5000xf32, #tpu.memory_space<vmem_shared>>
        %dma_wait3A_204 = tpu.memref_slice %arg5[%add3A_180] : memref<1000000xf32, #tpu.memory_space<vmem_shared>> -> memref<5000xf32, #tpu.memory_space<vmem_shared>>
        tpu.wait_dma2 semaphore(%run_scoped3A : memref<!tpu.dma_semaphore, #tpu.memory_space<semaphore_mem>>) src(%arg6 : memref<5000xf32, #tpu.memory_space<vmem>>) dst(%dma_wait3A_204 : memref<5000xf32, #tpu.memory_space<vmem_shared>>)
        tpu.yield
      }) : () -> ()
      %mul3A_181 = arith.constant 125000 : i32
      %mul3A_182 = arith.muli %arg1, %mul3A_181 : i32
      %add3A_183 = arith.constant 100000 : i32
      %add3A_184 = arith.addi %mul3A_182, %add3A_183 : i32
      "tpu.region"() ({
        %run_scoped3A = tpu.sem_alloc : memref<!tpu.dma_semaphore, #tpu.memory_space<semaphore_mem>>
        %dma_start3A_201 = tpu.memref_slice %arg2[%add3A_184] : memref<1000000xf32, #tpu.memory_space<hbm>> -> memref<5000xf32, #tpu.memory_space<hbm>>
        %dma_start3A_202 = tpu.memref_slice %arg2[%add3A_184] : memref<1000000xf32, #tpu.memory_space<hbm>> -> memref<5000xf32, #tpu.memory_space<hbm>>
        tpu.enqueue_dma source(%dma_start3A_202 : memref<5000xf32, #tpu.memory_space<hbm>>) target(%arg6 : memref<5000xf32, #tpu.memory_space<vmem>>) target_semaphore(%run_scoped3A : memref<!tpu.dma_semaphore, #tpu.memory_space<semaphore_mem>>)
        %dma_wait3A_203 = tpu.memref_slice %arg2[%add3A_184] : memref<1000000xf32, #tpu.memory_space<hbm>> -> memref<5000xf32, #tpu.memory_space<hbm>>
        %dma_wait3A_204 = tpu.memref_slice %arg2[%add3A_184] : memref<1000000xf32, #tpu.memory_space<hbm>> -> memref<5000xf32, #tpu.memory_space<hbm>>
        tpu.wait_dma2 semaphore(%run_scoped3A : memref<!tpu.dma_semaphore, #tpu.memory_space<semaphore_mem>>) src(%dma_wait3A_204 : memref<5000xf32, #tpu.memory_space<hbm>>) dst(%arg6 : memref<5000xf32, #tpu.memory_space<vmem>>)
        tpu.yield
      }) : () -> ()
      "tpu.region"() ({
        %run_scoped3A = tpu.sem_alloc : memref<!tpu.dma_semaphore, #tpu.memory_space<semaphore_mem>>
        %dma_start3A_201 = tpu.memref_slice %arg5[%add3A_184] : memref<1000000xf32, #tpu.memory_space<vmem_shared>> -> memref<5000xf32, #tpu.memory_space<vmem_shared>>
        %dma_start3A_202 = tpu.memref_slice %arg5[%add3A_184] : memref<1000000xf32, #tpu.memory_space<vmem_shared>> -> memref<5000xf32, #tpu.memory_space<vmem_shared>>
        tpu.enqueue_dma source(%arg6 : memref<5000xf32, #tpu.memory_space<vmem>>) target(%dma_start3A_202 : memref<5000xf32, #tpu.memory_space<vmem_shared>>) target_semaphore(%run_scoped3A : memref<!tpu.dma_semaphore, #tpu.memory_space<semaphore_mem>>)
        %dma_wait3A_203 = tpu.memref_slice %arg5[%add3A_184] : memref<1000000xf32, #tpu.memory_space<vmem_shared>> -> memref<5000xf32, #tpu.memory_space<vmem_shared>>
        %dma_wait3A_204 = tpu.memref_slice %arg5[%add3A_184] : memref<1000000xf32, #tpu.memory_space<vmem_shared>> -> memref<5000xf32, #tpu.memory_space<vmem_shared>>
        tpu.wait_dma2 semaphore(%run_scoped3A : memref<!tpu.dma_semaphore, #tpu.memory_space<semaphore_mem>>) src(%arg6 : memref<5000xf32, #tpu.memory_space<vmem>>) dst(%dma_wait3A_204 : memref<5000xf32, #tpu.memory_space<vmem_shared>>)
        tpu.yield
      }) : () -> ()
      %mul3A_185 = arith.constant 125000 : i32
      %mul3A_186 = arith.muli %arg1, %mul3A_185 : i32
      %add3A_187 = arith.constant 105000 : i32
      %add3A_188 = arith.addi %mul3A_186, %add3A_187 : i32
      "tpu.region"() ({
        %run_scoped3A = tpu.sem_alloc : memref<!tpu.dma_semaphore, #tpu.memory_space<semaphore_mem>>
        %dma_start3A_201 = tpu.memref_slice %arg2[%add3A_188] : memref<1000000xf32, #tpu.memory_space<hbm>> -> memref<5000xf32, #tpu.memory_space<hbm>>
        %dma_start3A_202 = tpu.memref_slice %arg2[%add3A_188] : memref<1000000xf32, #tpu.memory_space<hbm>> -> memref<5000xf32, #tpu.memory_space<hbm>>
        tpu.enqueue_dma source(%dma_start3A_202 : memref<5000xf32, #tpu.memory_space<hbm>>) target(%arg6 : memref<5000xf32, #tpu.memory_space<vmem>>) target_semaphore(%run_scoped3A : memref<!tpu.dma_semaphore, #tpu.memory_space<semaphore_mem>>)
        %dma_wait3A_203 = tpu.memref_slice %arg2[%add3A_188] : memref<1000000xf32, #tpu.memory_space<hbm>> -> memref<5000xf32, #tpu.memory_space<hbm>>
        %dma_wait3A_204 = tpu.memref_slice %arg2[%add3A_188] : memref<1000000xf32, #tpu.memory_space<hbm>> -> memref<5000xf32, #tpu.memory_space<hbm>>
        tpu.wait_dma2 semaphore(%run_scoped3A : memref<!tpu.dma_semaphore, #tpu.memory_space<semaphore_mem>>) src(%dma_wait3A_204 : memref<5000xf32, #tpu.memory_space<hbm>>) dst(%arg6 : memref<5000xf32, #tpu.memory_space<vmem>>)
        tpu.yield
      }) : () -> ()
      "tpu.region"() ({
        %run_scoped3A = tpu.sem_alloc : memref<!tpu.dma_semaphore, #tpu.memory_space<semaphore_mem>>
        %dma_start3A_201 = tpu.memref_slice %arg5[%add3A_188] : memref<1000000xf32, #tpu.memory_space<vmem_shared>> -> memref<5000xf32, #tpu.memory_space<vmem_shared>>
        %dma_start3A_202 = tpu.memref_slice %arg5[%add3A_188] : memref<1000000xf32, #tpu.memory_space<vmem_shared>> -> memref<5000xf32, #tpu.memory_space<vmem_shared>>
        tpu.enqueue_dma source(%arg6 : memref<5000xf32, #tpu.memory_space<vmem>>) target(%dma_start3A_202 : memref<5000xf32, #tpu.memory_space<vmem_shared>>) target_semaphore(%run_scoped3A : memref<!tpu.dma_semaphore, #tpu.memory_space<semaphore_mem>>)
        %dma_wait3A_203 = tpu.memref_slice %arg5[%add3A_188] : memref<1000000xf32, #tpu.memory_space<vmem_shared>> -> memref<5000xf32, #tpu.memory_space<vmem_shared>>
        %dma_wait3A_204 = tpu.memref_slice %arg5[%add3A_188] : memref<1000000xf32, #tpu.memory_space<vmem_shared>> -> memref<5000xf32, #tpu.memory_space<vmem_shared>>
        tpu.wait_dma2 semaphore(%run_scoped3A : memref<!tpu.dma_semaphore, #tpu.memory_space<semaphore_mem>>) src(%arg6 : memref<5000xf32, #tpu.memory_space<vmem>>) dst(%dma_wait3A_204 : memref<5000xf32, #tpu.memory_space<vmem_shared>>)
        tpu.yield
      }) : () -> ()
      %mul3A_189 = arith.constant 125000 : i32
      %mul3A_190 = arith.muli %arg1, %mul3A_189 : i32
      %add3A_191 = arith.constant 110000 : i32
      %add3A_192 = arith.addi %mul3A_190, %add3A_191 : i32
      "tpu.region"() ({
        %run_scoped3A = tpu.sem_alloc : memref<!tpu.dma_semaphore, #tpu.memory_space<semaphore_mem>>
        %dma_start3A_201 = tpu.memref_slice %arg2[%add3A_192] : memref<1000000xf32, #tpu.memory_space<hbm>> -> memref<5000xf32, #tpu.memory_space<hbm>>
        %dma_start3A_202 = tpu.memref_slice %arg2[%add3A_192] : memref<1000000xf32, #tpu.memory_space<hbm>> -> memref<5000xf32, #tpu.memory_space<hbm>>
        tpu.enqueue_dma source(%dma_start3A_202 : memref<5000xf32, #tpu.memory_space<hbm>>) target(%arg6 : memref<5000xf32, #tpu.memory_space<vmem>>) target_semaphore(%run_scoped3A : memref<!tpu.dma_semaphore, #tpu.memory_space<semaphore_mem>>)
        %dma_wait3A_203 = tpu.memref_slice %arg2[%add3A_192] : memref<1000000xf32, #tpu.memory_space<hbm>> -> memref<5000xf32, #tpu.memory_space<hbm>>
        %dma_wait3A_204 = tpu.memref_slice %arg2[%add3A_192] : memref<1000000xf32, #tpu.memory_space<hbm>> -> memref<5000xf32, #tpu.memory_space<hbm>>
        tpu.wait_dma2 semaphore(%run_scoped3A : memref<!tpu.dma_semaphore, #tpu.memory_space<semaphore_mem>>) src(%dma_wait3A_204 : memref<5000xf32, #tpu.memory_space<hbm>>) dst(%arg6 : memref<5000xf32, #tpu.memory_space<vmem>>)
        tpu.yield
      }) : () -> ()
      "tpu.region"() ({
        %run_scoped3A = tpu.sem_alloc : memref<!tpu.dma_semaphore, #tpu.memory_space<semaphore_mem>>
        %dma_start3A_201 = tpu.memref_slice %arg5[%add3A_192] : memref<1000000xf32, #tpu.memory_space<vmem_shared>> -> memref<5000xf32, #tpu.memory_space<vmem_shared>>
        %dma_start3A_202 = tpu.memref_slice %arg5[%add3A_192] : memref<1000000xf32, #tpu.memory_space<vmem_shared>> -> memref<5000xf32, #tpu.memory_space<vmem_shared>>
        tpu.enqueue_dma source(%arg6 : memref<5000xf32, #tpu.memory_space<vmem>>) target(%dma_start3A_202 : memref<5000xf32, #tpu.memory_space<vmem_shared>>) target_semaphore(%run_scoped3A : memref<!tpu.dma_semaphore, #tpu.memory_space<semaphore_mem>>)
        %dma_wait3A_203 = tpu.memref_slice %arg5[%add3A_192] : memref<1000000xf32, #tpu.memory_space<vmem_shared>> -> memref<5000xf32, #tpu.memory_space<vmem_shared>>
        %dma_wait3A_204 = tpu.memref_slice %arg5[%add3A_192] : memref<1000000xf32, #tpu.memory_space<vmem_shared>> -> memref<5000xf32, #tpu.memory_space<vmem_shared>>
        tpu.wait_dma2 semaphore(%run_scoped3A : memref<!tpu.dma_semaphore, #tpu.memory_space<semaphore_mem>>) src(%arg6 : memref<5000xf32, #tpu.memory_space<vmem>>) dst(%dma_wait3A_204 : memref<5000xf32, #tpu.memory_space<vmem_shared>>)
        tpu.yield
      }) : () -> ()
      %mul3A_193 = arith.constant 125000 : i32
      %mul3A_194 = arith.muli %arg1, %mul3A_193 : i32
      %add3A_195 = arith.constant 115000 : i32
      %add3A_196 = arith.addi %mul3A_194, %add3A_195 : i32
      "tpu.region"() ({
        %run_scoped3A = tpu.sem_alloc : memref<!tpu.dma_semaphore, #tpu.memory_space<semaphore_mem>>
        %dma_start3A_201 = tpu.memref_slice %arg2[%add3A_196] : memref<1000000xf32, #tpu.memory_space<hbm>> -> memref<5000xf32, #tpu.memory_space<hbm>>
        %dma_start3A_202 = tpu.memref_slice %arg2[%add3A_196] : memref<1000000xf32, #tpu.memory_space<hbm>> -> memref<5000xf32, #tpu.memory_space<hbm>>
        tpu.enqueue_dma source(%dma_start3A_202 : memref<5000xf32, #tpu.memory_space<hbm>>) target(%arg6 : memref<5000xf32, #tpu.memory_space<vmem>>) target_semaphore(%run_scoped3A : memref<!tpu.dma_semaphore, #tpu.memory_space<semaphore_mem>>)
        %dma_wait3A_203 = tpu.memref_slice %arg2[%add3A_196] : memref<1000000xf32, #tpu.memory_space<hbm>> -> memref<5000xf32, #tpu.memory_space<hbm>>
        %dma_wait3A_204 = tpu.memref_slice %arg2[%add3A_196] : memref<1000000xf32, #tpu.memory_space<hbm>> -> memref<5000xf32, #tpu.memory_space<hbm>>
        tpu.wait_dma2 semaphore(%run_scoped3A : memref<!tpu.dma_semaphore, #tpu.memory_space<semaphore_mem>>) src(%dma_wait3A_204 : memref<5000xf32, #tpu.memory_space<hbm>>) dst(%arg6 : memref<5000xf32, #tpu.memory_space<vmem>>)
        tpu.yield
      }) : () -> ()
      "tpu.region"() ({
        %run_scoped3A = tpu.sem_alloc : memref<!tpu.dma_semaphore, #tpu.memory_space<semaphore_mem>>
        %dma_start3A_201 = tpu.memref_slice %arg5[%add3A_196] : memref<1000000xf32, #tpu.memory_space<vmem_shared>> -> memref<5000xf32, #tpu.memory_space<vmem_shared>>
        %dma_start3A_202 = tpu.memref_slice %arg5[%add3A_196] : memref<1000000xf32, #tpu.memory_space<vmem_shared>> -> memref<5000xf32, #tpu.memory_space<vmem_shared>>
        tpu.enqueue_dma source(%arg6 : memref<5000xf32, #tpu.memory_space<vmem>>) target(%dma_start3A_202 : memref<5000xf32, #tpu.memory_space<vmem_shared>>) target_semaphore(%run_scoped3A : memref<!tpu.dma_semaphore, #tpu.memory_space<semaphore_mem>>)
        %dma_wait3A_203 = tpu.memref_slice %arg5[%add3A_196] : memref<1000000xf32, #tpu.memory_space<vmem_shared>> -> memref<5000xf32, #tpu.memory_space<vmem_shared>>
        %dma_wait3A_204 = tpu.memref_slice %arg5[%add3A_196] : memref<1000000xf32, #tpu.memory_space<vmem_shared>> -> memref<5000xf32, #tpu.memory_space<vmem_shared>>
        tpu.wait_dma2 semaphore(%run_scoped3A : memref<!tpu.dma_semaphore, #tpu.memory_space<semaphore_mem>>) src(%arg6 : memref<5000xf32, #tpu.memory_space<vmem>>) dst(%dma_wait3A_204 : memref<5000xf32, #tpu.memory_space<vmem_shared>>)
        tpu.yield
      }) : () -> ()
      %mul3A_197 = arith.constant 125000 : i32
      %mul3A_198 = arith.muli %arg1, %mul3A_197 : i32
      %add3A_199 = arith.constant 120000 : i32
      %add3A_200 = arith.addi %mul3A_198, %add3A_199 : i32
      "tpu.region"() ({
        %run_scoped3A = tpu.sem_alloc : memref<!tpu.dma_semaphore, #tpu.memory_space<semaphore_mem>>
        %dma_start3A_201 = tpu.memref_slice %arg2[%add3A_200] : memref<1000000xf32, #tpu.memory_space<hbm>> -> memref<5000xf32, #tpu.memory_space<hbm>>
        %dma_start3A_202 = tpu.memref_slice %arg2[%add3A_200] : memref<1000000xf32, #tpu.memory_space<hbm>> -> memref<5000xf32, #tpu.memory_space<hbm>>
        tpu.enqueue_dma source(%dma_start3A_202 : memref<5000xf32, #tpu.memory_space<hbm>>) target(%arg6 : memref<5000xf32, #tpu.memory_space<vmem>>) target_semaphore(%run_scoped3A : memref<!tpu.dma_semaphore, #tpu.memory_space<semaphore_mem>>)
        %dma_wait3A_203 = tpu.memref_slice %arg2[%add3A_200] : memref<1000000xf32, #tpu.memory_space<hbm>> -> memref<5000xf32, #tpu.memory_space<hbm>>
        %dma_wait3A_204 = tpu.memref_slice %arg2[%add3A_200] : memref<1000000xf32, #tpu.memory_space<hbm>> -> memref<5000xf32, #tpu.memory_space<hbm>>
        tpu.wait_dma2 semaphore(%run_scoped3A : memref<!tpu.dma_semaphore, #tpu.memory_space<semaphore_mem>>) src(%dma_wait3A_204 : memref<5000xf32, #tpu.memory_space<hbm>>) dst(%arg6 : memref<5000xf32, #tpu.memory_space<vmem>>)
        tpu.yield
      }) : () -> ()
      "tpu.region"() ({
        %run_scoped3A = tpu.sem_alloc : memref<!tpu.dma_semaphore, #tpu.memory_space<semaphore_mem>>
        %dma_start3A_201 = tpu.memref_slice %arg5[%add3A_200] : memref<1000000xf32, #tpu.memory_space<vmem_shared>> -> memref<5000xf32, #tpu.memory_space<vmem_shared>>
        %dma_start3A_202 = tpu.memref_slice %arg5[%add3A_200] : memref<1000000xf32, #tpu.memory_space<vmem_shared>> -> memref<5000xf32, #tpu.memory_space<vmem_shared>>
        tpu.enqueue_dma source(%arg6 : memref<5000xf32, #tpu.memory_space<vmem>>) target(%dma_start3A_202 : memref<5000xf32, #tpu.memory_space<vmem_shared>>) target_semaphore(%run_scoped3A : memref<!tpu.dma_semaphore, #tpu.memory_space<semaphore_mem>>)
        %dma_wait3A_203 = tpu.memref_slice %arg5[%add3A_200] : memref<1000000xf32, #tpu.memory_space<vmem_shared>> -> memref<5000xf32, #tpu.memory_space<vmem_shared>>
        %dma_wait3A_204 = tpu.memref_slice %arg5[%add3A_200] : memref<1000000xf32, #tpu.memory_space<vmem_shared>> -> memref<5000xf32, #tpu.memory_space<vmem_shared>>
        tpu.wait_dma2 semaphore(%run_scoped3A : memref<!tpu.dma_semaphore, #tpu.memory_space<semaphore_mem>>) src(%arg6 : memref<5000xf32, #tpu.memory_space<vmem>>) dst(%dma_wait3A_204 : memref<5000xf32, #tpu.memory_space<vmem_shared>>)
        tpu.yield
      }) : () -> ()
    } else {
    }
    %barrier3A = arith.constant 0 : index
    tpu.barrier barrier_id(%barrier3A)
    %mul3A_6 = arith.constant 102400 : i32
    %mul3A_7 = arith.muli %add3A, %mul3A_6 : i32
    "tpu.region"() ({
      %run_scoped3A = tpu.sem_alloc : memref<!tpu.dma_semaphore, #tpu.memory_space<semaphore_mem>>
      %dma_start3A_101 = tpu.memref_slice %arg3[%mul3A_7] : memref<3276800xi32, #tpu.memory_space<hbm>> -> memref<12800xi32, #tpu.memory_space<hbm>>
      %dma_start3A_102 = tpu.memref_slice %arg3[%mul3A_7] : memref<3276800xi32, #tpu.memory_space<hbm>> -> memref<12800xi32, #tpu.memory_space<hbm>>
      tpu.enqueue_dma source(%dma_start3A_102 : memref<12800xi32, #tpu.memory_space<hbm>>) target(%arg7 : memref<12800xi32, #tpu.memory_space<vmem>>) target_semaphore(%run_scoped3A : memref<!tpu.dma_semaphore, #tpu.memory_space<semaphore_mem>>)
      %dma_wait3A_103 = tpu.memref_slice %arg3[%mul3A_7] : memref<3276800xi32, #tpu.memory_space<hbm>> -> memref<12800xi32, #tpu.memory_space<hbm>>
      %dma_wait3A_104 = tpu.memref_slice %arg3[%mul3A_7] : memref<3276800xi32, #tpu.memory_space<hbm>> -> memref<12800xi32, #tpu.memory_space<hbm>>
      tpu.wait_dma2 semaphore(%run_scoped3A : memref<!tpu.dma_semaphore, #tpu.memory_space<semaphore_mem>>) src(%dma_wait3A_104 : memref<12800xi32, #tpu.memory_space<hbm>>) dst(%arg7 : memref<12800xi32, #tpu.memory_space<vmem>>)
      tpu.yield
    }) : () -> ()
    %dma_start3A = arith.constant 0 : i32
    %dma_start3A_8 = tpu.memref_slice %arg5[%dma_start3A] : memref<1000000xf32, #tpu.memory_space<vmem_shared>> -> memref<1000000xf32, #tpu.memory_space<vmem_shared>>
    tpu.enqueue_indirect_dma source(%dma_start3A_8 : memref<1000000xf32, #tpu.memory_space<vmem_shared>>) target(%arg9 : memref<12800xf32, #tpu.memory_space<vmem>>) offsets(%arg7 : memref<12800xi32, #tpu.memory_space<vmem>>) semaphore(%arg12 : memref<!tpu.dma_semaphore, #tpu.memory_space<semaphore_mem>>)
    %add3A_9 = arith.constant 12800 : i32
    %add3A_10 = arith.addi %mul3A_7, %add3A_9 : i32
    "tpu.region"() ({
      %run_scoped3A = tpu.sem_alloc : memref<!tpu.dma_semaphore, #tpu.memory_space<semaphore_mem>>
      %dma_start3A_101 = tpu.memref_slice %arg3[%add3A_10] : memref<3276800xi32, #tpu.memory_space<hbm>> -> memref<12800xi32, #tpu.memory_space<hbm>>
      %dma_start3A_102 = tpu.memref_slice %arg3[%add3A_10] : memref<3276800xi32, #tpu.memory_space<hbm>> -> memref<12800xi32, #tpu.memory_space<hbm>>
      tpu.enqueue_dma source(%dma_start3A_102 : memref<12800xi32, #tpu.memory_space<hbm>>) target(%arg8 : memref<12800xi32, #tpu.memory_space<vmem>>) target_semaphore(%run_scoped3A : memref<!tpu.dma_semaphore, #tpu.memory_space<semaphore_mem>>)
      %dma_wait3A_103 = tpu.memref_slice %arg3[%add3A_10] : memref<3276800xi32, #tpu.memory_space<hbm>> -> memref<12800xi32, #tpu.memory_space<hbm>>
      %dma_wait3A_104 = tpu.memref_slice %arg3[%add3A_10] : memref<3276800xi32, #tpu.memory_space<hbm>> -> memref<12800xi32, #tpu.memory_space<hbm>>
      tpu.wait_dma2 semaphore(%run_scoped3A : memref<!tpu.dma_semaphore, #tpu.memory_space<semaphore_mem>>) src(%dma_wait3A_104 : memref<12800xi32, #tpu.memory_space<hbm>>) dst(%arg8 : memref<12800xi32, #tpu.memory_space<vmem>>)
      tpu.yield
    }) : () -> ()
    %dma_start3A_11 = arith.constant 0 : i32
    %dma_start3A_12 = tpu.memref_slice %arg5[%dma_start3A_11] : memref<1000000xf32, #tpu.memory_space<vmem_shared>> -> memref<1000000xf32, #tpu.memory_space<vmem_shared>>
    tpu.enqueue_indirect_dma source(%dma_start3A_12 : memref<1000000xf32, #tpu.memory_space<vmem_shared>>) target(%arg10 : memref<12800xf32, #tpu.memory_space<vmem>>) offsets(%arg8 : memref<12800xi32, #tpu.memory_space<vmem>>) semaphore(%arg13 : memref<!tpu.dma_semaphore, #tpu.memory_space<semaphore_mem>>)
    %dma_wait3A = arith.constant 0 : i32
    %dma_wait3A_13 = tpu.memref_slice %arg5[%dma_wait3A] : memref<1000000xf32, #tpu.memory_space<vmem_shared>> -> memref<1000000xf32, #tpu.memory_space<vmem_shared>>
    tpu.wait_indirect_dma semaphore(%arg12 : memref<!tpu.dma_semaphore, #tpu.memory_space<semaphore_mem>>) src(%dma_wait3A_13 : memref<1000000xf32, #tpu.memory_space<vmem_shared>>) dst(%arg9 : memref<12800xf32, #tpu.memory_space<vmem>>)
    %scan3A = arith.constant 0 : i32
    %scan3A_14 = arith.constant 0 : i32
    %scan3A_15 = arith.constant 4 : i32
    %scan3A_16 = arith.addi %scan3A_14, %scan3A_15 : i32
    %scan3A_17 = arith.constant 1 : i32
    scf.for %scan3A_101 = %scan3A_14 to %scan3A_16 step %scan3A_17  : i32 {
      %mul3A_102 = arith.constant 3200 : i32
      %mul3A_103 = arith.muli %scan3A_101, %mul3A_102 : i32
      %broadcast_in_dim3A = arith.constant 0.000000e+00 : f32
      %broadcast_in_dim3A_104 = vector.broadcast %broadcast_in_dim3A : f32 to vector<16xf32>
      %scan3A_105 = arith.constant 0 : i32
      %scan3A_106 = arith.constant 25 : i32
      %scan3A_107 = arith.addi %scan3A_105, %scan3A_106 : i32
      %scan3A_108 = arith.constant 1 : i32
      %scan3A_109:2 = scf.for %scan3A_117 = %scan3A_105 to %scan3A_107 step %scan3A_108 iter_args(%scan3A_118 = %broadcast_in_dim3A_104, %scan3A_119 = %broadcast_in_dim3A_104) -> (vector<16xf32>, vector<16xf32>)  : i32 {
        %mul3A_120 = arith.constant 8 : i32
        %mul3A_121 = arith.muli %scan3A_117, %mul3A_120 : i32
        %add3A_122 = arith.addi %mul3A_103, %mul3A_121 : i32
        %add3A_123 = arith.constant 0 : i32
        %add3A_124 = arith.addi %add3A_122, %add3A_123 : i32
        %add3A_125 = vector.broadcast %add3A_124 : i32 to vector<16xi32>
        %add3A_126 = arith.addi %mul3A_3, %add3A_125 : vector<16xi32>
        %gather3A = tpu.vector_load_idx %arg9[%add3A_126] : memref<12800xf32, #tpu.memory_space<vmem>>[vector<16xi32>], vector<16xf32>,
        %add3A_127 = arith.addf %scan3A_118, %gather3A : vector<16xf32>
        %add3A_128 = arith.constant 1 : i32
        %add3A_129 = arith.addi %add3A_122, %add3A_128 : i32
        %add3A_130 = vector.broadcast %add3A_129 : i32 to vector<16xi32>
        %add3A_131 = arith.addi %mul3A_3, %add3A_130 : vector<16xi32>
        %gather3A_132 = tpu.vector_load_idx %arg9[%add3A_131] : memref<12800xf32, #tpu.memory_space<vmem>>[vector<16xi32>], vector<16xf32>,
        %add3A_133 = arith.addf %scan3A_119, %gather3A_132 : vector<16xf32>
        %add3A_134 = arith.constant 2 : i32
        %add3A_135 = arith.addi %add3A_122, %add3A_134 : i32
        %add3A_136 = vector.broadcast %add3A_135 : i32 to vector<16xi32>
        %add3A_137 = arith.addi %mul3A_3, %add3A_136 : vector<16xi32>
        %gather3A_138 = tpu.vector_load_idx %arg9[%add3A_137] : memref<12800xf32, #tpu.memory_space<vmem>>[vector<16xi32>], vector<16xf32>,
        %add3A_139 = arith.addf %add3A_127, %gather3A_138 : vector<16xf32>
        %add3A_140 = arith.constant 3 : i32
        %add3A_141 = arith.addi %add3A_122, %add3A_140 : i32
        %add3A_142 = vector.broadcast %add3A_141 : i32 to vector<16xi32>
        %add3A_143 = arith.addi %mul3A_3, %add3A_142 : vector<16xi32>
        %gather3A_144 = tpu.vector_load_idx %arg9[%add3A_143] : memref<12800xf32, #tpu.memory_space<vmem>>[vector<16xi32>], vector<16xf32>,
        %add3A_145 = arith.addf %add3A_133, %gather3A_144 : vector<16xf32>
        %add3A_146 = arith.constant 4 : i32
        %add3A_147 = arith.addi %add3A_122, %add3A_146 : i32
        %add3A_148 = vector.broadcast %add3A_147 : i32 to vector<16xi32>
        %add3A_149 = arith.addi %mul3A_3, %add3A_148 : vector<16xi32>
        %gather3A_150 = tpu.vector_load_idx %arg9[%add3A_149] : memref<12800xf32, #tpu.memory_space<vmem>>[vector<16xi32>], vector<16xf32>,
        %add3A_151 = arith.addf %add3A_139, %gather3A_150 : vector<16xf32>
        %add3A_152 = arith.constant 5 : i32
        %add3A_153 = arith.addi %add3A_122, %add3A_152 : i32
        %add3A_154 = vector.broadcast %add3A_153 : i32 to vector<16xi32>
        %add3A_155 = arith.addi %mul3A_3, %add3A_154 : vector<16xi32>
        %gather3A_156 = tpu.vector_load_idx %arg9[%add3A_155] : memref<12800xf32, #tpu.memory_space<vmem>>[vector<16xi32>], vector<16xf32>,
        %add3A_157 = arith.addf %add3A_145, %gather3A_156 : vector<16xf32>
        %add3A_158 = arith.constant 6 : i32
        %add3A_159 = arith.addi %add3A_122, %add3A_158 : i32
        %add3A_160 = vector.broadcast %add3A_159 : i32 to vector<16xi32>
        %add3A_161 = arith.addi %mul3A_3, %add3A_160 : vector<16xi32>
        %gather3A_162 = tpu.vector_load_idx %arg9[%add3A_161] : memref<12800xf32, #tpu.memory_space<vmem>>[vector<16xi32>], vector<16xf32>,
        %add3A_163 = arith.addf %add3A_151, %gather3A_162 : vector<16xf32>
        %add3A_164 = arith.constant 7 : i32
        %add3A_165 = arith.addi %add3A_122, %add3A_164 : i32
        %add3A_166 = vector.broadcast %add3A_165 : i32 to vector<16xi32>
        %add3A_167 = arith.addi %mul3A_3, %add3A_166 : vector<16xi32>
        %gather3A_168 = tpu.vector_load_idx %arg9[%add3A_167] : memref<12800xf32, #tpu.memory_space<vmem>>[vector<16xi32>], vector<16xf32>,
        %add3A_169 = arith.addf %add3A_157, %gather3A_168 : vector<16xf32>
        scf.yield %add3A_163, %add3A_169 : vector<16xf32>, vector<16xf32>
      }
      %scan3A_110 = arith.constant 25 : i32
      %add3A_111 = arith.addf %scan3A_109#0, %scan3A_109#1 : vector<16xf32>
      %mul3A_112 = arith.constant 16 : i32
      %mul3A_113 = arith.muli %scan3A_101, %mul3A_112 : i32
      %add3A_114 = arith.constant 0 : i32
      %add3A_115 = arith.addi %add3A_114, %mul3A_113 : i32
      %swap3A = arith.index_cast %add3A_115 : i32 to index
      %swap3A_116 = tpu.vector_load %arg11[%swap3A] {strides = array<i32>} : memref<512xf32, #tpu.memory_space<vmem>>, vector<16xf32>,
      tpu.vector_store %arg11[%swap3A], %add3A_111 {strides = array<i32>} : memref<512xf32, #tpu.memory_space<vmem>>, vector<16xf32>,
    }
    %scan3A_18 = arith.constant 4 : i32
    %add3A_19 = arith.constant 25600 : i32
    %add3A_20 = arith.addi %mul3A_7, %add3A_19 : i32
    "tpu.region"() ({
      %run_scoped3A = tpu.sem_alloc : memref<!tpu.dma_semaphore, #tpu.memory_space<semaphore_mem>>
      %dma_start3A_101 = tpu.memref_slice %arg3[%add3A_20] : memref<3276800xi32, #tpu.memory_space<hbm>> -> memref<12800xi32, #tpu.memory_space<hbm>>
      %dma_start3A_102 = tpu.memref_slice %arg3[%add3A_20] : memref<3276800xi32, #tpu.memory_space<hbm>> -> memref<12800xi32, #tpu.memory_space<hbm>>
      tpu.enqueue_dma source(%dma_start3A_102 : memref<12800xi32, #tpu.memory_space<hbm>>) target(%arg7 : memref<12800xi32, #tpu.memory_space<vmem>>) target_semaphore(%run_scoped3A : memref<!tpu.dma_semaphore, #tpu.memory_space<semaphore_mem>>)
      %dma_wait3A_103 = tpu.memref_slice %arg3[%add3A_20] : memref<3276800xi32, #tpu.memory_space<hbm>> -> memref<12800xi32, #tpu.memory_space<hbm>>
      %dma_wait3A_104 = tpu.memref_slice %arg3[%add3A_20] : memref<3276800xi32, #tpu.memory_space<hbm>> -> memref<12800xi32, #tpu.memory_space<hbm>>
      tpu.wait_dma2 semaphore(%run_scoped3A : memref<!tpu.dma_semaphore, #tpu.memory_space<semaphore_mem>>) src(%dma_wait3A_104 : memref<12800xi32, #tpu.memory_space<hbm>>) dst(%arg7 : memref<12800xi32, #tpu.memory_space<vmem>>)
      tpu.yield
    }) : () -> ()
    %dma_start3A_21 = arith.constant 0 : i32
    %dma_start3A_22 = tpu.memref_slice %arg5[%dma_start3A_21] : memref<1000000xf32, #tpu.memory_space<vmem_shared>> -> memref<1000000xf32, #tpu.memory_space<vmem_shared>>
    tpu.enqueue_indirect_dma source(%dma_start3A_22 : memref<1000000xf32, #tpu.memory_space<vmem_shared>>) target(%arg9 : memref<12800xf32, #tpu.memory_space<vmem>>) offsets(%arg7 : memref<12800xi32, #tpu.memory_space<vmem>>) semaphore(%arg12 : memref<!tpu.dma_semaphore, #tpu.memory_space<semaphore_mem>>)
    %dma_wait3A_23 = arith.constant 0 : i32
    %dma_wait3A_24 = tpu.memref_slice %arg5[%dma_wait3A_23] : memref<1000000xf32, #tpu.memory_space<vmem_shared>> -> memref<1000000xf32, #tpu.memory_space<vmem_shared>>
    tpu.wait_indirect_dma semaphore(%arg13 : memref<!tpu.dma_semaphore, #tpu.memory_space<semaphore_mem>>) src(%dma_wait3A_24 : memref<1000000xf32, #tpu.memory_space<vmem_shared>>) dst(%arg10 : memref<12800xf32, #tpu.memory_space<vmem>>)
    %scan3A_25 = arith.constant 0 : i32
    %scan3A_26 = arith.constant 0 : i32
    %scan3A_27 = arith.constant 4 : i32
    %scan3A_28 = arith.addi %scan3A_26, %scan3A_27 : i32
    %scan3A_29 = arith.constant 1 : i32
    scf.for %scan3A_101 = %scan3A_26 to %scan3A_28 step %scan3A_29  : i32 {
      %mul3A_102 = arith.constant 3200 : i32
      %mul3A_103 = arith.muli %scan3A_101, %mul3A_102 : i32
      %broadcast_in_dim3A = arith.constant 0.000000e+00 : f32
      %broadcast_in_dim3A_104 = vector.broadcast %broadcast_in_dim3A : f32 to vector<16xf32>
      %scan3A_105 = arith.constant 0 : i32
      %scan3A_106 = arith.constant 25 : i32
      %scan3A_107 = arith.addi %scan3A_105, %scan3A_106 : i32
      %scan3A_108 = arith.constant 1 : i32
      %scan3A_109:2 = scf.for %scan3A_117 = %scan3A_105 to %scan3A_107 step %scan3A_108 iter_args(%scan3A_118 = %broadcast_in_dim3A_104, %scan3A_119 = %broadcast_in_dim3A_104) -> (vector<16xf32>, vector<16xf32>)  : i32 {
        %mul3A_120 = arith.constant 8 : i32
        %mul3A_121 = arith.muli %scan3A_117, %mul3A_120 : i32
        %add3A_122 = arith.addi %mul3A_103, %mul3A_121 : i32
        %add3A_123 = arith.constant 0 : i32
        %add3A_124 = arith.addi %add3A_122, %add3A_123 : i32
        %add3A_125 = vector.broadcast %add3A_124 : i32 to vector<16xi32>
        %add3A_126 = arith.addi %mul3A_3, %add3A_125 : vector<16xi32>
        %gather3A = tpu.vector_load_idx %arg10[%add3A_126] : memref<12800xf32, #tpu.memory_space<vmem>>[vector<16xi32>], vector<16xf32>,
        %add3A_127 = arith.addf %scan3A_118, %gather3A : vector<16xf32>
        %add3A_128 = arith.constant 1 : i32
        %add3A_129 = arith.addi %add3A_122, %add3A_128 : i32
        %add3A_130 = vector.broadcast %add3A_129 : i32 to vector<16xi32>
        %add3A_131 = arith.addi %mul3A_3, %add3A_130 : vector<16xi32>
        %gather3A_132 = tpu.vector_load_idx %arg10[%add3A_131] : memref<12800xf32, #tpu.memory_space<vmem>>[vector<16xi32>], vector<16xf32>,
        %add3A_133 = arith.addf %scan3A_119, %gather3A_132 : vector<16xf32>
        %add3A_134 = arith.constant 2 : i32
        %add3A_135 = arith.addi %add3A_122, %add3A_134 : i32
        %add3A_136 = vector.broadcast %add3A_135 : i32 to vector<16xi32>
        %add3A_137 = arith.addi %mul3A_3, %add3A_136 : vector<16xi32>
        %gather3A_138 = tpu.vector_load_idx %arg10[%add3A_137] : memref<12800xf32, #tpu.memory_space<vmem>>[vector<16xi32>], vector<16xf32>,
        %add3A_139 = arith.addf %add3A_127, %gather3A_138 : vector<16xf32>
        %add3A_140 = arith.constant 3 : i32
        %add3A_141 = arith.addi %add3A_122, %add3A_140 : i32
        %add3A_142 = vector.broadcast %add3A_141 : i32 to vector<16xi32>
        %add3A_143 = arith.addi %mul3A_3, %add3A_142 : vector<16xi32>
        %gather3A_144 = tpu.vector_load_idx %arg10[%add3A_143] : memref<12800xf32, #tpu.memory_space<vmem>>[vector<16xi32>], vector<16xf32>,
        %add3A_145 = arith.addf %add3A_133, %gather3A_144 : vector<16xf32>
        %add3A_146 = arith.constant 4 : i32
        %add3A_147 = arith.addi %add3A_122, %add3A_146 : i32
        %add3A_148 = vector.broadcast %add3A_147 : i32 to vector<16xi32>
        %add3A_149 = arith.addi %mul3A_3, %add3A_148 : vector<16xi32>
        %gather3A_150 = tpu.vector_load_idx %arg10[%add3A_149] : memref<12800xf32, #tpu.memory_space<vmem>>[vector<16xi32>], vector<16xf32>,
        %add3A_151 = arith.addf %add3A_139, %gather3A_150 : vector<16xf32>
        %add3A_152 = arith.constant 5 : i32
        %add3A_153 = arith.addi %add3A_122, %add3A_152 : i32
        %add3A_154 = vector.broadcast %add3A_153 : i32 to vector<16xi32>
        %add3A_155 = arith.addi %mul3A_3, %add3A_154 : vector<16xi32>
        %gather3A_156 = tpu.vector_load_idx %arg10[%add3A_155] : memref<12800xf32, #tpu.memory_space<vmem>>[vector<16xi32>], vector<16xf32>,
        %add3A_157 = arith.addf %add3A_145, %gather3A_156 : vector<16xf32>
        %add3A_158 = arith.constant 6 : i32
        %add3A_159 = arith.addi %add3A_122, %add3A_158 : i32
        %add3A_160 = vector.broadcast %add3A_159 : i32 to vector<16xi32>
        %add3A_161 = arith.addi %mul3A_3, %add3A_160 : vector<16xi32>
        %gather3A_162 = tpu.vector_load_idx %arg10[%add3A_161] : memref<12800xf32, #tpu.memory_space<vmem>>[vector<16xi32>], vector<16xf32>,
        %add3A_163 = arith.addf %add3A_151, %gather3A_162 : vector<16xf32>
        %add3A_164 = arith.constant 7 : i32
        %add3A_165 = arith.addi %add3A_122, %add3A_164 : i32
        %add3A_166 = vector.broadcast %add3A_165 : i32 to vector<16xi32>
        %add3A_167 = arith.addi %mul3A_3, %add3A_166 : vector<16xi32>
        %gather3A_168 = tpu.vector_load_idx %arg10[%add3A_167] : memref<12800xf32, #tpu.memory_space<vmem>>[vector<16xi32>], vector<16xf32>,
        %add3A_169 = arith.addf %add3A_157, %gather3A_168 : vector<16xf32>
        scf.yield %add3A_163, %add3A_169 : vector<16xf32>, vector<16xf32>
      }
      %scan3A_110 = arith.constant 25 : i32
      %add3A_111 = arith.addf %scan3A_109#0, %scan3A_109#1 : vector<16xf32>
      %mul3A_112 = arith.constant 16 : i32
      %mul3A_113 = arith.muli %scan3A_101, %mul3A_112 : i32
      %add3A_114 = arith.constant 64 : i32
      %add3A_115 = arith.addi %add3A_114, %mul3A_113 : i32
      %swap3A = arith.index_cast %add3A_115 : i32 to index
      %swap3A_116 = tpu.vector_load %arg11[%swap3A] {strides = array<i32>} : memref<512xf32, #tpu.memory_space<vmem>>, vector<16xf32>,
      tpu.vector_store %arg11[%swap3A], %add3A_111 {strides = array<i32>} : memref<512xf32, #tpu.memory_space<vmem>>, vector<16xf32>,
    }
    %scan3A_30 = arith.constant 4 : i32
    %add3A_31 = arith.constant 38400 : i32
    %add3A_32 = arith.addi %mul3A_7, %add3A_31 : i32
    "tpu.region"() ({
      %run_scoped3A = tpu.sem_alloc : memref<!tpu.dma_semaphore, #tpu.memory_space<semaphore_mem>>
      %dma_start3A_101 = tpu.memref_slice %arg3[%add3A_32] : memref<3276800xi32, #tpu.memory_space<hbm>> -> memref<12800xi32, #tpu.memory_space<hbm>>
      %dma_start3A_102 = tpu.memref_slice %arg3[%add3A_32] : memref<3276800xi32, #tpu.memory_space<hbm>> -> memref<12800xi32, #tpu.memory_space<hbm>>
      tpu.enqueue_dma source(%dma_start3A_102 : memref<12800xi32, #tpu.memory_space<hbm>>) target(%arg8 : memref<12800xi32, #tpu.memory_space<vmem>>) target_semaphore(%run_scoped3A : memref<!tpu.dma_semaphore, #tpu.memory_space<semaphore_mem>>)
      %dma_wait3A_103 = tpu.memref_slice %arg3[%add3A_32] : memref<3276800xi32, #tpu.memory_space<hbm>> -> memref<12800xi32, #tpu.memory_space<hbm>>
      %dma_wait3A_104 = tpu.memref_slice %arg3[%add3A_32] : memref<3276800xi32, #tpu.memory_space<hbm>> -> memref<12800xi32, #tpu.memory_space<hbm>>
      tpu.wait_dma2 semaphore(%run_scoped3A : memref<!tpu.dma_semaphore, #tpu.memory_space<semaphore_mem>>) src(%dma_wait3A_104 : memref<12800xi32, #tpu.memory_space<hbm>>) dst(%arg8 : memref<12800xi32, #tpu.memory_space<vmem>>)
      tpu.yield
    }) : () -> ()
    %dma_start3A_33 = arith.constant 0 : i32
    %dma_start3A_34 = tpu.memref_slice %arg5[%dma_start3A_33] : memref<1000000xf32, #tpu.memory_space<vmem_shared>> -> memref<1000000xf32, #tpu.memory_space<vmem_shared>>
    tpu.enqueue_indirect_dma source(%dma_start3A_34 : memref<1000000xf32, #tpu.memory_space<vmem_shared>>) target(%arg10 : memref<12800xf32, #tpu.memory_space<vmem>>) offsets(%arg8 : memref<12800xi32, #tpu.memory_space<vmem>>) semaphore(%arg13 : memref<!tpu.dma_semaphore, #tpu.memory_space<semaphore_mem>>)
    %dma_wait3A_35 = arith.constant 0 : i32
    %dma_wait3A_36 = tpu.memref_slice %arg5[%dma_wait3A_35] : memref<1000000xf32, #tpu.memory_space<vmem_shared>> -> memref<1000000xf32, #tpu.memory_space<vmem_shared>>
    tpu.wait_indirect_dma semaphore(%arg12 : memref<!tpu.dma_semaphore, #tpu.memory_space<semaphore_mem>>) src(%dma_wait3A_36 : memref<1000000xf32, #tpu.memory_space<vmem_shared>>) dst(%arg9 : memref<12800xf32, #tpu.memory_space<vmem>>)
    %scan3A_37 = arith.constant 0 : i32
    %scan3A_38 = arith.constant 0 : i32
    %scan3A_39 = arith.constant 4 : i32
    %scan3A_40 = arith.addi %scan3A_38, %scan3A_39 : i32
    %scan3A_41 = arith.constant 1 : i32
    scf.for %scan3A_101 = %scan3A_38 to %scan3A_40 step %scan3A_41  : i32 {
      %mul3A_102 = arith.constant 3200 : i32
      %mul3A_103 = arith.muli %scan3A_101, %mul3A_102 : i32
      %broadcast_in_dim3A = arith.constant 0.000000e+00 : f32
      %broadcast_in_dim3A_104 = vector.broadcast %broadcast_in_dim3A : f32 to vector<16xf32>
      %scan3A_105 = arith.constant 0 : i32
      %scan3A_106 = arith.constant 25 : i32
      %scan3A_107 = arith.addi %scan3A_105, %scan3A_106 : i32
      %scan3A_108 = arith.constant 1 : i32
      %scan3A_109:2 = scf.for %scan3A_117 = %scan3A_105 to %scan3A_107 step %scan3A_108 iter_args(%scan3A_118 = %broadcast_in_dim3A_104, %scan3A_119 = %broadcast_in_dim3A_104) -> (vector<16xf32>, vector<16xf32>)  : i32 {
        %mul3A_120 = arith.constant 8 : i32
        %mul3A_121 = arith.muli %scan3A_117, %mul3A_120 : i32
        %add3A_122 = arith.addi %mul3A_103, %mul3A_121 : i32
        %add3A_123 = arith.constant 0 : i32
        %add3A_124 = arith.addi %add3A_122, %add3A_123 : i32
        %add3A_125 = vector.broadcast %add3A_124 : i32 to vector<16xi32>
        %add3A_126 = arith.addi %mul3A_3, %add3A_125 : vector<16xi32>
        %gather3A = tpu.vector_load_idx %arg9[%add3A_126] : memref<12800xf32, #tpu.memory_space<vmem>>[vector<16xi32>], vector<16xf32>,
        %add3A_127 = arith.addf %scan3A_118, %gather3A : vector<16xf32>
        %add3A_128 = arith.constant 1 : i32
        %add3A_129 = arith.addi %add3A_122, %add3A_128 : i32
        %add3A_130 = vector.broadcast %add3A_129 : i32 to vector<16xi32>
        %add3A_131 = arith.addi %mul3A_3, %add3A_130 : vector<16xi32>
        %gather3A_132 = tpu.vector_load_idx %arg9[%add3A_131] : memref<12800xf32, #tpu.memory_space<vmem>>[vector<16xi32>], vector<16xf32>,
        %add3A_133 = arith.addf %scan3A_119, %gather3A_132 : vector<16xf32>
        %add3A_134 = arith.constant 2 : i32
        %add3A_135 = arith.addi %add3A_122, %add3A_134 : i32
        %add3A_136 = vector.broadcast %add3A_135 : i32 to vector<16xi32>
        %add3A_137 = arith.addi %mul3A_3, %add3A_136 : vector<16xi32>
        %gather3A_138 = tpu.vector_load_idx %arg9[%add3A_137] : memref<12800xf32, #tpu.memory_space<vmem>>[vector<16xi32>], vector<16xf32>,
        %add3A_139 = arith.addf %add3A_127, %gather3A_138 : vector<16xf32>
        %add3A_140 = arith.constant 3 : i32
        %add3A_141 = arith.addi %add3A_122, %add3A_140 : i32
        %add3A_142 = vector.broadcast %add3A_141 : i32 to vector<16xi32>
        %add3A_143 = arith.addi %mul3A_3, %add3A_142 : vector<16xi32>
        %gather3A_144 = tpu.vector_load_idx %arg9[%add3A_143] : memref<12800xf32, #tpu.memory_space<vmem>>[vector<16xi32>], vector<16xf32>,
        %add3A_145 = arith.addf %add3A_133, %gather3A_144 : vector<16xf32>
        %add3A_146 = arith.constant 4 : i32
        %add3A_147 = arith.addi %add3A_122, %add3A_146 : i32
        %add3A_148 = vector.broadcast %add3A_147 : i32 to vector<16xi32>
        %add3A_149 = arith.addi %mul3A_3, %add3A_148 : vector<16xi32>
        %gather3A_150 = tpu.vector_load_idx %arg9[%add3A_149] : memref<12800xf32, #tpu.memory_space<vmem>>[vector<16xi32>], vector<16xf32>,
        %add3A_151 = arith.addf %add3A_139, %gather3A_150 : vector<16xf32>
        %add3A_152 = arith.constant 5 : i32
        %add3A_153 = arith.addi %add3A_122, %add3A_152 : i32
        %add3A_154 = vector.broadcast %add3A_153 : i32 to vector<16xi32>
        %add3A_155 = arith.addi %mul3A_3, %add3A_154 : vector<16xi32>
        %gather3A_156 = tpu.vector_load_idx %arg9[%add3A_155] : memref<12800xf32, #tpu.memory_space<vmem>>[vector<16xi32>], vector<16xf32>,
        %add3A_157 = arith.addf %add3A_145, %gather3A_156 : vector<16xf32>
        %add3A_158 = arith.constant 6 : i32
        %add3A_159 = arith.addi %add3A_122, %add3A_158 : i32
        %add3A_160 = vector.broadcast %add3A_159 : i32 to vector<16xi32>
        %add3A_161 = arith.addi %mul3A_3, %add3A_160 : vector<16xi32>
        %gather3A_162 = tpu.vector_load_idx %arg9[%add3A_161] : memref<12800xf32, #tpu.memory_space<vmem>>[vector<16xi32>], vector<16xf32>,
        %add3A_163 = arith.addf %add3A_151, %gather3A_162 : vector<16xf32>
        %add3A_164 = arith.constant 7 : i32
        %add3A_165 = arith.addi %add3A_122, %add3A_164 : i32
        %add3A_166 = vector.broadcast %add3A_165 : i32 to vector<16xi32>
        %add3A_167 = arith.addi %mul3A_3, %add3A_166 : vector<16xi32>
        %gather3A_168 = tpu.vector_load_idx %arg9[%add3A_167] : memref<12800xf32, #tpu.memory_space<vmem>>[vector<16xi32>], vector<16xf32>,
        %add3A_169 = arith.addf %add3A_157, %gather3A_168 : vector<16xf32>
        scf.yield %add3A_163, %add3A_169 : vector<16xf32>, vector<16xf32>
      }
      %scan3A_110 = arith.constant 25 : i32
      %add3A_111 = arith.addf %scan3A_109#0, %scan3A_109#1 : vector<16xf32>
      %mul3A_112 = arith.constant 16 : i32
      %mul3A_113 = arith.muli %scan3A_101, %mul3A_112 : i32
      %add3A_114 = arith.constant 128 : i32
      %add3A_115 = arith.addi %add3A_114, %mul3A_113 : i32
      %swap3A = arith.index_cast %add3A_115 : i32 to index
      %swap3A_116 = tpu.vector_load %arg11[%swap3A] {strides = array<i32>} : memref<512xf32, #tpu.memory_space<vmem>>, vector<16xf32>,
      tpu.vector_store %arg11[%swap3A], %add3A_111 {strides = array<i32>} : memref<512xf32, #tpu.memory_space<vmem>>, vector<16xf32>,
    }
    %scan3A_42 = arith.constant 4 : i32
    %add3A_43 = arith.constant 51200 : i32
    %add3A_44 = arith.addi %mul3A_7, %add3A_43 : i32
    "tpu.region"() ({
      %run_scoped3A = tpu.sem_alloc : memref<!tpu.dma_semaphore, #tpu.memory_space<semaphore_mem>>
      %dma_start3A_101 = tpu.memref_slice %arg3[%add3A_44] : memref<3276800xi32, #tpu.memory_space<hbm>> -> memref<12800xi32, #tpu.memory_space<hbm>>
      %dma_start3A_102 = tpu.memref_slice %arg3[%add3A_44] : memref<3276800xi32, #tpu.memory_space<hbm>> -> memref<12800xi32, #tpu.memory_space<hbm>>
      tpu.enqueue_dma source(%dma_start3A_102 : memref<12800xi32, #tpu.memory_space<hbm>>) target(%arg7 : memref<12800xi32, #tpu.memory_space<vmem>>) target_semaphore(%run_scoped3A : memref<!tpu.dma_semaphore, #tpu.memory_space<semaphore_mem>>)
      %dma_wait3A_103 = tpu.memref_slice %arg3[%add3A_44] : memref<3276800xi32, #tpu.memory_space<hbm>> -> memref<12800xi32, #tpu.memory_space<hbm>>
      %dma_wait3A_104 = tpu.memref_slice %arg3[%add3A_44] : memref<3276800xi32, #tpu.memory_space<hbm>> -> memref<12800xi32, #tpu.memory_space<hbm>>
      tpu.wait_dma2 semaphore(%run_scoped3A : memref<!tpu.dma_semaphore, #tpu.memory_space<semaphore_mem>>) src(%dma_wait3A_104 : memref<12800xi32, #tpu.memory_space<hbm>>) dst(%arg7 : memref<12800xi32, #tpu.memory_space<vmem>>)
      tpu.yield
    }) : () -> ()
    %dma_start3A_45 = arith.constant 0 : i32
    %dma_start3A_46 = tpu.memref_slice %arg5[%dma_start3A_45] : memref<1000000xf32, #tpu.memory_space<vmem_shared>> -> memref<1000000xf32, #tpu.memory_space<vmem_shared>>
    tpu.enqueue_indirect_dma source(%dma_start3A_46 : memref<1000000xf32, #tpu.memory_space<vmem_shared>>) target(%arg9 : memref<12800xf32, #tpu.memory_space<vmem>>) offsets(%arg7 : memref<12800xi32, #tpu.memory_space<vmem>>) semaphore(%arg12 : memref<!tpu.dma_semaphore, #tpu.memory_space<semaphore_mem>>)
    %dma_wait3A_47 = arith.constant 0 : i32
    %dma_wait3A_48 = tpu.memref_slice %arg5[%dma_wait3A_47] : memref<1000000xf32, #tpu.memory_space<vmem_shared>> -> memref<1000000xf32, #tpu.memory_space<vmem_shared>>
    tpu.wait_indirect_dma semaphore(%arg13 : memref<!tpu.dma_semaphore, #tpu.memory_space<semaphore_mem>>) src(%dma_wait3A_48 : memref<1000000xf32, #tpu.memory_space<vmem_shared>>) dst(%arg10 : memref<12800xf32, #tpu.memory_space<vmem>>)
    %scan3A_49 = arith.constant 0 : i32
    %scan3A_50 = arith.constant 0 : i32
    %scan3A_51 = arith.constant 4 : i32
    %scan3A_52 = arith.addi %scan3A_50, %scan3A_51 : i32
    %scan3A_53 = arith.constant 1 : i32
    scf.for %scan3A_101 = %scan3A_50 to %scan3A_52 step %scan3A_53  : i32 {
      %mul3A_102 = arith.constant 3200 : i32
      %mul3A_103 = arith.muli %scan3A_101, %mul3A_102 : i32
      %broadcast_in_dim3A = arith.constant 0.000000e+00 : f32
      %broadcast_in_dim3A_104 = vector.broadcast %broadcast_in_dim3A : f32 to vector<16xf32>
      %scan3A_105 = arith.constant 0 : i32
      %scan3A_106 = arith.constant 25 : i32
      %scan3A_107 = arith.addi %scan3A_105, %scan3A_106 : i32
      %scan3A_108 = arith.constant 1 : i32
      %scan3A_109:2 = scf.for %scan3A_117 = %scan3A_105 to %scan3A_107 step %scan3A_108 iter_args(%scan3A_118 = %broadcast_in_dim3A_104, %scan3A_119 = %broadcast_in_dim3A_104) -> (vector<16xf32>, vector<16xf32>)  : i32 {
        %mul3A_120 = arith.constant 8 : i32
        %mul3A_121 = arith.muli %scan3A_117, %mul3A_120 : i32
        %add3A_122 = arith.addi %mul3A_103, %mul3A_121 : i32
        %add3A_123 = arith.constant 0 : i32
        %add3A_124 = arith.addi %add3A_122, %add3A_123 : i32
        %add3A_125 = vector.broadcast %add3A_124 : i32 to vector<16xi32>
        %add3A_126 = arith.addi %mul3A_3, %add3A_125 : vector<16xi32>
        %gather3A = tpu.vector_load_idx %arg10[%add3A_126] : memref<12800xf32, #tpu.memory_space<vmem>>[vector<16xi32>], vector<16xf32>,
        %add3A_127 = arith.addf %scan3A_118, %gather3A : vector<16xf32>
        %add3A_128 = arith.constant 1 : i32
        %add3A_129 = arith.addi %add3A_122, %add3A_128 : i32
        %add3A_130 = vector.broadcast %add3A_129 : i32 to vector<16xi32>
        %add3A_131 = arith.addi %mul3A_3, %add3A_130 : vector<16xi32>
        %gather3A_132 = tpu.vector_load_idx %arg10[%add3A_131] : memref<12800xf32, #tpu.memory_space<vmem>>[vector<16xi32>], vector<16xf32>,
        %add3A_133 = arith.addf %scan3A_119, %gather3A_132 : vector<16xf32>
        %add3A_134 = arith.constant 2 : i32
        %add3A_135 = arith.addi %add3A_122, %add3A_134 : i32
        %add3A_136 = vector.broadcast %add3A_135 : i32 to vector<16xi32>
        %add3A_137 = arith.addi %mul3A_3, %add3A_136 : vector<16xi32>
        %gather3A_138 = tpu.vector_load_idx %arg10[%add3A_137] : memref<12800xf32, #tpu.memory_space<vmem>>[vector<16xi32>], vector<16xf32>,
        %add3A_139 = arith.addf %add3A_127, %gather3A_138 : vector<16xf32>
        %add3A_140 = arith.constant 3 : i32
        %add3A_141 = arith.addi %add3A_122, %add3A_140 : i32
        %add3A_142 = vector.broadcast %add3A_141 : i32 to vector<16xi32>
        %add3A_143 = arith.addi %mul3A_3, %add3A_142 : vector<16xi32>
        %gather3A_144 = tpu.vector_load_idx %arg10[%add3A_143] : memref<12800xf32, #tpu.memory_space<vmem>>[vector<16xi32>], vector<16xf32>,
        %add3A_145 = arith.addf %add3A_133, %gather3A_144 : vector<16xf32>
        %add3A_146 = arith.constant 4 : i32
        %add3A_147 = arith.addi %add3A_122, %add3A_146 : i32
        %add3A_148 = vector.broadcast %add3A_147 : i32 to vector<16xi32>
        %add3A_149 = arith.addi %mul3A_3, %add3A_148 : vector<16xi32>
        %gather3A_150 = tpu.vector_load_idx %arg10[%add3A_149] : memref<12800xf32, #tpu.memory_space<vmem>>[vector<16xi32>], vector<16xf32>,
        %add3A_151 = arith.addf %add3A_139, %gather3A_150 : vector<16xf32>
        %add3A_152 = arith.constant 5 : i32
        %add3A_153 = arith.addi %add3A_122, %add3A_152 : i32
        %add3A_154 = vector.broadcast %add3A_153 : i32 to vector<16xi32>
        %add3A_155 = arith.addi %mul3A_3, %add3A_154 : vector<16xi32>
        %gather3A_156 = tpu.vector_load_idx %arg10[%add3A_155] : memref<12800xf32, #tpu.memory_space<vmem>>[vector<16xi32>], vector<16xf32>,
        %add3A_157 = arith.addf %add3A_145, %gather3A_156 : vector<16xf32>
        %add3A_158 = arith.constant 6 : i32
        %add3A_159 = arith.addi %add3A_122, %add3A_158 : i32
        %add3A_160 = vector.broadcast %add3A_159 : i32 to vector<16xi32>
        %add3A_161 = arith.addi %mul3A_3, %add3A_160 : vector<16xi32>
        %gather3A_162 = tpu.vector_load_idx %arg10[%add3A_161] : memref<12800xf32, #tpu.memory_space<vmem>>[vector<16xi32>], vector<16xf32>,
        %add3A_163 = arith.addf %add3A_151, %gather3A_162 : vector<16xf32>
        %add3A_164 = arith.constant 7 : i32
        %add3A_165 = arith.addi %add3A_122, %add3A_164 : i32
        %add3A_166 = vector.broadcast %add3A_165 : i32 to vector<16xi32>
        %add3A_167 = arith.addi %mul3A_3, %add3A_166 : vector<16xi32>
        %gather3A_168 = tpu.vector_load_idx %arg10[%add3A_167] : memref<12800xf32, #tpu.memory_space<vmem>>[vector<16xi32>], vector<16xf32>,
        %add3A_169 = arith.addf %add3A_157, %gather3A_168 : vector<16xf32>
        scf.yield %add3A_163, %add3A_169 : vector<16xf32>, vector<16xf32>
      }
      %scan3A_110 = arith.constant 25 : i32
      %add3A_111 = arith.addf %scan3A_109#0, %scan3A_109#1 : vector<16xf32>
      %mul3A_112 = arith.constant 16 : i32
      %mul3A_113 = arith.muli %scan3A_101, %mul3A_112 : i32
      %add3A_114 = arith.constant 192 : i32
      %add3A_115 = arith.addi %add3A_114, %mul3A_113 : i32
      %swap3A = arith.index_cast %add3A_115 : i32 to index
      %swap3A_116 = tpu.vector_load %arg11[%swap3A] {strides = array<i32>} : memref<512xf32, #tpu.memory_space<vmem>>, vector<16xf32>,
      tpu.vector_store %arg11[%swap3A], %add3A_111 {strides = array<i32>} : memref<512xf32, #tpu.memory_space<vmem>>, vector<16xf32>,
    }
    %scan3A_54 = arith.constant 4 : i32
    %add3A_55 = arith.constant 64000 : i32
    %add3A_56 = arith.addi %mul3A_7, %add3A_55 : i32
    "tpu.region"() ({
      %run_scoped3A = tpu.sem_alloc : memref<!tpu.dma_semaphore, #tpu.memory_space<semaphore_mem>>
      %dma_start3A_101 = tpu.memref_slice %arg3[%add3A_56] : memref<3276800xi32, #tpu.memory_space<hbm>> -> memref<12800xi32, #tpu.memory_space<hbm>>
      %dma_start3A_102 = tpu.memref_slice %arg3[%add3A_56] : memref<3276800xi32, #tpu.memory_space<hbm>> -> memref<12800xi32, #tpu.memory_space<hbm>>
      tpu.enqueue_dma source(%dma_start3A_102 : memref<12800xi32, #tpu.memory_space<hbm>>) target(%arg8 : memref<12800xi32, #tpu.memory_space<vmem>>) target_semaphore(%run_scoped3A : memref<!tpu.dma_semaphore, #tpu.memory_space<semaphore_mem>>)
      %dma_wait3A_103 = tpu.memref_slice %arg3[%add3A_56] : memref<3276800xi32, #tpu.memory_space<hbm>> -> memref<12800xi32, #tpu.memory_space<hbm>>
      %dma_wait3A_104 = tpu.memref_slice %arg3[%add3A_56] : memref<3276800xi32, #tpu.memory_space<hbm>> -> memref<12800xi32, #tpu.memory_space<hbm>>
      tpu.wait_dma2 semaphore(%run_scoped3A : memref<!tpu.dma_semaphore, #tpu.memory_space<semaphore_mem>>) src(%dma_wait3A_104 : memref<12800xi32, #tpu.memory_space<hbm>>) dst(%arg8 : memref<12800xi32, #tpu.memory_space<vmem>>)
      tpu.yield
    }) : () -> ()
    %dma_start3A_57 = arith.constant 0 : i32
    %dma_start3A_58 = tpu.memref_slice %arg5[%dma_start3A_57] : memref<1000000xf32, #tpu.memory_space<vmem_shared>> -> memref<1000000xf32, #tpu.memory_space<vmem_shared>>
    tpu.enqueue_indirect_dma source(%dma_start3A_58 : memref<1000000xf32, #tpu.memory_space<vmem_shared>>) target(%arg10 : memref<12800xf32, #tpu.memory_space<vmem>>) offsets(%arg8 : memref<12800xi32, #tpu.memory_space<vmem>>) semaphore(%arg13 : memref<!tpu.dma_semaphore, #tpu.memory_space<semaphore_mem>>)
    %dma_wait3A_59 = arith.constant 0 : i32
    %dma_wait3A_60 = tpu.memref_slice %arg5[%dma_wait3A_59] : memref<1000000xf32, #tpu.memory_space<vmem_shared>> -> memref<1000000xf32, #tpu.memory_space<vmem_shared>>
    tpu.wait_indirect_dma semaphore(%arg12 : memref<!tpu.dma_semaphore, #tpu.memory_space<semaphore_mem>>) src(%dma_wait3A_60 : memref<1000000xf32, #tpu.memory_space<vmem_shared>>) dst(%arg9 : memref<12800xf32, #tpu.memory_space<vmem>>)
    %scan3A_61 = arith.constant 0 : i32
    %scan3A_62 = arith.constant 0 : i32
    %scan3A_63 = arith.constant 4 : i32
    %scan3A_64 = arith.addi %scan3A_62, %scan3A_63 : i32
    %scan3A_65 = arith.constant 1 : i32
    scf.for %scan3A_101 = %scan3A_62 to %scan3A_64 step %scan3A_65  : i32 {
      %mul3A_102 = arith.constant 3200 : i32
      %mul3A_103 = arith.muli %scan3A_101, %mul3A_102 : i32
      %broadcast_in_dim3A = arith.constant 0.000000e+00 : f32
      %broadcast_in_dim3A_104 = vector.broadcast %broadcast_in_dim3A : f32 to vector<16xf32>
      %scan3A_105 = arith.constant 0 : i32
      %scan3A_106 = arith.constant 25 : i32
      %scan3A_107 = arith.addi %scan3A_105, %scan3A_106 : i32
      %scan3A_108 = arith.constant 1 : i32
      %scan3A_109:2 = scf.for %scan3A_117 = %scan3A_105 to %scan3A_107 step %scan3A_108 iter_args(%scan3A_118 = %broadcast_in_dim3A_104, %scan3A_119 = %broadcast_in_dim3A_104) -> (vector<16xf32>, vector<16xf32>)  : i32 {
        %mul3A_120 = arith.constant 8 : i32
        %mul3A_121 = arith.muli %scan3A_117, %mul3A_120 : i32
        %add3A_122 = arith.addi %mul3A_103, %mul3A_121 : i32
        %add3A_123 = arith.constant 0 : i32
        %add3A_124 = arith.addi %add3A_122, %add3A_123 : i32
        %add3A_125 = vector.broadcast %add3A_124 : i32 to vector<16xi32>
        %add3A_126 = arith.addi %mul3A_3, %add3A_125 : vector<16xi32>
        %gather3A = tpu.vector_load_idx %arg9[%add3A_126] : memref<12800xf32, #tpu.memory_space<vmem>>[vector<16xi32>], vector<16xf32>,
        %add3A_127 = arith.addf %scan3A_118, %gather3A : vector<16xf32>
        %add3A_128 = arith.constant 1 : i32
        %add3A_129 = arith.addi %add3A_122, %add3A_128 : i32
        %add3A_130 = vector.broadcast %add3A_129 : i32 to vector<16xi32>
        %add3A_131 = arith.addi %mul3A_3, %add3A_130 : vector<16xi32>
        %gather3A_132 = tpu.vector_load_idx %arg9[%add3A_131] : memref<12800xf32, #tpu.memory_space<vmem>>[vector<16xi32>], vector<16xf32>,
        %add3A_133 = arith.addf %scan3A_119, %gather3A_132 : vector<16xf32>
        %add3A_134 = arith.constant 2 : i32
        %add3A_135 = arith.addi %add3A_122, %add3A_134 : i32
        %add3A_136 = vector.broadcast %add3A_135 : i32 to vector<16xi32>
        %add3A_137 = arith.addi %mul3A_3, %add3A_136 : vector<16xi32>
        %gather3A_138 = tpu.vector_load_idx %arg9[%add3A_137] : memref<12800xf32, #tpu.memory_space<vmem>>[vector<16xi32>], vector<16xf32>,
        %add3A_139 = arith.addf %add3A_127, %gather3A_138 : vector<16xf32>
        %add3A_140 = arith.constant 3 : i32
        %add3A_141 = arith.addi %add3A_122, %add3A_140 : i32
        %add3A_142 = vector.broadcast %add3A_141 : i32 to vector<16xi32>
        %add3A_143 = arith.addi %mul3A_3, %add3A_142 : vector<16xi32>
        %gather3A_144 = tpu.vector_load_idx %arg9[%add3A_143] : memref<12800xf32, #tpu.memory_space<vmem>>[vector<16xi32>], vector<16xf32>,
        %add3A_145 = arith.addf %add3A_133, %gather3A_144 : vector<16xf32>
        %add3A_146 = arith.constant 4 : i32
        %add3A_147 = arith.addi %add3A_122, %add3A_146 : i32
        %add3A_148 = vector.broadcast %add3A_147 : i32 to vector<16xi32>
        %add3A_149 = arith.addi %mul3A_3, %add3A_148 : vector<16xi32>
        %gather3A_150 = tpu.vector_load_idx %arg9[%add3A_149] : memref<12800xf32, #tpu.memory_space<vmem>>[vector<16xi32>], vector<16xf32>,
        %add3A_151 = arith.addf %add3A_139, %gather3A_150 : vector<16xf32>
        %add3A_152 = arith.constant 5 : i32
        %add3A_153 = arith.addi %add3A_122, %add3A_152 : i32
        %add3A_154 = vector.broadcast %add3A_153 : i32 to vector<16xi32>
        %add3A_155 = arith.addi %mul3A_3, %add3A_154 : vector<16xi32>
        %gather3A_156 = tpu.vector_load_idx %arg9[%add3A_155] : memref<12800xf32, #tpu.memory_space<vmem>>[vector<16xi32>], vector<16xf32>,
        %add3A_157 = arith.addf %add3A_145, %gather3A_156 : vector<16xf32>
        %add3A_158 = arith.constant 6 : i32
        %add3A_159 = arith.addi %add3A_122, %add3A_158 : i32
        %add3A_160 = vector.broadcast %add3A_159 : i32 to vector<16xi32>
        %add3A_161 = arith.addi %mul3A_3, %add3A_160 : vector<16xi32>
        %gather3A_162 = tpu.vector_load_idx %arg9[%add3A_161] : memref<12800xf32, #tpu.memory_space<vmem>>[vector<16xi32>], vector<16xf32>,
        %add3A_163 = arith.addf %add3A_151, %gather3A_162 : vector<16xf32>
        %add3A_164 = arith.constant 7 : i32
        %add3A_165 = arith.addi %add3A_122, %add3A_164 : i32
        %add3A_166 = vector.broadcast %add3A_165 : i32 to vector<16xi32>
        %add3A_167 = arith.addi %mul3A_3, %add3A_166 : vector<16xi32>
        %gather3A_168 = tpu.vector_load_idx %arg9[%add3A_167] : memref<12800xf32, #tpu.memory_space<vmem>>[vector<16xi32>], vector<16xf32>,
        %add3A_169 = arith.addf %add3A_157, %gather3A_168 : vector<16xf32>
        scf.yield %add3A_163, %add3A_169 : vector<16xf32>, vector<16xf32>
      }
      %scan3A_110 = arith.constant 25 : i32
      %add3A_111 = arith.addf %scan3A_109#0, %scan3A_109#1 : vector<16xf32>
      %mul3A_112 = arith.constant 16 : i32
      %mul3A_113 = arith.muli %scan3A_101, %mul3A_112 : i32
      %add3A_114 = arith.constant 256 : i32
      %add3A_115 = arith.addi %add3A_114, %mul3A_113 : i32
      %swap3A = arith.index_cast %add3A_115 : i32 to index
      %swap3A_116 = tpu.vector_load %arg11[%swap3A] {strides = array<i32>} : memref<512xf32, #tpu.memory_space<vmem>>, vector<16xf32>,
      tpu.vector_store %arg11[%swap3A], %add3A_111 {strides = array<i32>} : memref<512xf32, #tpu.memory_space<vmem>>, vector<16xf32>,
    }
    %scan3A_66 = arith.constant 4 : i32
    %add3A_67 = arith.constant 76800 : i32
    %add3A_68 = arith.addi %mul3A_7, %add3A_67 : i32
    "tpu.region"() ({
      %run_scoped3A = tpu.sem_alloc : memref<!tpu.dma_semaphore, #tpu.memory_space<semaphore_mem>>
      %dma_start3A_101 = tpu.memref_slice %arg3[%add3A_68] : memref<3276800xi32, #tpu.memory_space<hbm>> -> memref<12800xi32, #tpu.memory_space<hbm>>
      %dma_start3A_102 = tpu.memref_slice %arg3[%add3A_68] : memref<3276800xi32, #tpu.memory_space<hbm>> -> memref<12800xi32, #tpu.memory_space<hbm>>
      tpu.enqueue_dma source(%dma_start3A_102 : memref<12800xi32, #tpu.memory_space<hbm>>) target(%arg7 : memref<12800xi32, #tpu.memory_space<vmem>>) target_semaphore(%run_scoped3A : memref<!tpu.dma_semaphore, #tpu.memory_space<semaphore_mem>>)
      %dma_wait3A_103 = tpu.memref_slice %arg3[%add3A_68] : memref<3276800xi32, #tpu.memory_space<hbm>> -> memref<12800xi32, #tpu.memory_space<hbm>>
      %dma_wait3A_104 = tpu.memref_slice %arg3[%add3A_68] : memref<3276800xi32, #tpu.memory_space<hbm>> -> memref<12800xi32, #tpu.memory_space<hbm>>
      tpu.wait_dma2 semaphore(%run_scoped3A : memref<!tpu.dma_semaphore, #tpu.memory_space<semaphore_mem>>) src(%dma_wait3A_104 : memref<12800xi32, #tpu.memory_space<hbm>>) dst(%arg7 : memref<12800xi32, #tpu.memory_space<vmem>>)
      tpu.yield
    }) : () -> ()
    %dma_start3A_69 = arith.constant 0 : i32
    %dma_start3A_70 = tpu.memref_slice %arg5[%dma_start3A_69] : memref<1000000xf32, #tpu.memory_space<vmem_shared>> -> memref<1000000xf32, #tpu.memory_space<vmem_shared>>
    tpu.enqueue_indirect_dma source(%dma_start3A_70 : memref<1000000xf32, #tpu.memory_space<vmem_shared>>) target(%arg9 : memref<12800xf32, #tpu.memory_space<vmem>>) offsets(%arg7 : memref<12800xi32, #tpu.memory_space<vmem>>) semaphore(%arg12 : memref<!tpu.dma_semaphore, #tpu.memory_space<semaphore_mem>>)
    %dma_wait3A_71 = arith.constant 0 : i32
    %dma_wait3A_72 = tpu.memref_slice %arg5[%dma_wait3A_71] : memref<1000000xf32, #tpu.memory_space<vmem_shared>> -> memref<1000000xf32, #tpu.memory_space<vmem_shared>>
    tpu.wait_indirect_dma semaphore(%arg13 : memref<!tpu.dma_semaphore, #tpu.memory_space<semaphore_mem>>) src(%dma_wait3A_72 : memref<1000000xf32, #tpu.memory_space<vmem_shared>>) dst(%arg10 : memref<12800xf32, #tpu.memory_space<vmem>>)
    %scan3A_73 = arith.constant 0 : i32
    %scan3A_74 = arith.constant 0 : i32
    %scan3A_75 = arith.constant 4 : i32
    %scan3A_76 = arith.addi %scan3A_74, %scan3A_75 : i32
    %scan3A_77 = arith.constant 1 : i32
    scf.for %scan3A_101 = %scan3A_74 to %scan3A_76 step %scan3A_77  : i32 {
      %mul3A_102 = arith.constant 3200 : i32
      %mul3A_103 = arith.muli %scan3A_101, %mul3A_102 : i32
      %broadcast_in_dim3A = arith.constant 0.000000e+00 : f32
      %broadcast_in_dim3A_104 = vector.broadcast %broadcast_in_dim3A : f32 to vector<16xf32>
      %scan3A_105 = arith.constant 0 : i32
      %scan3A_106 = arith.constant 25 : i32
      %scan3A_107 = arith.addi %scan3A_105, %scan3A_106 : i32
      %scan3A_108 = arith.constant 1 : i32
      %scan3A_109:2 = scf.for %scan3A_117 = %scan3A_105 to %scan3A_107 step %scan3A_108 iter_args(%scan3A_118 = %broadcast_in_dim3A_104, %scan3A_119 = %broadcast_in_dim3A_104) -> (vector<16xf32>, vector<16xf32>)  : i32 {
        %mul3A_120 = arith.constant 8 : i32
        %mul3A_121 = arith.muli %scan3A_117, %mul3A_120 : i32
        %add3A_122 = arith.addi %mul3A_103, %mul3A_121 : i32
        %add3A_123 = arith.constant 0 : i32
        %add3A_124 = arith.addi %add3A_122, %add3A_123 : i32
        %add3A_125 = vector.broadcast %add3A_124 : i32 to vector<16xi32>
        %add3A_126 = arith.addi %mul3A_3, %add3A_125 : vector<16xi32>
        %gather3A = tpu.vector_load_idx %arg10[%add3A_126] : memref<12800xf32, #tpu.memory_space<vmem>>[vector<16xi32>], vector<16xf32>,
        %add3A_127 = arith.addf %scan3A_118, %gather3A : vector<16xf32>
        %add3A_128 = arith.constant 1 : i32
        %add3A_129 = arith.addi %add3A_122, %add3A_128 : i32
        %add3A_130 = vector.broadcast %add3A_129 : i32 to vector<16xi32>
        %add3A_131 = arith.addi %mul3A_3, %add3A_130 : vector<16xi32>
        %gather3A_132 = tpu.vector_load_idx %arg10[%add3A_131] : memref<12800xf32, #tpu.memory_space<vmem>>[vector<16xi32>], vector<16xf32>,
        %add3A_133 = arith.addf %scan3A_119, %gather3A_132 : vector<16xf32>
        %add3A_134 = arith.constant 2 : i32
        %add3A_135 = arith.addi %add3A_122, %add3A_134 : i32
        %add3A_136 = vector.broadcast %add3A_135 : i32 to vector<16xi32>
        %add3A_137 = arith.addi %mul3A_3, %add3A_136 : vector<16xi32>
        %gather3A_138 = tpu.vector_load_idx %arg10[%add3A_137] : memref<12800xf32, #tpu.memory_space<vmem>>[vector<16xi32>], vector<16xf32>,
        %add3A_139 = arith.addf %add3A_127, %gather3A_138 : vector<16xf32>
        %add3A_140 = arith.constant 3 : i32
        %add3A_141 = arith.addi %add3A_122, %add3A_140 : i32
        %add3A_142 = vector.broadcast %add3A_141 : i32 to vector<16xi32>
        %add3A_143 = arith.addi %mul3A_3, %add3A_142 : vector<16xi32>
        %gather3A_144 = tpu.vector_load_idx %arg10[%add3A_143] : memref<12800xf32, #tpu.memory_space<vmem>>[vector<16xi32>], vector<16xf32>,
        %add3A_145 = arith.addf %add3A_133, %gather3A_144 : vector<16xf32>
        %add3A_146 = arith.constant 4 : i32
        %add3A_147 = arith.addi %add3A_122, %add3A_146 : i32
        %add3A_148 = vector.broadcast %add3A_147 : i32 to vector<16xi32>
        %add3A_149 = arith.addi %mul3A_3, %add3A_148 : vector<16xi32>
        %gather3A_150 = tpu.vector_load_idx %arg10[%add3A_149] : memref<12800xf32, #tpu.memory_space<vmem>>[vector<16xi32>], vector<16xf32>,
        %add3A_151 = arith.addf %add3A_139, %gather3A_150 : vector<16xf32>
        %add3A_152 = arith.constant 5 : i32
        %add3A_153 = arith.addi %add3A_122, %add3A_152 : i32
        %add3A_154 = vector.broadcast %add3A_153 : i32 to vector<16xi32>
        %add3A_155 = arith.addi %mul3A_3, %add3A_154 : vector<16xi32>
        %gather3A_156 = tpu.vector_load_idx %arg10[%add3A_155] : memref<12800xf32, #tpu.memory_space<vmem>>[vector<16xi32>], vector<16xf32>,
        %add3A_157 = arith.addf %add3A_145, %gather3A_156 : vector<16xf32>
        %add3A_158 = arith.constant 6 : i32
        %add3A_159 = arith.addi %add3A_122, %add3A_158 : i32
        %add3A_160 = vector.broadcast %add3A_159 : i32 to vector<16xi32>
        %add3A_161 = arith.addi %mul3A_3, %add3A_160 : vector<16xi32>
        %gather3A_162 = tpu.vector_load_idx %arg10[%add3A_161] : memref<12800xf32, #tpu.memory_space<vmem>>[vector<16xi32>], vector<16xf32>,
        %add3A_163 = arith.addf %add3A_151, %gather3A_162 : vector<16xf32>
        %add3A_164 = arith.constant 7 : i32
        %add3A_165 = arith.addi %add3A_122, %add3A_164 : i32
        %add3A_166 = vector.broadcast %add3A_165 : i32 to vector<16xi32>
        %add3A_167 = arith.addi %mul3A_3, %add3A_166 : vector<16xi32>
        %gather3A_168 = tpu.vector_load_idx %arg10[%add3A_167] : memref<12800xf32, #tpu.memory_space<vmem>>[vector<16xi32>], vector<16xf32>,
        %add3A_169 = arith.addf %add3A_157, %gather3A_168 : vector<16xf32>
        scf.yield %add3A_163, %add3A_169 : vector<16xf32>, vector<16xf32>
      }
      %scan3A_110 = arith.constant 25 : i32
      %add3A_111 = arith.addf %scan3A_109#0, %scan3A_109#1 : vector<16xf32>
      %mul3A_112 = arith.constant 16 : i32
      %mul3A_113 = arith.muli %scan3A_101, %mul3A_112 : i32
      %add3A_114 = arith.constant 320 : i32
      %add3A_115 = arith.addi %add3A_114, %mul3A_113 : i32
      %swap3A = arith.index_cast %add3A_115 : i32 to index
      %swap3A_116 = tpu.vector_load %arg11[%swap3A] {strides = array<i32>} : memref<512xf32, #tpu.memory_space<vmem>>, vector<16xf32>,
      tpu.vector_store %arg11[%swap3A], %add3A_111 {strides = array<i32>} : memref<512xf32, #tpu.memory_space<vmem>>, vector<16xf32>,
    }
    %scan3A_78 = arith.constant 4 : i32
    %add3A_79 = arith.constant 89600 : i32
    %add3A_80 = arith.addi %mul3A_7, %add3A_79 : i32
    "tpu.region"() ({
      %run_scoped3A = tpu.sem_alloc : memref<!tpu.dma_semaphore, #tpu.memory_space<semaphore_mem>>
      %dma_start3A_101 = tpu.memref_slice %arg3[%add3A_80] : memref<3276800xi32, #tpu.memory_space<hbm>> -> memref<12800xi32, #tpu.memory_space<hbm>>
      %dma_start3A_102 = tpu.memref_slice %arg3[%add3A_80] : memref<3276800xi32, #tpu.memory_space<hbm>> -> memref<12800xi32, #tpu.memory_space<hbm>>
      tpu.enqueue_dma source(%dma_start3A_102 : memref<12800xi32, #tpu.memory_space<hbm>>) target(%arg8 : memref<12800xi32, #tpu.memory_space<vmem>>) target_semaphore(%run_scoped3A : memref<!tpu.dma_semaphore, #tpu.memory_space<semaphore_mem>>)
      %dma_wait3A_103 = tpu.memref_slice %arg3[%add3A_80] : memref<3276800xi32, #tpu.memory_space<hbm>> -> memref<12800xi32, #tpu.memory_space<hbm>>
      %dma_wait3A_104 = tpu.memref_slice %arg3[%add3A_80] : memref<3276800xi32, #tpu.memory_space<hbm>> -> memref<12800xi32, #tpu.memory_space<hbm>>
      tpu.wait_dma2 semaphore(%run_scoped3A : memref<!tpu.dma_semaphore, #tpu.memory_space<semaphore_mem>>) src(%dma_wait3A_104 : memref<12800xi32, #tpu.memory_space<hbm>>) dst(%arg8 : memref<12800xi32, #tpu.memory_space<vmem>>)
      tpu.yield
    }) : () -> ()
    %dma_start3A_81 = arith.constant 0 : i32
    %dma_start3A_82 = tpu.memref_slice %arg5[%dma_start3A_81] : memref<1000000xf32, #tpu.memory_space<vmem_shared>> -> memref<1000000xf32, #tpu.memory_space<vmem_shared>>
    tpu.enqueue_indirect_dma source(%dma_start3A_82 : memref<1000000xf32, #tpu.memory_space<vmem_shared>>) target(%arg10 : memref<12800xf32, #tpu.memory_space<vmem>>) offsets(%arg8 : memref<12800xi32, #tpu.memory_space<vmem>>) semaphore(%arg13 : memref<!tpu.dma_semaphore, #tpu.memory_space<semaphore_mem>>)
    %dma_wait3A_83 = arith.constant 0 : i32
    %dma_wait3A_84 = tpu.memref_slice %arg5[%dma_wait3A_83] : memref<1000000xf32, #tpu.memory_space<vmem_shared>> -> memref<1000000xf32, #tpu.memory_space<vmem_shared>>
    tpu.wait_indirect_dma semaphore(%arg12 : memref<!tpu.dma_semaphore, #tpu.memory_space<semaphore_mem>>) src(%dma_wait3A_84 : memref<1000000xf32, #tpu.memory_space<vmem_shared>>) dst(%arg9 : memref<12800xf32, #tpu.memory_space<vmem>>)
    %scan3A_85 = arith.constant 0 : i32
    %scan3A_86 = arith.constant 0 : i32
    %scan3A_87 = arith.constant 4 : i32
    %scan3A_88 = arith.addi %scan3A_86, %scan3A_87 : i32
    %scan3A_89 = arith.constant 1 : i32
    scf.for %scan3A_101 = %scan3A_86 to %scan3A_88 step %scan3A_89  : i32 {
      %mul3A_102 = arith.constant 3200 : i32
      %mul3A_103 = arith.muli %scan3A_101, %mul3A_102 : i32
      %broadcast_in_dim3A = arith.constant 0.000000e+00 : f32
      %broadcast_in_dim3A_104 = vector.broadcast %broadcast_in_dim3A : f32 to vector<16xf32>
      %scan3A_105 = arith.constant 0 : i32
      %scan3A_106 = arith.constant 25 : i32
      %scan3A_107 = arith.addi %scan3A_105, %scan3A_106 : i32
      %scan3A_108 = arith.constant 1 : i32
      %scan3A_109:2 = scf.for %scan3A_117 = %scan3A_105 to %scan3A_107 step %scan3A_108 iter_args(%scan3A_118 = %broadcast_in_dim3A_104, %scan3A_119 = %broadcast_in_dim3A_104) -> (vector<16xf32>, vector<16xf32>)  : i32 {
        %mul3A_120 = arith.constant 8 : i32
        %mul3A_121 = arith.muli %scan3A_117, %mul3A_120 : i32
        %add3A_122 = arith.addi %mul3A_103, %mul3A_121 : i32
        %add3A_123 = arith.constant 0 : i32
        %add3A_124 = arith.addi %add3A_122, %add3A_123 : i32
        %add3A_125 = vector.broadcast %add3A_124 : i32 to vector<16xi32>
        %add3A_126 = arith.addi %mul3A_3, %add3A_125 : vector<16xi32>
        %gather3A = tpu.vector_load_idx %arg9[%add3A_126] : memref<12800xf32, #tpu.memory_space<vmem>>[vector<16xi32>], vector<16xf32>,
        %add3A_127 = arith.addf %scan3A_118, %gather3A : vector<16xf32>
        %add3A_128 = arith.constant 1 : i32
        %add3A_129 = arith.addi %add3A_122, %add3A_128 : i32
        %add3A_130 = vector.broadcast %add3A_129 : i32 to vector<16xi32>
        %add3A_131 = arith.addi %mul3A_3, %add3A_130 : vector<16xi32>
        %gather3A_132 = tpu.vector_load_idx %arg9[%add3A_131] : memref<12800xf32, #tpu.memory_space<vmem>>[vector<16xi32>], vector<16xf32>,
        %add3A_133 = arith.addf %scan3A_119, %gather3A_132 : vector<16xf32>
        %add3A_134 = arith.constant 2 : i32
        %add3A_135 = arith.addi %add3A_122, %add3A_134 : i32
        %add3A_136 = vector.broadcast %add3A_135 : i32 to vector<16xi32>
        %add3A_137 = arith.addi %mul3A_3, %add3A_136 : vector<16xi32>
        %gather3A_138 = tpu.vector_load_idx %arg9[%add3A_137] : memref<12800xf32, #tpu.memory_space<vmem>>[vector<16xi32>], vector<16xf32>,
        %add3A_139 = arith.addf %add3A_127, %gather3A_138 : vector<16xf32>
        %add3A_140 = arith.constant 3 : i32
        %add3A_141 = arith.addi %add3A_122, %add3A_140 : i32
        %add3A_142 = vector.broadcast %add3A_141 : i32 to vector<16xi32>
        %add3A_143 = arith.addi %mul3A_3, %add3A_142 : vector<16xi32>
        %gather3A_144 = tpu.vector_load_idx %arg9[%add3A_143] : memref<12800xf32, #tpu.memory_space<vmem>>[vector<16xi32>], vector<16xf32>,
        %add3A_145 = arith.addf %add3A_133, %gather3A_144 : vector<16xf32>
        %add3A_146 = arith.constant 4 : i32
        %add3A_147 = arith.addi %add3A_122, %add3A_146 : i32
        %add3A_148 = vector.broadcast %add3A_147 : i32 to vector<16xi32>
        %add3A_149 = arith.addi %mul3A_3, %add3A_148 : vector<16xi32>
        %gather3A_150 = tpu.vector_load_idx %arg9[%add3A_149] : memref<12800xf32, #tpu.memory_space<vmem>>[vector<16xi32>], vector<16xf32>,
        %add3A_151 = arith.addf %add3A_139, %gather3A_150 : vector<16xf32>
        %add3A_152 = arith.constant 5 : i32
        %add3A_153 = arith.addi %add3A_122, %add3A_152 : i32
        %add3A_154 = vector.broadcast %add3A_153 : i32 to vector<16xi32>
        %add3A_155 = arith.addi %mul3A_3, %add3A_154 : vector<16xi32>
        %gather3A_156 = tpu.vector_load_idx %arg9[%add3A_155] : memref<12800xf32, #tpu.memory_space<vmem>>[vector<16xi32>], vector<16xf32>,
        %add3A_157 = arith.addf %add3A_145, %gather3A_156 : vector<16xf32>
        %add3A_158 = arith.constant 6 : i32
        %add3A_159 = arith.addi %add3A_122, %add3A_158 : i32
        %add3A_160 = vector.broadcast %add3A_159 : i32 to vector<16xi32>
        %add3A_161 = arith.addi %mul3A_3, %add3A_160 : vector<16xi32>
        %gather3A_162 = tpu.vector_load_idx %arg9[%add3A_161] : memref<12800xf32, #tpu.memory_space<vmem>>[vector<16xi32>], vector<16xf32>,
        %add3A_163 = arith.addf %add3A_151, %gather3A_162 : vector<16xf32>
        %add3A_164 = arith.constant 7 : i32
        %add3A_165 = arith.addi %add3A_122, %add3A_164 : i32
        %add3A_166 = vector.broadcast %add3A_165 : i32 to vector<16xi32>
        %add3A_167 = arith.addi %mul3A_3, %add3A_166 : vector<16xi32>
        %gather3A_168 = tpu.vector_load_idx %arg9[%add3A_167] : memref<12800xf32, #tpu.memory_space<vmem>>[vector<16xi32>], vector<16xf32>,
        %add3A_169 = arith.addf %add3A_157, %gather3A_168 : vector<16xf32>
        scf.yield %add3A_163, %add3A_169 : vector<16xf32>, vector<16xf32>
      }
      %scan3A_110 = arith.constant 25 : i32
      %add3A_111 = arith.addf %scan3A_109#0, %scan3A_109#1 : vector<16xf32>
      %mul3A_112 = arith.constant 16 : i32
      %mul3A_113 = arith.muli %scan3A_101, %mul3A_112 : i32
      %add3A_114 = arith.constant 384 : i32
      %add3A_115 = arith.addi %add3A_114, %mul3A_113 : i32
      %swap3A = arith.index_cast %add3A_115 : i32 to index
      %swap3A_116 = tpu.vector_load %arg11[%swap3A] {strides = array<i32>} : memref<512xf32, #tpu.memory_space<vmem>>, vector<16xf32>,
      tpu.vector_store %arg11[%swap3A], %add3A_111 {strides = array<i32>} : memref<512xf32, #tpu.memory_space<vmem>>, vector<16xf32>,
    }
    %scan3A_90 = arith.constant 4 : i32
    %dma_wait3A_91 = arith.constant 0 : i32
    %dma_wait3A_92 = tpu.memref_slice %arg5[%dma_wait3A_91] : memref<1000000xf32, #tpu.memory_space<vmem_shared>> -> memref<1000000xf32, #tpu.memory_space<vmem_shared>>
    tpu.wait_indirect_dma semaphore(%arg13 : memref<!tpu.dma_semaphore, #tpu.memory_space<semaphore_mem>>) src(%dma_wait3A_92 : memref<1000000xf32, #tpu.memory_space<vmem_shared>>) dst(%arg10 : memref<12800xf32, #tpu.memory_space<vmem>>)
    %scan3A_93 = arith.constant 0 : i32
    %scan3A_94 = arith.constant 0 : i32
    %scan3A_95 = arith.constant 4 : i32
    %scan3A_96 = arith.addi %scan3A_94, %scan3A_95 : i32
    %scan3A_97 = arith.constant 1 : i32
    scf.for %scan3A_101 = %scan3A_94 to %scan3A_96 step %scan3A_97  : i32 {
      %mul3A_102 = arith.constant 3200 : i32
      %mul3A_103 = arith.muli %scan3A_101, %mul3A_102 : i32
      %broadcast_in_dim3A = arith.constant 0.000000e+00 : f32
      %broadcast_in_dim3A_104 = vector.broadcast %broadcast_in_dim3A : f32 to vector<16xf32>
      %scan3A_105 = arith.constant 0 : i32
      %scan3A_106 = arith.constant 25 : i32
      %scan3A_107 = arith.addi %scan3A_105, %scan3A_106 : i32
      %scan3A_108 = arith.constant 1 : i32
      %scan3A_109:2 = scf.for %scan3A_117 = %scan3A_105 to %scan3A_107 step %scan3A_108 iter_args(%scan3A_118 = %broadcast_in_dim3A_104, %scan3A_119 = %broadcast_in_dim3A_104) -> (vector<16xf32>, vector<16xf32>)  : i32 {
        %mul3A_120 = arith.constant 8 : i32
        %mul3A_121 = arith.muli %scan3A_117, %mul3A_120 : i32
        %add3A_122 = arith.addi %mul3A_103, %mul3A_121 : i32
        %add3A_123 = arith.constant 0 : i32
        %add3A_124 = arith.addi %add3A_122, %add3A_123 : i32
        %add3A_125 = vector.broadcast %add3A_124 : i32 to vector<16xi32>
        %add3A_126 = arith.addi %mul3A_3, %add3A_125 : vector<16xi32>
        %gather3A = tpu.vector_load_idx %arg10[%add3A_126] : memref<12800xf32, #tpu.memory_space<vmem>>[vector<16xi32>], vector<16xf32>,
        %add3A_127 = arith.addf %scan3A_118, %gather3A : vector<16xf32>
        %add3A_128 = arith.constant 1 : i32
        %add3A_129 = arith.addi %add3A_122, %add3A_128 : i32
        %add3A_130 = vector.broadcast %add3A_129 : i32 to vector<16xi32>
        %add3A_131 = arith.addi %mul3A_3, %add3A_130 : vector<16xi32>
        %gather3A_132 = tpu.vector_load_idx %arg10[%add3A_131] : memref<12800xf32, #tpu.memory_space<vmem>>[vector<16xi32>], vector<16xf32>,
        %add3A_133 = arith.addf %scan3A_119, %gather3A_132 : vector<16xf32>
        %add3A_134 = arith.constant 2 : i32
        %add3A_135 = arith.addi %add3A_122, %add3A_134 : i32
        %add3A_136 = vector.broadcast %add3A_135 : i32 to vector<16xi32>
        %add3A_137 = arith.addi %mul3A_3, %add3A_136 : vector<16xi32>
        %gather3A_138 = tpu.vector_load_idx %arg10[%add3A_137] : memref<12800xf32, #tpu.memory_space<vmem>>[vector<16xi32>], vector<16xf32>,
        %add3A_139 = arith.addf %add3A_127, %gather3A_138 : vector<16xf32>
        %add3A_140 = arith.constant 3 : i32
        %add3A_141 = arith.addi %add3A_122, %add3A_140 : i32
        %add3A_142 = vector.broadcast %add3A_141 : i32 to vector<16xi32>
        %add3A_143 = arith.addi %mul3A_3, %add3A_142 : vector<16xi32>
        %gather3A_144 = tpu.vector_load_idx %arg10[%add3A_143] : memref<12800xf32, #tpu.memory_space<vmem>>[vector<16xi32>], vector<16xf32>,
        %add3A_145 = arith.addf %add3A_133, %gather3A_144 : vector<16xf32>
        %add3A_146 = arith.constant 4 : i32
        %add3A_147 = arith.addi %add3A_122, %add3A_146 : i32
        %add3A_148 = vector.broadcast %add3A_147 : i32 to vector<16xi32>
        %add3A_149 = arith.addi %mul3A_3, %add3A_148 : vector<16xi32>
        %gather3A_150 = tpu.vector_load_idx %arg10[%add3A_149] : memref<12800xf32, #tpu.memory_space<vmem>>[vector<16xi32>], vector<16xf32>,
        %add3A_151 = arith.addf %add3A_139, %gather3A_150 : vector<16xf32>
        %add3A_152 = arith.constant 5 : i32
        %add3A_153 = arith.addi %add3A_122, %add3A_152 : i32
        %add3A_154 = vector.broadcast %add3A_153 : i32 to vector<16xi32>
        %add3A_155 = arith.addi %mul3A_3, %add3A_154 : vector<16xi32>
        %gather3A_156 = tpu.vector_load_idx %arg10[%add3A_155] : memref<12800xf32, #tpu.memory_space<vmem>>[vector<16xi32>], vector<16xf32>,
        %add3A_157 = arith.addf %add3A_145, %gather3A_156 : vector<16xf32>
        %add3A_158 = arith.constant 6 : i32
        %add3A_159 = arith.addi %add3A_122, %add3A_158 : i32
        %add3A_160 = vector.broadcast %add3A_159 : i32 to vector<16xi32>
        %add3A_161 = arith.addi %mul3A_3, %add3A_160 : vector<16xi32>
        %gather3A_162 = tpu.vector_load_idx %arg10[%add3A_161] : memref<12800xf32, #tpu.memory_space<vmem>>[vector<16xi32>], vector<16xf32>,
        %add3A_163 = arith.addf %add3A_151, %gather3A_162 : vector<16xf32>
        %add3A_164 = arith.constant 7 : i32
        %add3A_165 = arith.addi %add3A_122, %add3A_164 : i32
        %add3A_166 = vector.broadcast %add3A_165 : i32 to vector<16xi32>
        %add3A_167 = arith.addi %mul3A_3, %add3A_166 : vector<16xi32>
        %gather3A_168 = tpu.vector_load_idx %arg10[%add3A_167] : memref<12800xf32, #tpu.memory_space<vmem>>[vector<16xi32>], vector<16xf32>,
        %add3A_169 = arith.addf %add3A_157, %gather3A_168 : vector<16xf32>
        scf.yield %add3A_163, %add3A_169 : vector<16xf32>, vector<16xf32>
      }
      %scan3A_110 = arith.constant 25 : i32
      %add3A_111 = arith.addf %scan3A_109#0, %scan3A_109#1 : vector<16xf32>
      %mul3A_112 = arith.constant 16 : i32
      %mul3A_113 = arith.muli %scan3A_101, %mul3A_112 : i32
      %add3A_114 = arith.constant 448 : i32
      %add3A_115 = arith.addi %add3A_114, %mul3A_113 : i32
      %swap3A = arith.index_cast %add3A_115 : i32 to index
      %swap3A_116 = tpu.vector_load %arg11[%swap3A] {strides = array<i32>} : memref<512xf32, #tpu.memory_space<vmem>>, vector<16xf32>,
      tpu.vector_store %arg11[%swap3A], %add3A_111 {strides = array<i32>} : memref<512xf32, #tpu.memory_space<vmem>>, vector<16xf32>,
    }
    %scan3A_98 = arith.constant 4 : i32
    %mul3A_99 = arith.constant 512 : i32
    %mul3A_100 = arith.muli %add3A, %mul3A_99 : i32
    "tpu.region"() ({
      %run_scoped3A = tpu.sem_alloc : memref<!tpu.dma_semaphore, #tpu.memory_space<semaphore_mem>>
      %dma_start3A_101 = tpu.memref_slice %arg4[%mul3A_100] : memref<16384xf32, #tpu.memory_space<hbm>> -> memref<512xf32, #tpu.memory_space<hbm>>
      %dma_start3A_102 = tpu.memref_slice %arg4[%mul3A_100] : memref<16384xf32, #tpu.memory_space<hbm>> -> memref<512xf32, #tpu.memory_space<hbm>>
      tpu.enqueue_dma source(%arg11 : memref<512xf32, #tpu.memory_space<vmem>>) target(%dma_start3A_102 : memref<512xf32, #tpu.memory_space<hbm>>) target_semaphore(%run_scoped3A : memref<!tpu.dma_semaphore, #tpu.memory_space<semaphore_mem>>)
      %dma_wait3A_103 = tpu.memref_slice %arg4[%mul3A_100] : memref<16384xf32, #tpu.memory_space<hbm>> -> memref<512xf32, #tpu.memory_space<hbm>>
      %dma_wait3A_104 = tpu.memref_slice %arg4[%mul3A_100] : memref<16384xf32, #tpu.memory_space<hbm>> -> memref<512xf32, #tpu.memory_space<hbm>>
      tpu.wait_dma2 semaphore(%run_scoped3A : memref<!tpu.dma_semaphore, #tpu.memory_space<semaphore_mem>>) src(%arg11 : memref<512xf32, #tpu.memory_space<vmem>>) dst(%dma_wait3A_104 : memref<512xf32, #tpu.memory_space<hbm>>)
      tpu.yield
    }) : () -> ()
    return
  }
}

module attributes {stable_mosaic.version = 14 : i64} {
  func.func @_mv_body(%arg0: i32, %arg1: memref<64x8192xf32, #tpu.memory_space<vmem>>, %arg2: memref<64x1xf32, #tpu.memory_space<vmem>>, %arg3: memref<1x1xf32, #tpu.memory_space<vmem>>, %arg4: memref<8192xf32, #tpu.memory_space<vmem>>) attributes {dimension_semantics = [#tpu.dimension_semantics<arbitrary>], iteration_bounds = array<i64: 123>, scalar_prefetch = 0 : i64, scratch_operands = 0 : i64, tpu.core_type = #tpu.core_type<tc>, window_params = [{transform_indices = @transform_0, window_bounds = array<i64: 64, 8192>}, {pipeline_mode = #tpu.pipeline_mode<synchronous>, transform_indices = @transform_1, window_bounds = array<i64: 64, 1>}, {pipeline_mode = #tpu.pipeline_mode<synchronous>, transform_indices = @transform_2, window_bounds = array<i64: 1, 1>}, {transform_indices = @transform_3, window_bounds = array<i64: 8192>}]} {
    %get3A = arith.constant 0 : index
    %get3A_0 = arith.constant 0 : index
    %get3A_1 = vector.load %arg1[%get3A, %get3A_0] : memref<64x8192xf32, #tpu.memory_space<vmem>>, vector<64x8192xf32>
    %get3A_2 = arith.constant 0 : index
    %get3A_3 = arith.constant 0 : index
    %get3A_4 = vector.load %arg2[%get3A_2, %get3A_3] : memref<64x1xf32, #tpu.memory_space<vmem>>, vector<64x1xf32>
    %mul3A = vector.broadcast %get3A_4 : vector<64x1xf32> to vector<64x8192xf32>
    %mul3A_5 = arith.mulf %get3A_1, %mul3A : vector<64x8192xf32>
    %reduce_sum3A = arith.constant dense<0.000000e+00> : vector<8192xf32>
    %reduce_sum3A_6 = vector.multi_reduction <add>, %mul3A_5, %reduce_sum3A [0] : vector<64x8192xf32> to vector<8192xf32>
    %broadcast_in_dim3A = vector.shape_cast %reduce_sum3A_6 : vector<8192xf32> to vector<1x8192xf32>
    %get3A_7 = arith.constant 0 : index
    %get3A_8 = arith.constant 0 : index
    %get3A_9 = vector.load %arg3[%get3A_7, %get3A_8] : memref<1x1xf32, #tpu.memory_space<vmem>>, vector<1x1xf32>
    %get3A_10 = vector.extract %get3A_9[0, 0] : f32 from vector<1x1xf32>
    %add3A = vector.broadcast %get3A_10 : f32 to vector<1x8192xf32>
    %add3A_11 = arith.addf %broadcast_in_dim3A, %add3A : vector<1x8192xf32>
    %mul3A_12 = arith.constant 5.000000e-03 : f32
    %mul3A_13 = vector.broadcast %mul3A_12 : f32 to vector<1x8192xf32>
    %mul3A_14 = arith.mulf %add3A_11, %mul3A_13 : vector<1x8192xf32>
    %reshape3A = vector.shape_cast %mul3A_14 : vector<1x8192xf32> to vector<8192xf32>
    %swap3A = arith.constant 0 : index
    %swap3A_15 = vector.load %arg4[%swap3A] : memref<8192xf32, #tpu.memory_space<vmem>>, vector<8192xf32>
    tpu.vector_store %arg4[%swap3A], %reshape3A {strides = array<i32>} : memref<8192xf32, #tpu.memory_space<vmem>>, vector<8192xf32>,
    return
  }
  func.func @transform_0(%arg0: i32) -> (i32, i32) {
    %c0_i32 = arith.constant 0 : i32
    %c0_i32_0 = arith.constant 0 : i32
    return %c0_i32, %arg0 : i32, i32
  }
  func.func @transform_1(%arg0: i32) -> (i32, i32) {
    %c0_i32 = arith.constant 0 : i32
    %c0_i32_0 = arith.constant 0 : i32
    %c0_i32_1 = arith.constant 0 : i32
    return %c0_i32, %c0_i32_0 : i32, i32
  }
  func.func @transform_2(%arg0: i32) -> (i32, i32) {
    %c0_i32 = arith.constant 0 : i32
    %c0_i32_0 = arith.constant 0 : i32
    %c0_i32_1 = arith.constant 0 : i32
    return %c0_i32, %c0_i32_0 : i32, i32
  }
  func.func @transform_3(%arg0: i32) -> i32 {
    %c0_i32 = arith.constant 0 : i32
    return %arg0 : i32
  }
}

</mosaic_0001>

<sc_bundles>
// kernel: kernel.4.cloned.1.call-start
scs
__scs_entry_jumppad:
0x0: {  	(pc) =	sbr.rel $0x88, $3  }
0x1: {  	(tag) =	ssettag $0x0;
	lr =	simm.s32 $0x1  }
0x2: {  	[smem:$0x3F9D] =	sst lr;
	_ =	strace $0xD0000000  }
0x3: {  	_ = 	snop  }
0x4: {  	_ = 	snop  }
0x5: {  	_ = 	snop  }
0x6: {  	_ = 	snop  }
0x7: {  	_ = 	snop  }
__scs_overlays_trampoline_lowered:
0x8: {  	[smem:$0x3FAC] =	sst s0  }
0x9: {  	[smem:$0x3FAD] =	sst s1  }
0xa: {  	[smem:$0x3FAE] =	sst s2  }
0xb: {  	[smem:$0x3FAF] =	sst s3  }
0xc: {  	[smem:$0x3FB0] =	sst s4  }
0xd: {  	[smem:$0x3FB1] =	sst s5  }
0xe: {  	[smem:$0x3FB2] =	sst s6  }
0xf: {  	[smem:$0x3FB3] =	sst s7  }
0x10: {  	[smem:$0x3FB4] =	sst s8  }
0x11: {  	[smem:$0x3FB5] =	sst s9;
	s0 =	simm.s32 @!p0 $0x0  }
0x12: {  	s1 =	sld [smem:$0x3F9B];
	s0 =	simm.s32 @p0 $0x1  }
0x13: {  	[smem:$0x3FB6] =	sst s0;
	s0 =	simm.s32 @!p1 $0x0  }
0x14: {  	s2 =	sld [smem:$0x3F9A];
	s0 =	simm.s32 @p1 $0x1  }
0x15: {  	[smem:$0x3FB7] =	sst s0;
	s0 =	simm.s32 @!p2 $0x0  }
0x16: {  	s3 =	sld [smem:$0x3FDB];
	s0 =	simm.s32 @p2 $0x1  }
0x17: {  	s4 =	simm.s32 $0x1BF5;
	[smem:$0x3FB9] =	sst s0  }
0x18: {  	s0 =	sld [smem:$0x3F9C];
	_ =	swait.ge [sflag:s4], $0x0  }
0x19: {  	s7 =	sld [smem:$0x3F9D]  }
0x1a: {  	s8 =	sadd.s32 $0xFFFFE003, lr  }
0x1b: {  	s9 =	sadd.s32 $0xFFFFFEF7, lr;
	s5 =	simm.s32 $0xFFFFFFFF;
	p2 =	slt.u32 s8, $0xFFFFF086  }
0x1c: {  	p1 =	slt.u32 s9, $0xF7A;
	s5 =	simm.s32 @!p2 $0x0  }
0x1d: {  	s5 =	simm.s32 @p1 $0x1;
	p0 =	seq.s32 s7, s2  }
0x1e: {  	s7 =	smul.u32 @!p0 $0xF7A, s2;
	p2 =	seq.s32 @!p0 s5, $0x0  }
0x1f: {  	s9 =	smul.u32 $0xF7A, s1;
	s8 =	simm.s32 @!p0 $0x1BF5;
	p2 =	por !p2, p0  }
0x20: {  	[sflag:s8] =	ssyncset.s32 @!p0 $0xFFFFF086;
	s6 =	sadd.s32 @!p0 s3, s7;
	s7 =	simm.s32 @!p0 $0x108  }
0x21: {  	s3 =	sadd.s32 s3, s9;
	s6 =	sadd.s32 @!p0 $0x88, s6;
	s7 =	simm.s32 @p2 $0x1082  }
0x22: {  	[simem:s7], [sflag:s8] =	dma.local @!p0 [hbm:s6], $0xF7A  }
0x23: {  	s9 =	sor.u32 $0xD0000000, s2;
	s6 =	simm.s32 $0x108;
	_ =	swait.ge @!p0 [sflag:s8], $0x0  }
0x24: {  	s3 =	sadd.s32 $0x88, s3;
	s6 =	simm.s32 @!p1 $0x1082;
	[sflag:s4] =	ssyncset.s32 $0xFFFFF086  }
0x25: {  	[simem:s6], [sflag:s4] =	dma.local [hbm:s3], $0xF7A  }
0x26: {  	[smem:$0x3F9D] =	sst s1;
	(tag) =	ssettag s2;
	_ =	strace s9  }
0x27: {  	s1 =	sld [smem:$0x3FAD]  }
0x28: {  	s2 =	sld [smem:$0x3FAE]  }
0x29: {  	s4 =	sld [smem:$0x3FB0]  }
0x2a: {  	p0 =	seq.s32 s5, $0x0;
	s5 =	sld [smem:$0x3FB1]  }
0x2b: {  	s6 =	sld [smem:$0x3FB2]  }
0x2c: {  	s7 =	sld [smem:$0x3FB3]  }
0x2d: {  	s3 =	simm.s32 $0x108;
	s8 =	sld [smem:$0x3FB4]  }
0x2e: {  	s3 =	simm.s32 @!p0 $0x1082;
	s9 =	sld [smem:$0x3FB5]  }
0x2f: {  	lr =	sadd.s32 s0, s3;
	s0 =	sld [smem:$0x3FAC]  }
0x30: {  	s3 =	sld [smem:$0x3FAF]  }
0x31: {  	[smem:$0x3FB8] =	sst s10  }
0x32: {  	s10 =	sld [smem:$0x3FB6];
	_ =	sdelay $0x3  }
0x33: {  	p0 =	seq.s32 s10, $0x1;
	s10 =	sld [smem:$0x3FB8];
	_ =	sdelay $0x3  }
0x34: {  	[smem:$0x3FB8] =	sst s10  }
0x35: {  	s10 =	sld [smem:$0x3FB7];
	_ =	sdelay $0x3  }
0x36: {  	p1 =	seq.s32 s10, $0x1;
	s10 =	sld [smem:$0x3FB8];
	_ =	sdelay $0x3  }
0x37: {  	[smem:$0x3FB8] =	sst s10  }
0x38: {  	s10 =	sld [smem:$0x3FB9]  }
0x39: {  	_ = 	snop;
	(pc) =	sbr.ind lr, $3  }
0x3a: {  	_ = 	snop  }
0x3b: {  	_ = 	snop  }
0x3c: {  	p2 =	seq.s32 s10, $0x1;
	s10 =	sld [smem:$0x3FB8]  }
0x3d: {  	_ =	shalt  }
0x3e: {  	_ =	shalt  }
0x3f: {  	_ =	shalt  }
0x40: {  	_ =	shalt  }
0x41: {  	_ =	shalt  }
0x42: {  	_ =	shalt  }
0x43: {  	_ =	shalt  }
0x44: {  	_ =	shalt  }
0x45: {  	_ =	shalt  }
0x46: {  	_ =	shalt  }
0x47: {  	_ =	shalt  }
0x48: {  	_ =	shalt  }
0x49: {  	_ =	shalt  }
0x4a: {  	_ =	shalt  }
0x4b: {  	_ =	shalt  }
0x4c: {  	_ =	shalt  }
0x4d: {  	_ =	shalt  }
0x4e: {  	_ =	shalt  }
0x4f: {  	_ =	shalt  }
0x50: {  	_ =	shalt  }
0x51: {  	_ =	shalt  }
0x52: {  	_ =	shalt  }
0x53: {  	_ =	shalt  }
0x54: {  	_ =	shalt  }
0x55: {  	_ =	shalt  }
0x56: {  	_ =	shalt  }
0x57: {  	_ =	shalt  }
0x58: {  	_ =	shalt  }
0x59: {  	_ =	shalt  }
0x5a: {  	_ =	shalt  }
0x5b: {  	_ =	shalt  }
0x5c: {  	_ =	shalt  }
0x5d: {  	_ =	shalt  }
0x5e: {  	_ =	shalt  }
0x5f: {  	_ =	shalt  }
0x60: {  	_ =	shalt  }
0x61: {  	_ =	shalt  }
0x62: {  	_ =	shalt  }
0x63: {  	_ =	shalt  }
0x64: {  	_ =	shalt  }
0x65: {  	_ =	shalt  }
0x66: {  	_ =	shalt  }
0x67: {  	_ =	shalt  }
0x68: {  	_ =	shalt  }
0x69: {  	_ =	shalt  }
0x6a: {  	_ =	shalt  }
0x6b: {  	_ =	shalt  }
0x6c: {  	_ =	shalt  }
0x6d: {  	_ =	shalt  }
0x6e: {  	_ =	shalt  }
0x6f: {  	_ =	shalt  }
0x70: {  	_ =	shalt  }
0x71: {  	_ =	shalt  }
0x72: {  	_ =	shalt  }
0x73: {  	_ =	shalt  }
0x74: {  	_ =	shalt  }
0x75: {  	_ =	shalt  }
0x76: {  	_ =	shalt  }
0x77: {  	_ =	shalt  }
0x78: {  	_ =	shalt  }
0x79: {  	_ =	shalt  }
0x7a: {  	_ =	shalt  }
0x7b: {  	_ =	shalt  }
0x7c: {  	_ =	shalt  }
0x7d: {  	_ =	shalt  }
0x7e: {  	_ =	shalt  }
0x7f: {  	_ =	shalt  }
0x80: {  	_ =	shalt  }
0x81: {  	_ =	shalt  }
0x82: {  	_ =	shalt  }
0x83: {  	_ =	shalt  }
0x84: {  	_ =	shalt  }
0x85: {  	_ =	shalt  }
0x86: {  	_ =	shalt  }
0x87: {  	_ =	shalt  }
.Lfunc_end0:
.L_simem_size_0:
called_computation_lowered:
.L_overlay_start_0:
0x88: {  	s2 =	sld [smem:$0x3FD9]  }
0x89: {  	s3 =	sld [smem:$0x3FFE];
	_ =	sdelay $0x1  }
0x8a: {  	s1 =	srdreg.scid  }
0x8b: {  	s0 =	sand.u32 $0x1, s1  }
0x8c: {  	s17 =	sshll.u32 s0, $0xA;
	s2 =	sadd.s32 s3, s2  }
0x8d: {  	s2 =	sadd.s32 s2, s17  }
0x8e: {  	[smem:$0x3FC4] =	sst s2  }
0x8f: {  	_ = 	snop  }
0x90: {  	s2 =	sld [smem:$0x3FD0];
	(tm) =	ssettm $0x1  }
0x91: {  	s18 =	sld [smem:$0x3FFB];
	_ =	sdelay $0x3  }
0x92: {  	_ =	strace s18  }
0x93: {  	s3 =	sld [smem:$0x3FFC];
	_ =	sdelay $0x3  }
0x94: {  	_ =	strace s3  }
0x95: {  	s3 =	sld [smem:$0x3FFD];
	_ =	sdelay $0x3  }
0x96: {  	_ =	strace s3  }
0x97: {  	_ =	strace $0x8FFFFFFF  }
0x98: {  	s19 =	sld [smem:$0x3FDB];
	_ =	sdelay $0x1  }
0x99: {  	s4 =	simm.s32 $_scs_section_size  }
0x9a: {  	s5 =	simm.s32 $_size__tile_overlayer_lowered;
	s6 =	simm.s32 $_tile_overlayer_lowered  }
0x9b: {  	s22 =	simm.s32 $0x1BFF;
	s21 =	sshll.u32 s6, $0x1;
	s3 =	sadd.s32 s4, s19  }
0x9c: {  	s7 =	simm.s32 $0x0;
	s20 =	sshll.u32 s5, $0x1;
	s5 =	sadd.s32 s21, s3  }
0x9d: {  	[timem:s7], [sflag:s22] =	dma.local [hbm:s5], s20  }
0x9e: {  	_ =	swait.ge [sflag:s22], s20  }
0x9f: {  	s4 =	ssub.s32 $0x0, s20;
	[sflag:s22] =	ssyncset.done $0x0  }
0xa0: {  	[sflag:s22] =	ssyncadd.s32 s4;
	_ =	sdelay $0x1  }
0xa1: {  	s23 =	simm.s32 $0x1B8B  }
0xa2: {  	_ =	swait.ge [sflag:s23], $0x1  }
0xa3: {  	[sflag:s23] =	ssyncset.done $0x0  }
0xa4: {  	s25 =	simm.s32 $0x1B8E;
	s24 =	sld [smem:$0x3FFE];
	[sflag:s23] =	ssyncadd.s32 $0xFFFFFFFF  }
0xa5: {  	s26 =	simm.s32 $execute0_lowered;
	[smem:$0x3FD2] =	sst s25  }
0xa6: {  	s5 =	sshll.u32 s26, $0x1;
	_ =	strace $0x80000046;
	[dreg:$0x1] =	wrdreg $0xFFFFFFFF  }
0xa7: {  	s28 =	simm.s32 $_size_execute0_lowered;
	s3 =	sadd.s32 s3, s5;
	[dreg:$0x0] =	wrdreg $0x0  }
0xa8: {  	s5 =	sshll.u32 s28, $0x1;
	[dreg:$0x2] =	wrdreg s3  }
0xa9: {  	[dreg:$0x3] =	wrdreg s5  }
0xaa: {  	[dreg:$0x4] =	wrdreg $0xC0  }
0xab: {  	_ =	task [dreg:s7], $0x5FFFF  }
0xac: {  	[dreg:$0x1] =	wrdreg $0xFFFFFFFF  }
0xad: {  	[dreg:$0x0] =	wrdreg $0x60  }
0xae: {  	[dreg:$0x2] =	wrdreg s24  }
0xaf: {  	[dreg:$0x3] =	wrdreg s2  }
0xb0: {  	[dreg:$0x4] =	wrdreg $0x0  }
0xb1: {  	[dreg:$0x5] =	wrdreg $0x9  }
0xb2: {  	_ =	task.clear_ibuf [dreg:s7], $0x6FFFF;
	_ =	strace $0x90000046  }
0xb3: {  	s29 =	simm.s32 $0x9;
	_ =	strace $0x80000048  }
0xb4: {  	_ =	swait.ge [sflag:s29], $0x1  }
0xb5: {  	[sflag:s29] =	ssyncadd.s32 $0xFFFFFFFF  }
0xb6: {  	_ =	strace $0x90000048  }
0xb7: {  	_ =	sfence  }
0xb8: {  	s30 =	sld [smem:$0x0];
	_ =	sdelay $0x2  }
0xb9: {  	s31 =	sshll.u32 s1, $0xD;
	s1 =	sshrl.u32 s1, $0x2  }
0xba: {  	s3 =	sand.u32 $0x4000, s31;
	s1 =	sadd.s32 s1, s30  }
0xbb: {  	s0 =	sor.u32 s3, s0;
	s1 =	sshll.u32 s1, $0x11  }
0xbc: {  	s0 =	sor.u32 s1, s0  }
0xbd: {  	s0 =	sadd.s32 $0x8F2B, s0  }
0xbe: {  	[sflag:s0] =	ssyncadd.remote.s32 $0x1  }
0xbf: {  	_ =	sfence.sel $0xFFFF  }
0xc0: {  	[dreg:$0x0] =	wrdreg $0xFFFFFFFF;
	(pc) =	sbr.abs _section_cstart, $3  }
0xc1: {  	[dreg:$0x1] =	wrdreg $0xFFFFFFFF  }
0xc2: {  	_ =	task.clear_ibuf [dreg:s7], $0x2FFFF;
	_ =	strace $0x9FFFFFFF  }
0xc3: {  	(tm) =	ssettm $0x7FFFFFFF  }
tec
execute0_lowered:
.L_overlay_start_1:
0x0: {  	(tag) =	ssettag $0x1  }
0x1: {  	s0 =	srdreg.scid;
	s4 =	rddreg [dreg:$0x0]  }
0x2: {  	s2 =	stileid.u32;
	s1 =	simm.s32 $0x0;
	s30 =	rddreg [dreg:$0x1]  }
0x3: {  	s3 =	sand.u32 $0x1, s0;
	s20 =	sshll.u32 s2, $0x1;
	[smem:$0x7FF] =	sst s1  }
0x4: {  	s2 =	smul.u32 $0x1E848, s2;
	s6 =	sadd.s32 $0x64800, s4;
	s0 =	sor.u32 s3, s20  }
0x5: {  	s7 =	ssub.s32 $0x2, s3;
	[smem:$0x7E9] =	sst s0;
	s5 =	smul.u32 $0x19000, s0  }
0x6: {  	s21 =	sshrl.u32 s7, $0x1;
	s23 =	sshrl.u32 s2, $0x3;
	s9 =	sadd.s32 $0x4E20, s2  }
0x7: {  	s29 =	sadd.s32 $0x19A28, s2;
	s22 =	ssub.s32 s7, s21;
	s24 =	sadd.s32 s6, s23  }
0x8: {  	s7 =	sadd.s32 $0x2710, s2;
	s11 =	sshrl.u32 s9, $0x3;
	[smem:$0x7FD] =	sst s22  }
0x9: {  	s5 =	sshrl.u32 s5, $0x3;
	[dreg:$0x4] =	wrdreg s24;
	s10 =	sshrl.u32 s7, $0x3  }
0xa: {  	s13 =	sadd.s32 s6, s11;
	s11 =	sadd.s32 $0x7530, s2;
	s3 =	sadd.s32 s5, s4  }
0xb: {  	s5 =	sadd.s32 $0x1388, s2;
	s26 =	sadd.s32 s6, s10;
	[dreg:$0x8] =	wrdreg s13  }
0xc: {  	s10 =	sadd.s32 $0x61A8, s2;
	s15 =	sshrl.u32 s11, $0x3;
	s8 =	sshrl.u32 s5, $0x3  }
0xd: {  	[dreg:$0x6] =	wrdreg s26;
	s13 =	sshrl.u32 s10, $0x3;
	s16 =	sadd.s32 s6, s15  }
0xe: {  	s15 =	sadd.s32 $0xC350, s2;
	s25 =	sadd.s32 s6, s8;
	s8 =	sadd.s32 $0x3A98, s2  }
0xf: {  	s14 =	sadd.s32 s6, s13;
	[dreg:$0xa] =	wrdreg s16;
	s13 =	sadd.s32 $0x9C40, s2  }
0x10: {  	[dreg:$0x5] =	wrdreg s25;
	s4 =	sshrl.u32 s8, $0x3;
	s16 =	sshrl.u32 s13, $0x3  }
0x11: {  	[dreg:$0x9] =	wrdreg s14;
	s12 =	sadd.s32 s6, s4;
	s18 =	sadd.s32 s6, s16  }
0x12: {  	s16 =	sadd.s32 $0xD6D8, s2;
	[dreg:$0x7] =	wrdreg s12;
	s12 =	sadd.s32 $0x88B8, s2  }
0x13: {  	[dreg:$0xc] =	wrdreg s18;
	s22 =	sshrl.u32 s16, $0x3;
	s18 =	sadd.s32 $0xEA60, s2  }
0x14: {  	s14 =	sshrl.u32 s12, $0x3;
	s23 =	sadd.s32 s6, s22;
	s24 =	sshrl.u32 s18, $0x3  }
0x15: {  	s22 =	sadd.s32 $0x13880, s2;
	s17 =	sadd.s32 s6, s14;
	[dreg:$0xf] =	wrdreg s23  }
0x16: {  	s14 =	sadd.s32 $0xAFC8, s2;
	s25 =	sadd.s32 s6, s24;
	[dreg:$0xb] =	wrdreg s17  }
0x17: {  	s19 =	sshrl.u32 s14, $0x3;
	s17 =	sshrl.u32 s15, $0x3;
	[dreg:$0x10] =	wrdreg s25  }
0x18: {  	s20 =	sadd.s32 s6, s19;
	s21 =	sadd.s32 s6, s17;
	s19 =	sadd.s32 $0xFDE8, s2  }
0x19: {  	s17 =	sadd.s32 $0x11170, s2;
	[dreg:$0xd] =	wrdreg s20;
	s20 =	sshrl.u32 s19, $0x3  }
0x1a: {  	[dreg:$0xe] =	wrdreg s21;
	s4 =	sshrl.u32 s17, $0x3;
	s26 =	sadd.s32 s6, s20  }
0x1b: {  	s21 =	sadd.s32 $0x124F8, s2;
	s23 =	sadd.s32 s6, s4;
	[dreg:$0x11] =	wrdreg s26  }
0x1c: {  	s24 =	sshrl.u32 s21, $0x3;
	s20 =	sadd.s32 $0x14C08, s2;
	[dreg:$0x12] =	wrdreg s23  }
0x1d: {  	s23 =	sshrl.u32 s22, $0x3;
	s25 =	sadd.s32 s6, s24;
	s4 =	sshrl.u32 s20, $0x3  }
0x1e: {  	s24 =	sadd.s32 $0x15F90, s2;
	[dreg:$0x13] =	wrdreg s25;
	s26 =	sadd.s32 s6, s23  }
0x1f: {  	[dreg:$0x14] =	wrdreg s26;
	s26 =	sadd.s32 s6, s4;
	s4 =	sshrl.u32 s24, $0x3  }
0x20: {  	s25 =	sadd.s32 $0x17318, s2;
	[dreg:$0x15] =	wrdreg s26;
	s23 =	sadd.s32 s6, s4  }
0x21: {  	s26 =	sshrl.u32 s25, $0x3;
	[dreg:$0x16] =	wrdreg s23;
	s23 =	sadd.s32 $0x186A0, s2  }
0x22: {  	s31 =	sadd.s32 $0x1ADB0, s2;
	s26 =	sadd.s32 s6, s26;
	s4 =	sshrl.u32 s23, $0x3  }
0x23: {  	[dreg:$0x17] =	wrdreg s26;
	s26 =	sadd.s32 s6, s4;
	s4 =	sshrl.u32 s29, $0x3  }
0x24: {  	s28 =	sshrl.u32 s31, $0x3;
	[dreg:$0x18] =	wrdreg s26;
	s26 =	sadd.s32 s6, s4  }
0x25: {  	s4 =	sadd.s32 s6, s28;
	[dreg:$0x19] =	wrdreg s26;
	s26 =	sadd.s32 $0x1C138, s2  }
0x26: {  	[dreg:$0x1a] =	wrdreg s4;
	s28 =	sshrl.u32 s26, $0x3  }
0x27: {  	s0 =	sadd.s32 $0x1D4C0, s2;
	s4 =	sadd.s32 s6, s28;
	s28 =	rddreg [dreg:$0x2]  }
0x28: {  	[dreg:$0x1b] =	wrdreg s4;
	s4 =	sshrl.u32 s0, $0x3  }
0x29: {  	s4 =	sadd.s32 s6, s4;
	s6 =	sld [smem:$0x7E9]  }
0x2a: {  	s2 =	sadd.s32 s2, s28;
	[dreg:$0x1c] =	wrdreg s4  }
0x2b: {  	s7 =	sadd.s32 s7, s28;
	_ =	strace $0x80000047;
	[dreg:$0x1d] =	wrdreg s2  }
0x2c: {  	s8 =	sadd.s32 s8, s28;
	[dreg:$0x1f] =	wrdreg s7  }
0x2d: {  	s9 =	sadd.s32 s9, s28;
	[smem:$0x7EA] =	sst s8  }
0x2e: {  	s10 =	sadd.s32 s10, s28;
	[smem:$0x7EB] =	sst s9  }
0x2f: {  	s11 =	sadd.s32 s11, s28;
	[smem:$0x7EC] =	sst s10  }
0x30: {  	[smem:$0x7ED] =	sst s11;
	s7 =	sadd.s32 s15, s28;
	s8 =	sadd.s32 s16, s28  }
0x31: {  	s9 =	sadd.s32 s18, s28;
	s10 =	sadd.s32 s19, s28;
	[smem:$0x7F1] =	sst s7  }
0x32: {  	s11 =	sadd.s32 s17, s28;
	s15 =	sadd.s32 s24, s28;
	[smem:$0x7F2] =	sst s8  }
0x33: {  	s16 =	sadd.s32 s25, s28;
	s17 =	sadd.s32 s23, s28;
	[smem:$0x7F3] =	sst s9  }
0x34: {  	s18 =	sadd.s32 s29, s28;
	s23 =	sadd.s32 s0, s28;
	[smem:$0x7F4] =	sst s10  }
0x35: {  	s24 =	sadd.s32 $0x800, s3;
	s29 =	sadd.s32 $0x1480, s3;
	[smem:$0x7F5] =	sst s11  }
0x36: {  	s25 =	sadd.s32 $0x2100, s3;
	s0 =	sadd.s32 $0x2740, s3;
	[smem:$0x7F9] =	sst s15  }
0x37: {  	s2 =	sadd.s32 $0x2D80, s3;
	s4 =	sshll.u32 s6, $0x6;
	[smem:$0x7FA] =	sst s16  }
0x38: {  	s6 =	sadd.s32 s5, s28;
	s5 =	sadd.s32 s13, s28;
	[smem:$0x7FB] =	sst s17  }
0x39: {  	s13 =	sadd.s32 s22, s28;
	[smem:$0x7FC] =	sst s18;
	s22 =	sadd.s32 s26, s28  }
0x3a: {  	s26 =	sadd.s32 $0xE40, s3;
	s19 =	sld [smem:$0x7FD];
	s7 =	simm.s32 $0x10828  }
0x3b: {  	s8 =	simm.s32 $0x3200;
	s9 =	simm.s32 $0x16C28;
	s10 =	simm.s32 $0x13A28  }
0x3c: {  	s11 =	simm.s32 $0x19E28;
	s30 =	sadd.s32 s30, s4;
	[dreg:$0x1e] =	wrdreg s6  }
0x3d: {  	s4 =	sadd.s32 s12, s28;
	[smem:$0x7EF] =	sst s5;
	s6 =	sadd.s32 s14, s28  }
0x3e: {  	s12 =	sadd.s32 s21, s28;
	[smem:$0x7F7] =	sst s13;
	s14 =	sadd.s32 s20, s28  }
0x3f: {  	s21 =	sadd.s32 s31, s28;
	s31 =	sadd.s32 $0x1AC0, s3;
	[smem:$0x7EE] =	sst s4  }
0x40: {  	s3 =	sadd.s32 $0x33C0, s3;
	s20 =	stileid.u32;
	[smem:$0x7F0] =	sst s6  }
0x41: {  	v0 =	vlaneseq.u32;
	s5 =	simm.s32 $0xF428;
	s13 =	simm.s32 $0x2;
	[smem:$0x7F6] =	sst s12  }
0x42: {  	v0 =	vmul.u32 $0xC8, v0;
	[smem:$0x7F8] =	sst s14;
	p0 =	sgt.u32 s20, $0x7;
	s6 =	simm.s32 $0x3  }
0x43: {  	s12 =	simm.s32 $0x1;
	s14 =	simm.s32 $0x0;
	s4 =	smax.u32 s19, $0x1  }
.LBB2_1:
.Ltmp0:
0x44: {  	(pc) =	sbr.rel @p0 .LBB2_3-.Ltmp0, $1  }
0x45: {  	_ =	sdelay $0x3  }
0x46: {  	s15 =	rddreg [dreg:$0x4]  }
0x47: {  	[tilespmem:s5], [sflag:$0x3] =	stream.linear.gather [hbm4b:s15+s1], $0x1388, $0x38;
	[tilespmem:$0x1D228] =	vst v63  }
0x48: {  	_ =	swait.ge [sflag:s6], $0x1388  }
0x49: {  	[sflag:s6] =	ssyncset.done $0x0  }
0x4a: {  	s20 =	rddreg [dreg:$0x1d];
	[sflag:s6] =	ssyncadd.s32 $0xFFFFEC78  }
0x4b: {  	[spmem:s20] =	stream.linear.scatter [tilespmem:s5], [sflag:$0x3], $0x1388, $0x38;
	[tilespmem:$0x1D228] =	vst v63  }
0x4c: {  	_ =	swait.ge [sflag:s6], $0x1388  }
0x4d: {  	[sflag:s6] =	ssyncset.done $0x0  }
0x4e: {  	s16 =	rddreg [dreg:$0x5];
	[sflag:s6] =	ssyncadd.s32 $0xFFFFEC78  }
0x4f: {  	[tilespmem:s5], [sflag:$0x3] =	stream.linear.gather [hbm4b:s16+s1], $0x1388, $0x38;
	[tilespmem:$0x1D228] =	vst v63  }
0x50: {  	_ =	swait.ge [sflag:s6], $0x1388  }
0x51: {  	[sflag:s6] =	ssyncset.done $0x0  }
0x52: {  	s17 =	rddreg [dreg:$0x1e];
	[sflag:s6] =	ssyncadd.s32 $0xFFFFEC78  }
0x53: {  	[spmem:s17] =	stream.linear.scatter [tilespmem:s5], [sflag:$0x3], $0x1388, $0x38;
	[tilespmem:$0x1D228] =	vst v63  }
0x54: {  	_ =	swait.ge [sflag:s6], $0x1388  }
0x55: {  	[sflag:s6] =	ssyncset.done $0x0  }
0x56: {  	s18 =	rddreg [dreg:$0x6];
	[sflag:s6] =	ssyncadd.s32 $0xFFFFEC78  }
0x57: {  	[tilespmem:s5], [sflag:$0x3] =	stream.linear.gather [hbm4b:s18+s1], $0x1388, $0x38;
	[tilespmem:$0x1D228] =	vst v63  }
0x58: {  	_ =	swait.ge [sflag:s6], $0x1388  }
0x59: {  	[sflag:s6] =	ssyncset.done $0x0  }
0x5a: {  	s19 =	rddreg [dreg:$0x1f];
	[sflag:s6] =	ssyncadd.s32 $0xFFFFEC78  }
0x5b: {  	[spmem:s19] =	stream.linear.scatter [tilespmem:s5], [sflag:$0x3], $0x1388, $0x38;
	[tilespmem:$0x1D228] =	vst v63  }
0x5c: {  	_ =	swait.ge [sflag:s6], $0x1388  }
0x5d: {  	[sflag:s6] =	ssyncset.done $0x0  }
0x5e: {  	s20 =	rddreg [dreg:$0x7];
	[sflag:s6] =	ssyncadd.s32 $0xFFFFEC78  }
0x5f: {  	[tilespmem:s5], [sflag:$0x3] =	stream.linear.gather [hbm4b:s20+s1], $0x1388, $0x38;
	[tilespmem:$0x1D228] =	vst v63  }
0x60: {  	_ =	swait.ge [sflag:s6], $0x1388  }
0x61: {  	s16 =	sld [smem:$0x7EA]  }
0x62: {  	[sflag:s6] =	ssyncset.done $0x0  }
0x63: {  	[sflag:s6] =	ssyncadd.s32 $0xFFFFEC78  }
0x64: {  	[spmem:s16] =	stream.linear.scatter [tilespmem:s5], [sflag:$0x3], $0x1388, $0x38;
	[tilespmem:$0x1D228] =	vst v63  }
0x65: {  	_ =	swait.ge [sflag:s6], $0x1388  }
0x66: {  	[sflag:s6] =	ssyncset.done $0x0  }
0x67: {  	s17 =	rddreg [dreg:$0x8];
	[sflag:s6] =	ssyncadd.s32 $0xFFFFEC78  }
0x68: {  	[tilespmem:s5], [sflag:$0x3] =	stream.linear.gather [hbm4b:s17+s1], $0x1388, $0x38;
	[tilespmem:$0x1D228] =	vst v63  }
0x69: {  	_ =	swait.ge [sflag:s6], $0x1388  }
0x6a: {  	s18 =	sld [smem:$0x7EB]  }
0x6b: {  	[sflag:s6] =	ssyncset.done $0x0  }
0x6c: {  	[sflag:s6] =	ssyncadd.s32 $0xFFFFEC78  }
0x6d: {  	[spmem:s18] =	stream.linear.scatter [tilespmem:s5], [sflag:$0x3], $0x1388, $0x38;
	[tilespmem:$0x1D228] =	vst v63  }
0x6e: {  	_ =	swait.ge [sflag:s6], $0x1388  }
0x6f: {  	[sflag:s6] =	ssyncset.done $0x0  }
0x70: {  	s19 =	rddreg [dreg:$0x9];
	[sflag:s6] =	ssyncadd.s32 $0xFFFFEC78  }
0x71: {  	[tilespmem:s5], [sflag:$0x3] =	stream.linear.gather [hbm4b:s19+s1], $0x1388, $0x38;
	[tilespmem:$0x1D228] =	vst v63  }
0x72: {  	_ =	swait.ge [sflag:s6], $0x1388  }
0x73: {  	s20 =	sld [smem:$0x7EC]  }
0x74: {  	[sflag:s6] =	ssyncset.done $0x0  }
0x75: {  	[sflag:s6] =	ssyncadd.s32 $0xFFFFEC78  }
0x76: {  	[spmem:s20] =	stream.linear.scatter [tilespmem:s5], [sflag:$0x3], $0x1388, $0x38;
	[tilespmem:$0x1D228] =	vst v63  }
0x77: {  	_ =	swait.ge [sflag:s6], $0x1388  }
0x78: {  	[sflag:s6] =	ssyncset.done $0x0  }
0x79: {  	s16 =	rddreg [dreg:$0xa];
	[sflag:s6] =	ssyncadd.s32 $0xFFFFEC78  }
0x7a: {  	[tilespmem:s5], [sflag:$0x3] =	stream.linear.gather [hbm4b:s16+s1], $0x1388, $0x38;
	[tilespmem:$0x1D228] =	vst v63  }
0x7b: {  	_ =	swait.ge [sflag:s6], $0x1388  }
0x7c: {  	s17 =	sld [smem:$0x7ED]  }
0x7d: {  	[sflag:s6] =	ssyncset.done $0x0  }
0x7e: {  	[sflag:s6] =	ssyncadd.s32 $0xFFFFEC78  }
0x7f: {  	[spmem:s17] =	stream.linear.scatter [tilespmem:s5], [sflag:$0x3], $0x1388, $0x38;
	[tilespmem:$0x1D228] =	vst v63  }
0x80: {  	_ =	swait.ge [sflag:s6], $0x1388  }
0x81: {  	[sflag:s6] =	ssyncset.done $0x0  }
0x82: {  	s18 =	rddreg [dreg:$0xb];
	[sflag:s6] =	ssyncadd.s32 $0xFFFFEC78  }
0x83: {  	[tilespmem:s5], [sflag:$0x3] =	stream.linear.gather [hbm4b:s18+s1], $0x1388, $0x38;
	[tilespmem:$0x1D228] =	vst v63  }
0x84: {  	_ =	swait.ge [sflag:s6], $0x1388  }
0x85: {  	s19 =	sld [smem:$0x7EE]  }
0x86: {  	[sflag:s6] =	ssyncset.done $0x0  }
0x87: {  	[sflag:s6] =	ssyncadd.s32 $0xFFFFEC78  }
0x88: {  	[spmem:s19] =	stream.linear.scatter [tilespmem:s5], [sflag:$0x3], $0x1388, $0x38;
	[tilespmem:$0x1D228] =	vst v63  }
0x89: {  	_ =	swait.ge [sflag:s6], $0x1388  }
0x8a: {  	[sflag:s6] =	ssyncset.done $0x0  }
0x8b: {  	s20 =	rddreg [dreg:$0xc];
	[sflag:s6] =	ssyncadd.s32 $0xFFFFEC78  }
0x8c: {  	[tilespmem:s5], [sflag:$0x3] =	stream.linear.gather [hbm4b:s20+s1], $0x1388, $0x38;
	[tilespmem:$0x1D228] =	vst v63  }
0x8d: {  	_ =	swait.ge [sflag:s6], $0x1388  }
0x8e: {  	s16 =	sld [smem:$0x7EF]  }
0x8f: {  	[sflag:s6] =	ssyncset.done $0x0  }
0x90: {  	[sflag:s6] =	ssyncadd.s32 $0xFFFFEC78  }
0x91: {  	[spmem:s16] =	stream.linear.scatter [tilespmem:s5], [sflag:$0x3], $0x1388, $0x38;
	[tilespmem:$0x1D228] =	vst v63  }
0x92: {  	_ =	swait.ge [sflag:s6], $0x1388  }
0x93: {  	[sflag:s6] =	ssyncset.done $0x0  }
0x94: {  	s17 =	rddreg [dreg:$0xd];
	[sflag:s6] =	ssyncadd.s32 $0xFFFFEC78  }
0x95: {  	[tilespmem:s5], [sflag:$0x3] =	stream.linear.gather [hbm4b:s17+s1], $0x1388, $0x38;
	[tilespmem:$0x1D228] =	vst v63  }
0x96: {  	_ =	swait.ge [sflag:s6], $0x1388  }
0x97: {  	s18 =	sld [smem:$0x7F0]  }
0x98: {  	[sflag:s6] =	ssyncset.done $0x0  }
0x99: {  	[sflag:s6] =	ssyncadd.s32 $0xFFFFEC78  }
0x9a: {  	[spmem:s18] =	stream.linear.scatter [tilespmem:s5], [sflag:$0x3], $0x1388, $0x38;
	[tilespmem:$0x1D228] =	vst v63  }
0x9b: {  	_ =	swait.ge [sflag:s6], $0x1388  }
0x9c: {  	[sflag:s6] =	ssyncset.done $0x0  }
0x9d: {  	s19 =	rddreg [dreg:$0xe];
	[sflag:s6] =	ssyncadd.s32 $0xFFFFEC78  }
0x9e: {  	[tilespmem:s5], [sflag:$0x3] =	stream.linear.gather [hbm4b:s19+s1], $0x1388, $0x38;
	[tilespmem:$0x1D228] =	vst v63  }
0x9f: {  	_ =	swait.ge [sflag:s6], $0x1388  }
0xa0: {  	s20 =	sld [smem:$0x7F1]  }
0xa1: {  	[sflag:s6] =	ssyncset.done $0x0  }
0xa2: {  	[sflag:s6] =	ssyncadd.s32 $0xFFFFEC78  }
0xa3: {  	[spmem:s20] =	stream.linear.scatter [tilespmem:s5], [sflag:$0x3], $0x1388, $0x38;
	[tilespmem:$0x1D228] =	vst v63  }
0xa4: {  	_ =	swait.ge [sflag:s6], $0x1388  }
0xa5: {  	[sflag:s6] =	ssyncset.done $0x0  }
0xa6: {  	s16 =	rddreg [dreg:$0xf];
	[sflag:s6] =	ssyncadd.s32 $0xFFFFEC78  }
0xa7: {  	[tilespmem:s5], [sflag:$0x3] =	stream.linear.gather [hbm4b:s16+s1], $0x1388, $0x38;
	[tilespmem:$0x1D228] =	vst v63  }
0xa8: {  	_ =	swait.ge [sflag:s6], $0x1388  }
0xa9: {  	s17 =	sld [smem:$0x7F2]  }
0xaa: {  	[sflag:s6] =	ssyncset.done $0x0  }
0xab: {  	[sflag:s6] =	ssyncadd.s32 $0xFFFFEC78  }
0xac: {  	[spmem:s17] =	stream.linear.scatter [tilespmem:s5], [sflag:$0x3], $0x1388, $0x38;
	[tilespmem:$0x1D228] =	vst v63  }
0xad: {  	_ =	swait.ge [sflag:s6], $0x1388  }
0xae: {  	[sflag:s6] =	ssyncset.done $0x0  }
0xaf: {  	s18 =	rddreg [dreg:$0x10];
	[sflag:s6] =	ssyncadd.s32 $0xFFFFEC78  }
0xb0: {  	[tilespmem:s5], [sflag:$0x3] =	stream.linear.gather [hbm4b:s18+s1], $0x1388, $0x38;
	[tilespmem:$0x1D228] =	vst v63  }
0xb1: {  	_ =	swait.ge [sflag:s6], $0x1388  }
0xb2: {  	s19 =	sld [smem:$0x7F3]  }
0xb3: {  	[sflag:s6] =	ssyncset.done $0x0  }
0xb4: {  	[sflag:s6] =	ssyncadd.s32 $0xFFFFEC78  }
0xb5: {  	[spmem:s19] =	stream.linear.scatter [tilespmem:s5], [sflag:$0x3], $0x1388, $0x38;
	[tilespmem:$0x1D228] =	vst v63  }
0xb6: {  	_ =	swait.ge [sflag:s6], $0x1388  }
0xb7: {  	[sflag:s6] =	ssyncset.done $0x0  }
0xb8: {  	s20 =	rddreg [dreg:$0x11];
	[sflag:s6] =	ssyncadd.s32 $0xFFFFEC78  }
0xb9: {  	[tilespmem:s5], [sflag:$0x3] =	stream.linear.gather [hbm4b:s20+s1], $0x1388, $0x38;
	[tilespmem:$0x1D228] =	vst v63  }
0xba: {  	_ =	swait.ge [sflag:s6], $0x1388  }
0xbb: {  	s16 =	sld [smem:$0x7F4]  }
0xbc: {  	[sflag:s6] =	ssyncset.done $0x0  }
0xbd: {  	[sflag:s6] =	ssyncadd.s32 $0xFFFFEC78  }
0xbe: {  	[spmem:s16] =	stream.linear.scatter [tilespmem:s5], [sflag:$0x3], $0x1388, $0x38;
	[tilespmem:$0x1D228] =	vst v63  }
0xbf: {  	_ =	swait.ge [sflag:s6], $0x1388  }
0xc0: {  	[sflag:s6] =	ssyncset.done $0x0  }
0xc1: {  	s17 =	rddreg [dreg:$0x12];
	[sflag:s6] =	ssyncadd.s32 $0xFFFFEC78  }
0xc2: {  	[tilespmem:s5], [sflag:$0x3] =	stream.linear.gather [hbm4b:s17+s1], $0x1388, $0x38;
	[tilespmem:$0x1D228] =	vst v63  }
0xc3: {  	_ =	swait.ge [sflag:s6], $0x1388  }
0xc4: {  	s18 =	sld [smem:$0x7F5]  }
0xc5: {  	[sflag:s6] =	ssyncset.done $0x0  }
0xc6: {  	[sflag:s6] =	ssyncadd.s32 $0xFFFFEC78  }
0xc7: {  	[spmem:s18] =	stream.linear.scatter [tilespmem:s5], [sflag:$0x3], $0x1388, $0x38;
	[tilespmem:$0x1D228] =	vst v63  }
0xc8: {  	_ =	swait.ge [sflag:s6], $0x1388  }
0xc9: {  	[sflag:s6] =	ssyncset.done $0x0  }
0xca: {  	s19 =	rddreg [dreg:$0x13];
	[sflag:s6] =	ssyncadd.s32 $0xFFFFEC78  }
0xcb: {  	[tilespmem:s5], [sflag:$0x3] =	stream.linear.gather [hbm4b:s19+s1], $0x1388, $0x38;
	[tilespmem:$0x1D228] =	vst v63  }
0xcc: {  	_ =	swait.ge [sflag:s6], $0x1388  }
0xcd: {  	s20 =	sld [smem:$0x7F6]  }
0xce: {  	[sflag:s6] =	ssyncset.done $0x0  }
0xcf: {  	[sflag:s6] =	ssyncadd.s32 $0xFFFFEC78  }
0xd0: {  	[spmem:s20] =	stream.linear.scatter [tilespmem:s5], [sflag:$0x3], $0x1388, $0x38;
	[tilespmem:$0x1D228] =	vst v63  }
0xd1: {  	_ =	swait.ge [sflag:s6], $0x1388  }
0xd2: {  	[sflag:s6] =	ssyncset.done $0x0  }
0xd3: {  	s16 =	rddreg [dreg:$0x14];
	[sflag:s6] =	ssyncadd.s32 $0xFFFFEC78  }
0xd4: {  	[tilespmem:s5], [sflag:$0x3] =	stream.linear.gather [hbm4b:s16+s1], $0x1388, $0x38;
	[tilespmem:$0x1D228] =	vst v63  }
0xd5: {  	_ =	swait.ge [sflag:s6], $0x1388  }
0xd6: {  	s17 =	sld [smem:$0x7F7]  }
0xd7: {  	[sflag:s6] =	ssyncset.done $0x0  }
0xd8: {  	[sflag:s6] =	ssyncadd.s32 $0xFFFFEC78  }
0xd9: {  	[spmem:s17] =	stream.linear.scatter [tilespmem:s5], [sflag:$0x3], $0x1388, $0x38;
	[tilespmem:$0x1D228] =	vst v63  }
0xda: {  	_ =	swait.ge [sflag:s6], $0x1388  }
0xdb: {  	[sflag:s6] =	ssyncset.done $0x0  }
0xdc: {  	s18 =	rddreg [dreg:$0x15];
	[sflag:s6] =	ssyncadd.s32 $0xFFFFEC78  }
0xdd: {  	[tilespmem:s5], [sflag:$0x3] =	stream.linear.gather [hbm4b:s18+s1], $0x1388, $0x38;
	[tilespmem:$0x1D228] =	vst v63  }
0xde: {  	_ =	swait.ge [sflag:s6], $0x1388  }
0xdf: {  	s19 =	sld [smem:$0x7F8]  }
0xe0: {  	[sflag:s6] =	ssyncset.done $0x0  }
0xe1: {  	[sflag:s6] =	ssyncadd.s32 $0xFFFFEC78  }
0xe2: {  	[spmem:s19] =	stream.linear.scatter [tilespmem:s5], [sflag:$0x3], $0x1388, $0x38;
	[tilespmem:$0x1D228] =	vst v63  }
0xe3: {  	_ =	swait.ge [sflag:s6], $0x1388  }
0xe4: {  	[sflag:s6] =	ssyncset.done $0x0  }
0xe5: {  	s20 =	rddreg [dreg:$0x16];
	[sflag:s6] =	ssyncadd.s32 $0xFFFFEC78  }
0xe6: {  	[tilespmem:s5], [sflag:$0x3] =	stream.linear.gather [hbm4b:s20+s1], $0x1388, $0x38;
	[tilespmem:$0x1D228] =	vst v63  }
0xe7: {  	_ =	swait.ge [sflag:s6], $0x1388  }
0xe8: {  	s16 =	sld [smem:$0x7F9]  }
0xe9: {  	[sflag:s6] =	ssyncset.done $0x0  }
0xea: {  	[sflag:s6] =	ssyncadd.s32 $0xFFFFEC78  }
0xeb: {  	[spmem:s16] =	stream.linear.scatter [tilespmem:s5], [sflag:$0x3], $0x1388, $0x38;
	[tilespmem:$0x1D228] =	vst v63  }
0xec: {  	_ =	swait.ge [sflag:s6], $0x1388  }
0xed: {  	[sflag:s6] =	ssyncset.done $0x0  }
0xee: {  	s17 =	rddreg [dreg:$0x17];
	[sflag:s6] =	ssyncadd.s32 $0xFFFFEC78  }
0xef: {  	[tilespmem:s5], [sflag:$0x3] =	stream.linear.gather [hbm4b:s17+s1], $0x1388, $0x38;
	[tilespmem:$0x1D228] =	vst v63  }
0xf0: {  	_ =	swait.ge [sflag:s6], $0x1388  }
0xf1: {  	s18 =	sld [smem:$0x7FA]  }
0xf2: {  	[sflag:s6] =	ssyncset.done $0x0  }
0xf3: {  	[sflag:s6] =	ssyncadd.s32 $0xFFFFEC78  }
0xf4: {  	[spmem:s18] =	stream.linear.scatter [tilespmem:s5], [sflag:$0x3], $0x1388, $0x38;
	[tilespmem:$0x1D228] =	vst v63  }
0xf5: {  	_ =	swait.ge [sflag:s6], $0x1388  }
0xf6: {  	[sflag:s6] =	ssyncset.done $0x0  }
0xf7: {  	s19 =	rddreg [dreg:$0x18];
	[sflag:s6] =	ssyncadd.s32 $0xFFFFEC78  }
0xf8: {  	[tilespmem:s5], [sflag:$0x3] =	stream.linear.gather [hbm4b:s19+s1], $0x1388, $0x38;
	[tilespmem:$0x1D228] =	vst v63  }
0xf9: {  	_ =	swait.ge [sflag:s6], $0x1388  }
0xfa: {  	s20 =	sld [smem:$0x7FB]  }
0xfb: {  	[sflag:s6] =	ssyncset.done $0x0  }
0xfc: {  	[sflag:s6] =	ssyncadd.s32 $0xFFFFEC78  }
0xfd: {  	[spmem:s20] =	stream.linear.scatter [tilespmem:s5], [sflag:$0x3], $0x1388, $0x38;
	[tilespmem:$0x1D228] =	vst v63  }
0xfe: {  	_ =	swait.ge [sflag:s6], $0x1388  }
0xff: {  	[sflag:s6] =	ssyncset.done $0x0  }
0x100: {  	s16 =	rddreg [dreg:$0x19];
	[sflag:s6] =	ssyncadd.s32 $0xFFFFEC78  }
0x101: {  	[tilespmem:s5], [sflag:$0x3] =	stream.linear.gather [hbm4b:s16+s1], $0x1388, $0x38;
	[tilespmem:$0x1D228] =	vst v63  }
0x102: {  	_ =	swait.ge [sflag:s6], $0x1388  }
0x103: {  	s17 =	sld [smem:$0x7FC]  }
0x104: {  	[sflag:s6] =	ssyncset.done $0x0  }
0x105: {  	[sflag:s6] =	ssyncadd.s32 $0xFFFFEC78  }
0x106: {  	[spmem:s17] =	stream.linear.scatter [tilespmem:s5], [sflag:$0x3], $0x1388, $0x38;
	[tilespmem:$0x1D228] =	vst v63  }
0x107: {  	_ =	swait.ge [sflag:s6], $0x1388  }
0x108: {  	[sflag:s6] =	ssyncset.done $0x0  }
0x109: {  	s18 =	rddreg [dreg:$0x1a];
	[sflag:s6] =	ssyncadd.s32 $0xFFFFEC78  }
0x10a: {  	[tilespmem:s5], [sflag:$0x3] =	stream.linear.gather [hbm4b:s18+s1], $0x1388, $0x38;
	[tilespmem:$0x1D228] =	vst v63  }
0x10b: {  	_ =	swait.ge [sflag:s6], $0x1388  }
0x10c: {  	[sflag:s6] =	ssyncset.done $0x0  }
0x10d: {  	[sflag:s6] =	ssyncadd.s32 $0xFFFFEC78  }
0x10e: {  	[spmem:s21] =	stream.linear.scatter [tilespmem:s5], [sflag:$0x3], $0x1388, $0x38;
	[tilespmem:$0x1D228] =	vst v63  }
0x10f: {  	_ =	swait.ge [sflag:s6], $0x1388  }
0x110: {  	[sflag:s6] =	ssyncset.done $0x0  }
0x111: {  	s19 =	rddreg [dreg:$0x1b];
	[sflag:s6] =	ssyncadd.s32 $0xFFFFEC78  }
0x112: {  	[tilespmem:s5], [sflag:$0x3] =	stream.linear.gather [hbm4b:s19+s1], $0x1388, $0x38;
	[tilespmem:$0x1D228] =	vst v63  }
0x113: {  	_ =	swait.ge [sflag:s6], $0x1388  }
0x114: {  	[sflag:s6] =	ssyncset.done $0x0  }
0x115: {  	[sflag:s6] =	ssyncadd.s32 $0xFFFFEC78  }
0x116: {  	[spmem:s22] =	stream.linear.scatter [tilespmem:s5], [sflag:$0x3], $0x1388, $0x38;
	[tilespmem:$0x1D228] =	vst v63  }
0x117: {  	_ =	swait.ge [sflag:s6], $0x1388  }
0x118: {  	[sflag:s6] =	ssyncset.done $0x0  }
0x119: {  	s20 =	rddreg [dreg:$0x1c];
	[sflag:s6] =	ssyncadd.s32 $0xFFFFEC78  }
0x11a: {  	[tilespmem:s5], [sflag:$0x3] =	stream.linear.gather [hbm4b:s20+s1], $0x1388, $0x38;
	[tilespmem:$0x1D228] =	vst v63  }
0x11b: {  	_ =	swait.ge [sflag:s6], $0x1388  }
0x11c: {  	[sflag:s6] =	ssyncset.done $0x0  }
0x11d: {  	[sflag:s6] =	ssyncadd.s32 $0xFFFFEC78  }
0x11e: {  	[spmem:s23] =	stream.linear.scatter [tilespmem:s5], [sflag:$0x3], $0x1388, $0x38;
	[tilespmem:$0x1D228] =	vst v63  }
0x11f: {  	_ =	swait.ge [sflag:s6], $0x1388  }
0x120: {  	[sflag:s6] =	ssyncset.done $0x0  }
0x121: {  	[sflag:s6] =	ssyncadd.s32 $0xFFFFEC78  }
.LBB2_3:
0x122: {  	[bflag:$0x0] =	sbarrier.arrive $0xFFFF;
	s15 =	simm.s32 $0x0  }
0x123: {  	[tilespmem:s7], [sflag:$0x3] =	stream.linear.gather [hbm4b:s24+s15], $0x3200, $0x38;
	[tilespmem:$0x1D228] =	vst v63  }
0x124: {  	_ =	swait.ge [sflag:s6], $0x3200  }
0x125: {  	[sflag:s6] =	ssyncset.done $0x0  }
0x126: {  	[sflag:s6] =	ssyncadd.s32 $0xFFFFCE00  }
0x127: {  	[tilespmem:s9], [sflag:$0x1] =	stream.indirect.gather [spmem:s28], $0x1, s7, s8, $0xb8;
	[tilespmem:$0x1D228] =	vst v63  }
0x128: {  	_ = 	snop  }
0x129: {  	[tilespmem:s10], [sflag:$0x3] =	stream.linear.gather [hbm4b:s26+s15], $0x3200, $0x38;
	[tilespmem:$0x1D228] =	vst v63  }
0x12a: {  	_ =	swait.ge [sflag:s6], $0x3200  }
0x12b: {  	[sflag:s6] =	ssyncset.done $0x0  }
0x12c: {  	[sflag:s6] =	ssyncadd.s32 $0xFFFFCE00  }
0x12d: {  	[tilespmem:s11], [sflag:$0x2] =	stream.indirect.gather [spmem:s28], $0x1, s10, s8, $0xb8;
	[tilespmem:$0x1D228] =	vst v63  }
0x12e: {  	_ =	swait.ge [sflag:s12], $0x3200  }
0x12f: {  	[sflag:s12] =	ssyncset.done $0x0  }
0x130: {  	s16 =	simm.s32 $0x0;
	[sflag:s12] =	ssyncadd.s32 $0xFFFFCE00  }
.LBB2_4:
0x131: {  	s17 =	sadd.s32 $0x0, s15  }
0x132: {  	v1 =	vadd.s32 s17, v0;
	s18 =	sadd.s32 $0x1, s17  }
0x133: {  	s20 =	sadd.s32 $0x2, s17;
	v2 =	vadd.s32 s18, v0  }
0x134: {  	s19 =	sadd.s32 $0x3, s17;
	v3 =	vadd.s32 s20, v0  }
0x135: {  	v4 =	vadd.s32 s19, v0;
	s20 =	sadd.s32 $0x4, s17  }
0x136: {  	s19 =	sadd.s32 $0x5, s17;
	v5 =	vadd.s32 s20, v0  }
0x137: {  	s20 =	sadd.s32 $0x6, s17;
	v8 =	vld.idx.msk [tilespmem:v1+s9+$0x0], $0xffff;
	v1 =	vadd.s32 s19, v0  }
0x138: {  	s17 =	sadd.s32 $0x7, s17;
	v6 =	vadd.s32 s20, v0;
	v2 =	vld.idx.msk [tilespmem:v2+s9+$0x0], $0xffff  }
0x139: {  	v9 =	vadd.s32 s17, v0;
	v3 =	vld.idx.msk [tilespmem:v3+s9+$0x0], $0xffff  }
0x13a: {  	s18 =	sadd.s32 $0x8, s15;
	v12 =	vld.idx.msk [tilespmem:v4+s9+$0x0], $0xffff  }
0x13b: {  	v10 =	vadd.s32 s18, v0;
	s19 =	sadd.s32 $0x1, s18;
	v4 =	vld.idx.msk [tilespmem:v5+s9+$0x0], $0xffff  }
0x13c: {  	s20 =	sadd.s32 $0x2, s18;
	v13 =	vadd.s32 s19, v0;
	v7 =	vld.idx.msk [tilespmem:v1+s9+$0x0], $0xffff  }
0x13d: {  	v15 =	vadd.s32 s20, v0;
	s19 =	sadd.s32 $0x3, s18;
	v1 =	vld.idx.msk [tilespmem:v6+s9+$0x0], $0xffff  }
0x13e: {  	s17 =	sadd.s32 $0x4, s18;
	v5 =	vimm.f32 $0.0e+00;
	v6 =	vld.idx.msk [tilespmem:v9+s9+$0x0], $0xffff;
	v9 =	vadd.s32 s19, v0  }
0x13f: {  	v11 =	vadd.s32 s17, v0;
	s19 =	sadd.s32 $0x5, s18;
	v14 =	vadd.f32 v8, v5;
	v16 =	vadd.f32 v2, v5  }
0x140: {  	s20 =	sadd.s32 $0x6, s18;
	v2 =	vld.idx.msk [tilespmem:v10+s9+$0x0], $0xffff;
	v10 =	vadd.s32 s19, v0  }
0x141: {  	v8 =	vadd.s32 s20, v0;
	s20 =	sadd.s32 $0x7, s18;
	v5 =	vld.idx.msk [tilespmem:v13+s9+$0x0], $0xffff;
	v13 =	vadd.f32 v3, v14;
	v14 =	vadd.f32 v12, v16  }
0x142: {  	s17 =	sadd.s32 $0x10, s15;
	s18 =	simm.s32 $0x18;
	v3 =	vld.idx.msk [tilespmem:v15+s9+$0x0], $0xffff;
	v12 =	vadd.s32 s20, v0  }
.LBB2_5:
0x143: {  	p1 =	sne.s32 s18, $0xC0;
	v15 =	vadd.s32 s17, v0;
	s19 =	sadd.s32 $0x1, s17;
	v16 =	vld.idx.msk [tilespmem:v9+s9+$0x0], $0xffff;
	v9 =	vadd.f32 v4, v13;
	v13 =	vadd.f32 v7, v14  }
0x144: {  	v14 =	vadd.s32 s19, v0;
	s19 =	sadd.s32 $0x2, s17;
	v4 =	vld.idx.msk [tilespmem:v11+s9+$0x0], $0xffff  }
0x145: {  	v17 =	vadd.s32 s19, v0;
	s19 =	sadd.s32 $0x3, s17;
	v7 =	vld.idx.msk [tilespmem:v10+s9+$0x0], $0xffff;
	v10 =	vadd.f32 v1, v9;
	v6 =	vadd.f32 v6, v13  }
.Ltmp1:
0x146: {  	v9 =	vadd.s32 s19, v0;
	s19 =	sadd.s32 $0x4, s17;
	v1 =	vld.idx.msk [tilespmem:v8+s9+$0x0], $0xffff;
	(pc) =	sbr.rel @p1 .LBB2_5-.Ltmp1, $4  }
0x147: {  	v11 =	vadd.s32 s19, v0;
	s19 =	sadd.s32 $0x5, s17;
	v13 =	vadd.f32 v2, v10;
	v18 =	vadd.f32 v5, v6;
	v6 =	vld.idx.msk [tilespmem:v12+s9+$0x0], $0xffff  }
0x148: {  	v2 =	vld.idx.msk [tilespmem:v15+s9+$0x0], $0xffff;
	v10 =	vadd.s32 s19, v0;
	s19 =	sadd.s32 $0x6, s17  }
0x149: {  	v5 =	vld.idx.msk [tilespmem:v14+s9+$0x0], $0xffff;
	v8 =	vadd.s32 s19, v0;
	s19 =	sadd.s32 $0x7, s17;
	v13 =	vadd.f32 v3, v13;
	v14 =	vadd.f32 v16, v18  }
0x14a: {  	s17 =	sadd.s32 s18, s15;
	s18 =	sadd.s32 $0x8, s18;
	v3 =	vld.idx.msk [tilespmem:v17+s9+$0x0], $0xffff;
	v12 =	vadd.s32 s19, v0  }
0x14b: {  	_ =	sdelay $0x2  }
0x14c: {  	v4 =	vadd.f32 v4, v13;
	v7 =	vadd.f32 v7, v14  }
0x14d: {  	v49 =	vadd.s32 s17, v0;
	s18 =	sadd.s32 $0x1, s17;
	v9 =	vld.idx.msk [tilespmem:v9+s9+$0x0], $0xffff  }
0x14e: {  	s20 =	sadd.s32 $0x2, s17;
	v11 =	vld.idx.msk [tilespmem:v11+s9+$0x0], $0xffff;
	v50 =	vadd.s32 s18, v0;
	v1 =	vadd.f32 v1, v4;
	v51 =	vadd.f32 v6, v7  }
0x14f: {  	s19 =	sadd.s32 $0x3, s17;
	v53 =	vld.idx.msk [tilespmem:v10+s9+$0x0], $0xffff;
	v52 =	vadd.s32 s20, v0  }
0x150: {  	v8 =	vld.idx.msk [tilespmem:v8+s9+$0x0], $0xffff;
	v54 =	vadd.s32 s19, v0;
	s20 =	sadd.s32 $0x4, s17;
	v1 =	vadd.f32 v2, v1;
	v2 =	vadd.f32 v5, v51  }
0x151: {  	v56 =	vld.idx.msk [tilespmem:v12+s9+$0x0], $0xffff;
	s19 =	sadd.s32 $0x5, s17;
	v55 =	vadd.s32 s20, v0  }
0x152: {  	v58 =	vadd.s32 s19, v0;
	s20 =	sadd.s32 $0x6, s17;
	v57 =	vld.idx.msk [tilespmem:v49+s9+$0x0], $0xffff;
	v1 =	vadd.f32 v3, v1;
	v2 =	vadd.f32 v9, v2  }
0x153: {  	s19 =	sadd.s32 $0x7, s17;
	v59 =	vadd.s32 s20, v0;
	v3 =	vld.idx.msk [tilespmem:v50+s9+$0x0], $0xffff  }
0x154: {  	v60 =	vadd.s32 s19, v0;
	v6 =	vld.idx.msk [tilespmem:v52+s9+$0x0], $0xffff;
	v1 =	vadd.f32 v11, v1;
	v2 =	vadd.f32 v53, v2  }
0x155: {  	v61 =	vld.idx.msk [tilespmem:v54+s9+$0x0], $0xffff  }
0x156: {  	v4 =	vld.idx.msk [tilespmem:v55+s9+$0x0], $0xffff;
	v1 =	vadd.f32 v8, v1;
	v2 =	vadd.f32 v56, v2  }
0x157: {  	v62 =	vld.idx.msk [tilespmem:v58+s9+$0x0], $0xffff  }
0x158: {  	v63 =	vld.idx.msk [tilespmem:v59+s9+$0x0], $0xffff;
	v1 =	vadd.f32 v57, v1;
	v2 =	vadd.f32 v3, v2  }
0x159: {  	v3 =	vld.idx.msk [tilespmem:v60+s9+$0x0], $0xffff  }
0x15a: {  	v1 =	vadd.f32 v6, v1;
	v2 =	vadd.f32 v61, v2;
	_ =	sdelay $0x1  }
0x15b: {  	s20 =	sshll.u32 s16, $0x4;
	s16 =	sadd.s32 $0x1, s16;
	v1 =	vadd.f32 v4, v1;
	v2 =	vadd.f32 v62, v2  }
0x15c: {  	p1 =	sne.s32 s16, $0x4  }
.Ltmp2:
0x15d: {  	v1 =	vadd.f32 v63, v1;
	v2 =	vadd.f32 v3, v2;
	(pc) =	sbr.rel @p1 .LBB2_4-.Ltmp2, $4  }
0x15e: {  	_ = 	snop  }
0x15f: {  	v1 =	vadd.f32 v2, v1  }
0x160: {  	s17 =	sand.u32 $0x3FFFFFF0, s20  }
0x161: {  	s15 =	sadd.s32 $0xC80, s15;
	[tilespmem:s17+$0x1D028] =	vst v1  }
0x162: {  	s15 =	simm.s32 $0x0  }
0x163: {  	[tilespmem:s7], [sflag:$0x3] =	stream.linear.gather [hbm4b:s29+s15], $0x3200, $0x38;
	[tilespmem:$0x1D228] =	vst v63  }
0x164: {  	_ =	swait.ge [sflag:s6], $0x3200  }
0x165: {  	[sflag:s6] =	ssyncset.done $0x0  }
0x166: {  	[sflag:s6] =	ssyncadd.s32 $0xFFFFCE00  }
0x167: {  	[tilespmem:s9], [sflag:$0x1] =	stream.indirect.gather [spmem:s28], $0x1, s7, s8, $0xb8;
	[tilespmem:$0x1D228] =	vst v63  }
0x168: {  	_ =	swait.ge [sflag:s13], $0x3200  }
0x169: {  	[sflag:s13] =	ssyncset.done $0x0  }
0x16a: {  	s16 =	simm.s32 $0x0;
	[sflag:s13] =	ssyncadd.s32 $0xFFFFCE00  }
.LBB2_8:
0x16b: {  	s17 =	sadd.s32 $0x0, s15  }
0x16c: {  	v1 =	vadd.s32 s17, v0;
	s18 =	sadd.s32 $0x1, s17  }
0x16d: {  	s20 =	sadd.s32 $0x2, s17;
	v2 =	vadd.s32 s18, v0  }
0x16e: {  	s19 =	sadd.s32 $0x3, s17;
	v3 =	vadd.s32 s20, v0  }
0x16f: {  	v4 =	vadd.s32 s19, v0;
	s20 =	sadd.s32 $0x4, s17  }
0x170: {  	s19 =	sadd.s32 $0x5, s17;
	v5 =	vadd.s32 s20, v0  }
0x171: {  	s20 =	sadd.s32 $0x6, s17;
	v8 =	vld.idx.msk [tilespmem:v1+s11+$0x0], $0xffff;
	v1 =	vadd.s32 s19, v0  }
0x172: {  	s17 =	sadd.s32 $0x7, s17;
	v6 =	vadd.s32 s20, v0;
	v2 =	vld.idx.msk [tilespmem:v2+s11+$0x0], $0xffff  }
0x173: {  	v9 =	vadd.s32 s17, v0;
	v3 =	vld.idx.msk [tilespmem:v3+s11+$0x0], $0xffff  }
0x174: {  	s18 =	sadd.s32 $0x8, s15;
	v12 =	vld.idx.msk [tilespmem:v4+s11+$0x0], $0xffff  }
0x175: {  	v10 =	vadd.s32 s18, v0;
	s19 =	sadd.s32 $0x1, s18;
	v4 =	vld.idx.msk [tilespmem:v5+s11+$0x0], $0xffff  }
0x176: {  	s20 =	sadd.s32 $0x2, s18;
	v13 =	vadd.s32 s19, v0;
	v7 =	vld.idx.msk [tilespmem:v1+s11+$0x0], $0xffff  }
0x177: {  	v15 =	vadd.s32 s20, v0;
	s19 =	sadd.s32 $0x3, s18;
	v1 =	vld.idx.msk [tilespmem:v6+s11+$0x0], $0xffff  }
0x178: {  	s17 =	sadd.s32 $0x4, s18;
	v5 =	vimm.f32 $0.0e+00;
	v6 =	vld.idx.msk [tilespmem:v9+s11+$0x0], $0xffff;
	v9 =	vadd.s32 s19, v0  }
0x179: {  	v11 =	vadd.s32 s17, v0;
	s19 =	sadd.s32 $0x5, s18;
	v14 =	vadd.f32 v8, v5;
	v16 =	vadd.f32 v2, v5  }
0x17a: {  	s20 =	sadd.s32 $0x6, s18;
	v2 =	vld.idx.msk [tilespmem:v10+s11+$0x0], $0xffff;
	v10 =	vadd.s32 s19, v0  }
0x17b: {  	v8 =	vadd.s32 s20, v0;
	s20 =	sadd.s32 $0x7, s18;
	v5 =	vld.idx.msk [tilespmem:v13+s11+$0x0], $0xffff;
	v13 =	vadd.f32 v3, v14;
	v14 =	vadd.f32 v12, v16  }
0x17c: {  	s17 =	sadd.s32 $0x10, s15;
	s18 =	simm.s32 $0x18;
	v3 =	vld.idx.msk [tilespmem:v15+s11+$0x0], $0xffff;
	v12 =	vadd.s32 s20, v0  }
.LBB2_9:
0x17d: {  	p1 =	sne.s32 s18, $0xC0;
	v15 =	vadd.s32 s17, v0;
	s19 =	sadd.s32 $0x1, s17;
	v16 =	vld.idx.msk [tilespmem:v9+s11+$0x0], $0xffff;
	v9 =	vadd.f32 v4, v13;
	v13 =	vadd.f32 v7, v14  }
0x17e: {  	v14 =	vadd.s32 s19, v0;
	s19 =	sadd.s32 $0x2, s17;
	v4 =	vld.idx.msk [tilespmem:v11+s11+$0x0], $0xffff  }
0x17f: {  	v17 =	vadd.s32 s19, v0;
	s19 =	sadd.s32 $0x3, s17;
	v7 =	vld.idx.msk [tilespmem:v10+s11+$0x0], $0xffff;
	v10 =	vadd.f32 v1, v9;
	v6 =	vadd.f32 v6, v13  }
.Ltmp3:
0x180: {  	v9 =	vadd.s32 s19, v0;
	s19 =	sadd.s32 $0x4, s17;
	v1 =	vld.idx.msk [tilespmem:v8+s11+$0x0], $0xffff;
	(pc) =	sbr.rel @p1 .LBB2_9-.Ltmp3, $4  }
0x181: {  	v11 =	vadd.s32 s19, v0;
	s19 =	sadd.s32 $0x5, s17;
	v13 =	vadd.f32 v2, v10;
	v18 =	vadd.f32 v5, v6;
	v6 =	vld.idx.msk [tilespmem:v12+s11+$0x0], $0xffff  }
0x182: {  	v2 =	vld.idx.msk [tilespmem:v15+s11+$0x0], $0xffff;
	v10 =	vadd.s32 s19, v0;
	s19 =	sadd.s32 $0x6, s17  }
0x183: {  	v5 =	vld.idx.msk [tilespmem:v14+s11+$0x0], $0xffff;
	v8 =	vadd.s32 s19, v0;
	s19 =	sadd.s32 $0x7, s17;
	v13 =	vadd.f32 v3, v13;
	v14 =	vadd.f32 v16, v18  }
0x184: {  	s17 =	sadd.s32 s18, s15;
	s18 =	sadd.s32 $0x8, s18;
	v3 =	vld.idx.msk [tilespmem:v17+s11+$0x0], $0xffff;
	v12 =	vadd.s32 s19, v0  }
0x185: {  	_ =	sdelay $0x2  }
0x186: {  	v4 =	vadd.f32 v4, v13;
	v7 =	vadd.f32 v7, v14  }
0x187: {  	v49 =	vadd.s32 s17, v0;
	s18 =	sadd.s32 $0x1, s17;
	v9 =	vld.idx.msk [tilespmem:v9+s11+$0x0], $0xffff  }
0x188: {  	s20 =	sadd.s32 $0x2, s17;
	v11 =	vld.idx.msk [tilespmem:v11+s11+$0x0], $0xffff;
	v50 =	vadd.s32 s18, v0;
	v1 =	vadd.f32 v1, v4;
	v51 =	vadd.f32 v6, v7  }
0x189: {  	s19 =	sadd.s32 $0x3, s17;
	v53 =	vld.idx.msk [tilespmem:v10+s11+$0x0], $0xffff;
	v52 =	vadd.s32 s20, v0  }
0x18a: {  	v8 =	vld.idx.msk [tilespmem:v8+s11+$0x0], $0xffff;
	v54 =	vadd.s32 s19, v0;
	s20 =	sadd.s32 $0x4, s17;
	v1 =	vadd.f32 v2, v1;
	v2 =	vadd.f32 v5, v51  }
0x18b: {  	v56 =	vld.idx.msk [tilespmem:v12+s11+$0x0], $0xffff;
	s19 =	sadd.s32 $0x5, s17;
	v55 =	vadd.s32 s20, v0  }
0x18c: {  	v58 =	vadd.s32 s19, v0;
	s20 =	sadd.s32 $0x6, s17;
	v57 =	vld.idx.msk [tilespmem:v49+s11+$0x0], $0xffff;
	v1 =	vadd.f32 v3, v1;
	v2 =	vadd.f32 v9, v2  }
0x18d: {  	s19 =	sadd.s32 $0x7, s17;
	v59 =	vadd.s32 s20, v0;
	v3 =	vld.idx.msk [tilespmem:v50+s11+$0x0], $0xffff  }
0x18e: {  	v60 =	vadd.s32 s19, v0;
	v6 =	vld.idx.msk [tilespmem:v52+s11+$0x0], $0xffff;
	v1 =	vadd.f32 v11, v1;
	v2 =	vadd.f32 v53, v2  }
0x18f: {  	v61 =	vld.idx.msk [tilespmem:v54+s11+$0x0], $0xffff  }
0x190: {  	v4 =	vld.idx.msk [tilespmem:v55+s11+$0x0], $0xffff;
	v1 =	vadd.f32 v8, v1;
	v2 =	vadd.f32 v56, v2  }
0x191: {  	v62 =	vld.idx.msk [tilespmem:v58+s11+$0x0], $0xffff  }
0x192: {  	v63 =	vld.idx.msk [tilespmem:v59+s11+$0x0], $0xffff;
	v1 =	vadd.f32 v57, v1;
	v2 =	vadd.f32 v3, v2  }
0x193: {  	v3 =	vld.idx.msk [tilespmem:v60+s11+$0x0], $0xffff  }
0x194: {  	v1 =	vadd.f32 v6, v1;
	v2 =	vadd.f32 v61, v2;
	_ =	sdelay $0x1  }
0x195: {  	s20 =	sshll.u32 s16, $0x4;
	s16 =	sadd.s32 $0x1, s16;
	v1 =	vadd.f32 v4, v1;
	v2 =	vadd.f32 v62, v2  }
0x196: {  	p1 =	sne.s32 s16, $0x4  }
.Ltmp4:
0x197: {  	v1 =	vadd.f32 v63, v1;
	v2 =	vadd.f32 v3, v2;
	(pc) =	sbr.rel @p1 .LBB2_8-.Ltmp4, $4  }
0x198: {  	_ = 	snop  }
0x199: {  	v1 =	vadd.f32 v2, v1  }
0x19a: {  	s17 =	sand.u32 $0x3FFFFFF0, s20  }
0x19b: {  	s15 =	sadd.s32 $0xC80, s15;
	[tilespmem:s17+$0x1D068] =	vst v1  }
0x19c: {  	s15 =	simm.s32 $0x0  }
0x19d: {  	[tilespmem:s10], [sflag:$0x3] =	stream.linear.gather [hbm4b:s31+s15], $0x3200, $0x38;
	[tilespmem:$0x1D228] =	vst v63  }
0x19e: {  	_ =	swait.ge [sflag:s6], $0x3200  }
0x19f: {  	[sflag:s6] =	ssyncset.done $0x0  }
0x1a0: {  	[sflag:s6] =	ssyncadd.s32 $0xFFFFCE00  }
0x1a1: {  	[tilespmem:s11], [sflag:$0x2] =	stream.indirect.gather [spmem:s28], $0x1, s10, s8, $0xb8;
	[tilespmem:$0x1D228] =	vst v63  }
0x1a2: {  	_ =	swait.ge [sflag:s12], $0x3200  }
0x1a3: {  	[sflag:s12] =	ssyncset.done $0x0  }
0x1a4: {  	s16 =	simm.s32 $0x0;
	[sflag:s12] =	ssyncadd.s32 $0xFFFFCE00  }
.LBB2_12:
0x1a5: {  	s17 =	sadd.s32 $0x0, s15  }
0x1a6: {  	v1 =	vadd.s32 s17, v0;
	s18 =	sadd.s32 $0x1, s17  }
0x1a7: {  	s20 =	sadd.s32 $0x2, s17;
	v2 =	vadd.s32 s18, v0  }
0x1a8: {  	s19 =	sadd.s32 $0x3, s17;
	v3 =	vadd.s32 s20, v0  }
0x1a9: {  	v4 =	vadd.s32 s19, v0;
	s20 =	sadd.s32 $0x4, s17  }
0x1aa: {  	s19 =	sadd.s32 $0x5, s17;
	v5 =	vadd.s32 s20, v0  }
0x1ab: {  	s20 =	sadd.s32 $0x6, s17;
	v8 =	vld.idx.msk [tilespmem:v1+s9+$0x0], $0xffff;
	v1 =	vadd.s32 s19, v0  }
0x1ac: {  	s17 =	sadd.s32 $0x7, s17;
	v6 =	vadd.s32 s20, v0;
	v2 =	vld.idx.msk [tilespmem:v2+s9+$0x0], $0xffff  }
0x1ad: {  	v9 =	vadd.s32 s17, v0;
	v3 =	vld.idx.msk [tilespmem:v3+s9+$0x0], $0xffff  }
0x1ae: {  	s18 =	sadd.s32 $0x8, s15;
	v12 =	vld.idx.msk [tilespmem:v4+s9+$0x0], $0xffff  }
0x1af: {  	v10 =	vadd.s32 s18, v0;
	s19 =	sadd.s32 $0x1, s18;
	v4 =	vld.idx.msk [tilespmem:v5+s9+$0x0], $0xffff  }
0x1b0: {  	s20 =	sadd.s32 $0x2, s18;
	v13 =	vadd.s32 s19, v0;
	v7 =	vld.idx.msk [tilespmem:v1+s9+$0x0], $0xffff  }
0x1b1: {  	v15 =	vadd.s32 s20, v0;
	s19 =	sadd.s32 $0x3, s18;
	v1 =	vld.idx.msk [tilespmem:v6+s9+$0x0], $0xffff  }
0x1b2: {  	s17 =	sadd.s32 $0x4, s18;
	v5 =	vimm.f32 $0.0e+00;
	v6 =	vld.idx.msk [tilespmem:v9+s9+$0x0], $0xffff;
	v9 =	vadd.s32 s19, v0  }
0x1b3: {  	v11 =	vadd.s32 s17, v0;
	s19 =	sadd.s32 $0x5, s18;
	v14 =	vadd.f32 v8, v5;
	v16 =	vadd.f32 v2, v5  }
0x1b4: {  	s20 =	sadd.s32 $0x6, s18;
	v2 =	vld.idx.msk [tilespmem:v10+s9+$0x0], $0xffff;
	v10 =	vadd.s32 s19, v0  }
0x1b5: {  	v8 =	vadd.s32 s20, v0;
	s20 =	sadd.s32 $0x7, s18;
	v5 =	vld.idx.msk [tilespmem:v13+s9+$0x0], $0xffff;
	v13 =	vadd.f32 v3, v14;
	v14 =	vadd.f32 v12, v16  }
0x1b6: {  	s17 =	sadd.s32 $0x10, s15;
	s18 =	simm.s32 $0x18;
	v3 =	vld.idx.msk [tilespmem:v15+s9+$0x0], $0xffff;
	v12 =	vadd.s32 s20, v0  }
.LBB2_13:
0x1b7: {  	p1 =	sne.s32 s18, $0xC0;
	v15 =	vadd.s32 s17, v0;
	s19 =	sadd.s32 $0x1, s17;
	v16 =	vld.idx.msk [tilespmem:v9+s9+$0x0], $0xffff;
	v9 =	vadd.f32 v4, v13;
	v13 =	vadd.f32 v7, v14  }
0x1b8: {  	v14 =	vadd.s32 s19, v0;
	s19 =	sadd.s32 $0x2, s17;
	v4 =	vld.idx.msk [tilespmem:v11+s9+$0x0], $0xffff  }
0x1b9: {  	v17 =	vadd.s32 s19, v0;
	s19 =	sadd.s32 $0x3, s17;
	v7 =	vld.idx.msk [tilespmem:v10+s9+$0x0], $0xffff;
	v10 =	vadd.f32 v1, v9;
	v6 =	vadd.f32 v6, v13  }
.Ltmp5:
0x1ba: {  	v9 =	vadd.s32 s19, v0;
	s19 =	sadd.s32 $0x4, s17;
	v1 =	vld.idx.msk [tilespmem:v8+s9+$0x0], $0xffff;
	(pc) =	sbr.rel @p1 .LBB2_13-.Ltmp5, $4  }
0x1bb: {  	v11 =	vadd.s32 s19, v0;
	s19 =	sadd.s32 $0x5, s17;
	v13 =	vadd.f32 v2, v10;
	v18 =	vadd.f32 v5, v6;
	v6 =	vld.idx.msk [tilespmem:v12+s9+$0x0], $0xffff  }
0x1bc: {  	v2 =	vld.idx.msk [tilespmem:v15+s9+$0x0], $0xffff;
	v10 =	vadd.s32 s19, v0;
	s19 =	sadd.s32 $0x6, s17  }
0x1bd: {  	v5 =	vld.idx.msk [tilespmem:v14+s9+$0x0], $0xffff;
	v8 =	vadd.s32 s19, v0;
	s19 =	sadd.s32 $0x7, s17;
	v13 =	vadd.f32 v3, v13;
	v14 =	vadd.f32 v16, v18  }
0x1be: {  	s17 =	sadd.s32 s18, s15;
	s18 =	sadd.s32 $0x8, s18;
	v3 =	vld.idx.msk [tilespmem:v17+s9+$0x0], $0xffff;
	v12 =	vadd.s32 s19, v0  }
0x1bf: {  	_ =	sdelay $0x2  }
0x1c0: {  	v4 =	vadd.f32 v4, v13;
	v7 =	vadd.f32 v7, v14  }
0x1c1: {  	v49 =	vadd.s32 s17, v0;
	s18 =	sadd.s32 $0x1, s17;
	v9 =	vld.idx.msk [tilespmem:v9+s9+$0x0], $0xffff  }
0x1c2: {  	s20 =	sadd.s32 $0x2, s17;
	v11 =	vld.idx.msk [tilespmem:v11+s9+$0x0], $0xffff;
	v50 =	vadd.s32 s18, v0;
	v1 =	vadd.f32 v1, v4;
	v51 =	vadd.f32 v6, v7  }
0x1c3: {  	s19 =	sadd.s32 $0x3, s17;
	v53 =	vld.idx.msk [tilespmem:v10+s9+$0x0], $0xffff;
	v52 =	vadd.s32 s20, v0  }
0x1c4: {  	v8 =	vld.idx.msk [tilespmem:v8+s9+$0x0], $0xffff;
	v54 =	vadd.s32 s19, v0;
	s20 =	sadd.s32 $0x4, s17;
	v1 =	vadd.f32 v2, v1;
	v2 =	vadd.f32 v5, v51  }
0x1c5: {  	v56 =	vld.idx.msk [tilespmem:v12+s9+$0x0], $0xffff;
	s19 =	sadd.s32 $0x5, s17;
	v55 =	vadd.s32 s20, v0  }
0x1c6: {  	v58 =	vadd.s32 s19, v0;
	s20 =	sadd.s32 $0x6, s17;
	v57 =	vld.idx.msk [tilespmem:v49+s9+$0x0], $0xffff;
	v1 =	vadd.f32 v3, v1;
	v2 =	vadd.f32 v9, v2  }
0x1c7: {  	s19 =	sadd.s32 $0x7, s17;
	v59 =	vadd.s32 s20, v0;
	v3 =	vld.idx.msk [tilespmem:v50+s9+$0x0], $0xffff  }
0x1c8: {  	v60 =	vadd.s32 s19, v0;
	v6 =	vld.idx.msk [tilespmem:v52+s9+$0x0], $0xffff;
	v1 =	vadd.f32 v11, v1;
	v2 =	vadd.f32 v53, v2  }
0x1c9: {  	v61 =	vld.idx.msk [tilespmem:v54+s9+$0x0], $0xffff  }
0x1ca: {  	v4 =	vld.idx.msk [tilespmem:v55+s9+$0x0], $0xffff;
	v1 =	vadd.f32 v8, v1;
	v2 =	vadd.f32 v56, v2  }
0x1cb: {  	v62 =	vld.idx.msk [tilespmem:v58+s9+$0x0], $0xffff  }
0x1cc: {  	v63 =	vld.idx.msk [tilespmem:v59+s9+$0x0], $0xffff;
	v1 =	vadd.f32 v57, v1;
	v2 =	vadd.f32 v3, v2  }
0x1cd: {  	v3 =	vld.idx.msk [tilespmem:v60+s9+$0x0], $0xffff  }
0x1ce: {  	v1 =	vadd.f32 v6, v1;
	v2 =	vadd.f32 v61, v2;
	_ =	sdelay $0x1  }
0x1cf: {  	s20 =	sshll.u32 s16, $0x4;
	s16 =	sadd.s32 $0x1, s16;
	v1 =	vadd.f32 v4, v1;
	v2 =	vadd.f32 v62, v2  }
0x1d0: {  	p1 =	sne.s32 s16, $0x4  }
.Ltmp6:
0x1d1: {  	v1 =	vadd.f32 v63, v1;
	v2 =	vadd.f32 v3, v2;
	(pc) =	sbr.rel @p1 .LBB2_12-.Ltmp6, $4  }
0x1d2: {  	_ = 	snop  }
0x1d3: {  	v1 =	vadd.f32 v2, v1  }
0x1d4: {  	s17 =	sand.u32 $0x3FFFFFF0, s20  }
0x1d5: {  	s15 =	sadd.s32 $0xC80, s15;
	[tilespmem:s17+$0x1D0A8] =	vst v1  }
0x1d6: {  	s15 =	simm.s32 $0x0  }
0x1d7: {  	[tilespmem:s7], [sflag:$0x3] =	stream.linear.gather [hbm4b:s25+s15], $0x3200, $0x38;
	[tilespmem:$0x1D228] =	vst v63  }
0x1d8: {  	_ =	swait.ge [sflag:s6], $0x3200  }
0x1d9: {  	[sflag:s6] =	ssyncset.done $0x0  }
0x1da: {  	[sflag:s6] =	ssyncadd.s32 $0xFFFFCE00  }
0x1db: {  	[tilespmem:s9], [sflag:$0x1] =	stream.indirect.gather [spmem:s28], $0x1, s7, s8, $0xb8;
	[tilespmem:$0x1D228] =	vst v63  }
0x1dc: {  	_ =	swait.ge [sflag:s13], $0x3200  }
0x1dd: {  	[sflag:s13] =	ssyncset.done $0x0  }
0x1de: {  	s16 =	simm.s32 $0x0;
	[sflag:s13] =	ssyncadd.s32 $0xFFFFCE00  }
.LBB2_16:
0x1df: {  	s17 =	sadd.s32 $0x0, s15  }
0x1e0: {  	v1 =	vadd.s32 s17, v0;
	s18 =	sadd.s32 $0x1, s17  }
0x1e1: {  	s20 =	sadd.s32 $0x2, s17;
	v2 =	vadd.s32 s18, v0  }
0x1e2: {  	s19 =	sadd.s32 $0x3, s17;
	v3 =	vadd.s32 s20, v0  }
0x1e3: {  	v4 =	vadd.s32 s19, v0;
	s20 =	sadd.s32 $0x4, s17  }
0x1e4: {  	s19 =	sadd.s32 $0x5, s17;
	v5 =	vadd.s32 s20, v0  }
0x1e5: {  	s20 =	sadd.s32 $0x6, s17;
	v8 =	vld.idx.msk [tilespmem:v1+s11+$0x0], $0xffff;
	v1 =	vadd.s32 s19, v0  }
0x1e6: {  	s17 =	sadd.s32 $0x7, s17;
	v6 =	vadd.s32 s20, v0;
	v2 =	vld.idx.msk [tilespmem:v2+s11+$0x0], $0xffff  }
0x1e7: {  	v9 =	vadd.s32 s17, v0;
	v3 =	vld.idx.msk [tilespmem:v3+s11+$0x0], $0xffff  }
0x1e8: {  	s18 =	sadd.s32 $0x8, s15;
	v12 =	vld.idx.msk [tilespmem:v4+s11+$0x0], $0xffff  }
0x1e9: {  	v10 =	vadd.s32 s18, v0;
	s19 =	sadd.s32 $0x1, s18;
	v4 =	vld.idx.msk [tilespmem:v5+s11+$0x0], $0xffff  }
0x1ea: {  	s20 =	sadd.s32 $0x2, s18;
	v13 =	vadd.s32 s19, v0;
	v7 =	vld.idx.msk [tilespmem:v1+s11+$0x0], $0xffff  }
0x1eb: {  	v15 =	vadd.s32 s20, v0;
	s19 =	sadd.s32 $0x3, s18;
	v1 =	vld.idx.msk [tilespmem:v6+s11+$0x0], $0xffff  }
0x1ec: {  	s17 =	sadd.s32 $0x4, s18;
	v5 =	vimm.f32 $0.0e+00;
	v6 =	vld.idx.msk [tilespmem:v9+s11+$0x0], $0xffff;
	v9 =	vadd.s32 s19, v0  }
0x1ed: {  	v11 =	vadd.s32 s17, v0;
	s19 =	sadd.s32 $0x5, s18;
	v14 =	vadd.f32 v8, v5;
	v16 =	vadd.f32 v2, v5  }
0x1ee: {  	s20 =	sadd.s32 $0x6, s18;
	v2 =	vld.idx.msk [tilespmem:v10+s11+$0x0], $0xffff;
	v10 =	vadd.s32 s19, v0  }
0x1ef: {  	v8 =	vadd.s32 s20, v0;
	s20 =	sadd.s32 $0x7, s18;
	v5 =	vld.idx.msk [tilespmem:v13+s11+$0x0], $0xffff;
	v13 =	vadd.f32 v3, v14;
	v14 =	vadd.f32 v12, v16  }
0x1f0: {  	s17 =	sadd.s32 $0x10, s15;
	s18 =	simm.s32 $0x18;
	v3 =	vld.idx.msk [tilespmem:v15+s11+$0x0], $0xffff;
	v12 =	vadd.s32 s20, v0  }
.LBB2_17:
0x1f1: {  	p1 =	sne.s32 s18, $0xC0;
	v15 =	vadd.s32 s17, v0;
	s19 =	sadd.s32 $0x1, s17;
	v16 =	vld.idx.msk [tilespmem:v9+s11+$0x0], $0xffff;
	v9 =	vadd.f32 v4, v13;
	v13 =	vadd.f32 v7, v14  }
0x1f2: {  	v14 =	vadd.s32 s19, v0;
	s19 =	sadd.s32 $0x2, s17;
	v4 =	vld.idx.msk [tilespmem:v11+s11+$0x0], $0xffff  }
0x1f3: {  	v17 =	vadd.s32 s19, v0;
	s19 =	sadd.s32 $0x3, s17;
	v7 =	vld.idx.msk [tilespmem:v10+s11+$0x0], $0xffff;
	v10 =	vadd.f32 v1, v9;
	v6 =	vadd.f32 v6, v13  }
.Ltmp7:
0x1f4: {  	v9 =	vadd.s32 s19, v0;
	s19 =	sadd.s32 $0x4, s17;
	v1 =	vld.idx.msk [tilespmem:v8+s11+$0x0], $0xffff;
	(pc) =	sbr.rel @p1 .LBB2_17-.Ltmp7, $4  }
0x1f5: {  	v11 =	vadd.s32 s19, v0;
	s19 =	sadd.s32 $0x5, s17;
	v13 =	vadd.f32 v2, v10;
	v18 =	vadd.f32 v5, v6;
	v6 =	vld.idx.msk [tilespmem:v12+s11+$0x0], $0xffff  }
0x1f6: {  	v2 =	vld.idx.msk [tilespmem:v15+s11+$0x0], $0xffff;
	v10 =	vadd.s32 s19, v0;
	s19 =	sadd.s32 $0x6, s17  }
0x1f7: {  	v5 =	vld.idx.msk [tilespmem:v14+s11+$0x0], $0xffff;
	v8 =	vadd.s32 s19, v0;
	s19 =	sadd.s32 $0x7, s17;
	v13 =	vadd.f32 v3, v13;
	v14 =	vadd.f32 v16, v18  }
0x1f8: {  	s17 =	sadd.s32 s18, s15;
	s18 =	sadd.s32 $0x8, s18;
	v3 =	vld.idx.msk [tilespmem:v17+s11+$0x0], $0xffff;
	v12 =	vadd.s32 s19, v0  }
0x1f9: {  	_ =	sdelay $0x2  }
0x1fa: {  	v4 =	vadd.f32 v4, v13;
	v7 =	vadd.f32 v7, v14  }
0x1fb: {  	v49 =	vadd.s32 s17, v0;
	s18 =	sadd.s32 $0x1, s17;
	v9 =	vld.idx.msk [tilespmem:v9+s11+$0x0], $0xffff  }
0x1fc: {  	s20 =	sadd.s32 $0x2, s17;
	v11 =	vld.idx.msk [tilespmem:v11+s11+$0x0], $0xffff;
	v50 =	vadd.s32 s18, v0;
	v1 =	vadd.f32 v1, v4;
	v51 =	vadd.f32 v6, v7  }
0x1fd: {  	s19 =	sadd.s32 $0x3, s17;
	v53 =	vld.idx.msk [tilespmem:v10+s11+$0x0], $0xffff;
	v52 =	vadd.s32 s20, v0  }
0x1fe: {  	v8 =	vld.idx.msk [tilespmem:v8+s11+$0x0], $0xffff;
	v54 =	vadd.s32 s19, v0;
	s20 =	sadd.s32 $0x4, s17;
	v1 =	vadd.f32 v2, v1;
	v2 =	vadd.f32 v5, v51  }
0x1ff: {  	v56 =	vld.idx.msk [tilespmem:v12+s11+$0x0], $0xffff;
	s19 =	sadd.s32 $0x5, s17;
	v55 =	vadd.s32 s20, v0  }
0x200: {  	v58 =	vadd.s32 s19, v0;
	s20 =	sadd.s32 $0x6, s17;
	v57 =	vld.idx.msk [tilespmem:v49+s11+$0x0], $0xffff;
	v1 =	vadd.f32 v3, v1;
	v2 =	vadd.f32 v9, v2  }
0x201: {  	s19 =	sadd.s32 $0x7, s17;
	v59 =	vadd.s32 s20, v0;
	v3 =	vld.idx.msk [tilespmem:v50+s11+$0x0], $0xffff  }
0x202: {  	v60 =	vadd.s32 s19, v0;
	v6 =	vld.idx.msk [tilespmem:v52+s11+$0x0], $0xffff;
	v1 =	vadd.f32 v11, v1;
	v2 =	vadd.f32 v53, v2  }
0x203: {  	v61 =	vld.idx.msk [tilespmem:v54+s11+$0x0], $0xffff  }
0x204: {  	v4 =	vld.idx.msk [tilespmem:v55+s11+$0x0], $0xffff;
	v1 =	vadd.f32 v8, v1;
	v2 =	vadd.f32 v56, v2  }
0x205: {  	v62 =	vld.idx.msk [tilespmem:v58+s11+$0x0], $0xffff  }
0x206: {  	v63 =	vld.idx.msk [tilespmem:v59+s11+$0x0], $0xffff;
	v1 =	vadd.f32 v57, v1;
	v2 =	vadd.f32 v3, v2  }
0x207: {  	v3 =	vld.idx.msk [tilespmem:v60+s11+$0x0], $0xffff  }
0x208: {  	v1 =	vadd.f32 v6, v1;
	v2 =	vadd.f32 v61, v2;
	_ =	sdelay $0x1  }
0x209: {  	s20 =	sshll.u32 s16, $0x4;
	s16 =	sadd.s32 $0x1, s16;
	v1 =	vadd.f32 v4, v1;
	v2 =	vadd.f32 v62, v2  }
0x20a: {  	p1 =	sne.s32 s16, $0x4  }
.Ltmp8:
0x20b: {  	v1 =	vadd.f32 v63, v1;
	v2 =	vadd.f32 v3, v2;
	(pc) =	sbr.rel @p1 .LBB2_16-.Ltmp8, $4  }
0x20c: {  	_ = 	snop  }
0x20d: {  	v1 =	vadd.f32 v2, v1  }
0x20e: {  	s17 =	sand.u32 $0x3FFFFFF0, s20  }
0x20f: {  	s15 =	sadd.s32 $0xC80, s15;
	[tilespmem:s17+$0x1D0E8] =	vst v1  }
0x210: {  	s15 =	simm.s32 $0x0  }
0x211: {  	[tilespmem:s10], [sflag:$0x3] =	stream.linear.gather [hbm4b:s0+s15], $0x3200, $0x38;
	[tilespmem:$0x1D228] =	vst v63  }
0x212: {  	_ =	swait.ge [sflag:s6], $0x3200  }
0x213: {  	[sflag:s6] =	ssyncset.done $0x0  }
0x214: {  	[sflag:s6] =	ssyncadd.s32 $0xFFFFCE00  }
0x215: {  	[tilespmem:s11], [sflag:$0x2] =	stream.indirect.gather [spmem:s28], $0x1, s10, s8, $0xb8;
	[tilespmem:$0x1D228] =	vst v63  }
0x216: {  	_ =	swait.ge [sflag:s12], $0x3200  }
0x217: {  	[sflag:s12] =	ssyncset.done $0x0  }
0x218: {  	s16 =	simm.s32 $0x0;
	[sflag:s12] =	ssyncadd.s32 $0xFFFFCE00  }
.LBB2_20:
0x219: {  	s17 =	sadd.s32 $0x0, s15  }
0x21a: {  	v1 =	vadd.s32 s17, v0;
	s18 =	sadd.s32 $0x1, s17  }
0x21b: {  	s20 =	sadd.s32 $0x2, s17;
	v2 =	vadd.s32 s18, v0  }
0x21c: {  	s19 =	sadd.s32 $0x3, s17;
	v3 =	vadd.s32 s20, v0  }
0x21d: {  	v4 =	vadd.s32 s19, v0;
	s20 =	sadd.s32 $0x4, s17  }
0x21e: {  	s19 =	sadd.s32 $0x5, s17;
	v5 =	vadd.s32 s20, v0  }
0x21f: {  	s20 =	sadd.s32 $0x6, s17;
	v8 =	vld.idx.msk [tilespmem:v1+s9+$0x0], $0xffff;
	v1 =	vadd.s32 s19, v0  }
0x220: {  	s17 =	sadd.s32 $0x7, s17;
	v6 =	vadd.s32 s20, v0;
	v2 =	vld.idx.msk [tilespmem:v2+s9+$0x0], $0xffff  }
0x221: {  	v9 =	vadd.s32 s17, v0;
	v3 =	vld.idx.msk [tilespmem:v3+s9+$0x0], $0xffff  }
0x222: {  	s18 =	sadd.s32 $0x8, s15;
	v12 =	vld.idx.msk [tilespmem:v4+s9+$0x0], $0xffff  }
0x223: {  	v10 =	vadd.s32 s18, v0;
	s19 =	sadd.s32 $0x1, s18;
	v4 =	vld.idx.msk [tilespmem:v5+s9+$0x0], $0xffff  }
0x224: {  	s20 =	sadd.s32 $0x2, s18;
	v13 =	vadd.s32 s19, v0;
	v7 =	vld.idx.msk [tilespmem:v1+s9+$0x0], $0xffff  }
0x225: {  	v15 =	vadd.s32 s20, v0;
	s19 =	sadd.s32 $0x3, s18;
	v1 =	vld.idx.msk [tilespmem:v6+s9+$0x0], $0xffff  }
0x226: {  	s17 =	sadd.s32 $0x4, s18;
	v5 =	vimm.f32 $0.0e+00;
	v6 =	vld.idx.msk [tilespmem:v9+s9+$0x0], $0xffff;
	v9 =	vadd.s32 s19, v0  }
0x227: {  	v11 =	vadd.s32 s17, v0;
	s19 =	sadd.s32 $0x5, s18;
	v14 =	vadd.f32 v8, v5;
	v16 =	vadd.f32 v2, v5  }
0x228: {  	s20 =	sadd.s32 $0x6, s18;
	v2 =	vld.idx.msk [tilespmem:v10+s9+$0x0], $0xffff;
	v10 =	vadd.s32 s19, v0  }
0x229: {  	v8 =	vadd.s32 s20, v0;
	s20 =	sadd.s32 $0x7, s18;
	v5 =	vld.idx.msk [tilespmem:v13+s9+$0x0], $0xffff;
	v13 =	vadd.f32 v3, v14;
	v14 =	vadd.f32 v12, v16  }
0x22a: {  	s17 =	sadd.s32 $0x10, s15;
	s18 =	simm.s32 $0x18;
	v3 =	vld.idx.msk [tilespmem:v15+s9+$0x0], $0xffff;
	v12 =	vadd.s32 s20, v0  }
.LBB2_21:
0x22b: {  	p1 =	sne.s32 s18, $0xC0;
	v15 =	vadd.s32 s17, v0;
	s19 =	sadd.s32 $0x1, s17;
	v16 =	vld.idx.msk [tilespmem:v9+s9+$0x0], $0xffff;
	v9 =	vadd.f32 v4, v13;
	v13 =	vadd.f32 v7, v14  }
0x22c: {  	v14 =	vadd.s32 s19, v0;
	s19 =	sadd.s32 $0x2, s17;
	v4 =	vld.idx.msk [tilespmem:v11+s9+$0x0], $0xffff  }
0x22d: {  	v17 =	vadd.s32 s19, v0;
	s19 =	sadd.s32 $0x3, s17;
	v7 =	vld.idx.msk [tilespmem:v10+s9+$0x0], $0xffff;
	v10 =	vadd.f32 v1, v9;
	v6 =	vadd.f32 v6, v13  }
.Ltmp9:
0x22e: {  	v9 =	vadd.s32 s19, v0;
	s19 =	sadd.s32 $0x4, s17;
	v1 =	vld.idx.msk [tilespmem:v8+s9+$0x0], $0xffff;
	(pc) =	sbr.rel @p1 .LBB2_21-.Ltmp9, $4  }
0x22f: {  	v11 =	vadd.s32 s19, v0;
	s19 =	sadd.s32 $0x5, s17;
	v13 =	vadd.f32 v2, v10;
	v18 =	vadd.f32 v5, v6;
	v6 =	vld.idx.msk [tilespmem:v12+s9+$0x0], $0xffff  }
0x230: {  	v2 =	vld.idx.msk [tilespmem:v15+s9+$0x0], $0xffff;
	v10 =	vadd.s32 s19, v0;
	s19 =	sadd.s32 $0x6, s17  }
0x231: {  	v5 =	vld.idx.msk [tilespmem:v14+s9+$0x0], $0xffff;
	v8 =	vadd.s32 s19, v0;
	s19 =	sadd.s32 $0x7, s17;
	v13 =	vadd.f32 v3, v13;
	v14 =	vadd.f32 v16, v18  }
0x232: {  	s17 =	sadd.s32 s18, s15;
	s18 =	sadd.s32 $0x8, s18;
	v3 =	vld.idx.msk [tilespmem:v17+s9+$0x0], $0xffff;
	v12 =	vadd.s32 s19, v0  }
0x233: {  	_ =	sdelay $0x2  }
0x234: {  	v4 =	vadd.f32 v4, v13;
	v7 =	vadd.f32 v7, v14  }
0x235: {  	v49 =	vadd.s32 s17, v0;
	s18 =	sadd.s32 $0x1, s17;
	v9 =	vld.idx.msk [tilespmem:v9+s9+$0x0], $0xffff  }
0x236: {  	s20 =	sadd.s32 $0x2, s17;
	v11 =	vld.idx.msk [tilespmem:v11+s9+$0x0], $0xffff;
	v50 =	vadd.s32 s18, v0;
	v1 =	vadd.f32 v1, v4;
	v51 =	vadd.f32 v6, v7  }
0x237: {  	s19 =	sadd.s32 $0x3, s17;
	v53 =	vld.idx.msk [tilespmem:v10+s9+$0x0], $0xffff;
	v52 =	vadd.s32 s20, v0  }
0x238: {  	v8 =	vld.idx.msk [tilespmem:v8+s9+$0x0], $0xffff;
	v54 =	vadd.s32 s19, v0;
	s20 =	sadd.s32 $0x4, s17;
	v1 =	vadd.f32 v2, v1;
	v2 =	vadd.f32 v5, v51  }
0x239: {  	v56 =	vld.idx.msk [tilespmem:v12+s9+$0x0], $0xffff;
	s19 =	sadd.s32 $0x5, s17;
	v55 =	vadd.s32 s20, v0  }
0x23a: {  	v58 =	vadd.s32 s19, v0;
	s20 =	sadd.s32 $0x6, s17;
	v57 =	vld.idx.msk [tilespmem:v49+s9+$0x0], $0xffff;
	v1 =	vadd.f32 v3, v1;
	v2 =	vadd.f32 v9, v2  }
0x23b: {  	s19 =	sadd.s32 $0x7, s17;
	v59 =	vadd.s32 s20, v0;
	v3 =	vld.idx.msk [tilespmem:v50+s9+$0x0], $0xffff  }
0x23c: {  	v60 =	vadd.s32 s19, v0;
	v6 =	vld.idx.msk [tilespmem:v52+s9+$0x0], $0xffff;
	v1 =	vadd.f32 v11, v1;
	v2 =	vadd.f32 v53, v2  }
0x23d: {  	v61 =	vld.idx.msk [tilespmem:v54+s9+$0x0], $0xffff  }
0x23e: {  	v4 =	vld.idx.msk [tilespmem:v55+s9+$0x0], $0xffff;
	v1 =	vadd.f32 v8, v1;
	v2 =	vadd.f32 v56, v2  }
0x23f: {  	v62 =	vld.idx.msk [tilespmem:v58+s9+$0x0], $0xffff  }
0x240: {  	v63 =	vld.idx.msk [tilespmem:v59+s9+$0x0], $0xffff;
	v1 =	vadd.f32 v57, v1;
	v2 =	vadd.f32 v3, v2  }
0x241: {  	v3 =	vld.idx.msk [tilespmem:v60+s9+$0x0], $0xffff  }
0x242: {  	v1 =	vadd.f32 v6, v1;
	v2 =	vadd.f32 v61, v2;
	_ =	sdelay $0x1  }
0x243: {  	s20 =	sshll.u32 s16, $0x4;
	s16 =	sadd.s32 $0x1, s16;
	v1 =	vadd.f32 v4, v1;
	v2 =	vadd.f32 v62, v2  }
0x244: {  	p1 =	sne.s32 s16, $0x4  }
.Ltmp10:
0x245: {  	v1 =	vadd.f32 v63, v1;
	v2 =	vadd.f32 v3, v2;
	(pc) =	sbr.rel @p1 .LBB2_20-.Ltmp10, $4  }
0x246: {  	_ = 	snop  }
0x247: {  	v1 =	vadd.f32 v2, v1  }
0x248: {  	s17 =	sand.u32 $0x3FFFFFF0, s20  }
0x249: {  	s15 =	sadd.s32 $0xC80, s15;
	[tilespmem:s17+$0x1D128] =	vst v1  }
0x24a: {  	s15 =	simm.s32 $0x0  }
0x24b: {  	[tilespmem:s7], [sflag:$0x3] =	stream.linear.gather [hbm4b:s2+s15], $0x3200, $0x38;
	[tilespmem:$0x1D228] =	vst v63  }
0x24c: {  	_ =	swait.ge [sflag:s6], $0x3200  }
0x24d: {  	[sflag:s6] =	ssyncset.done $0x0  }
0x24e: {  	[sflag:s6] =	ssyncadd.s32 $0xFFFFCE00  }
0x24f: {  	[tilespmem:s9], [sflag:$0x1] =	stream.indirect.gather [spmem:s28], $0x1, s7, s8, $0xb8;
	[tilespmem:$0x1D228] =	vst v63  }
0x250: {  	_ =	swait.ge [sflag:s13], $0x3200  }
0x251: {  	[sflag:s13] =	ssyncset.done $0x0  }
0x252: {  	s16 =	simm.s32 $0x0;
	[sflag:s13] =	ssyncadd.s32 $0xFFFFCE00  }
.LBB2_24:
0x253: {  	s17 =	sadd.s32 $0x0, s15  }
0x254: {  	v1 =	vadd.s32 s17, v0;
	s18 =	sadd.s32 $0x1, s17  }
0x255: {  	s20 =	sadd.s32 $0x2, s17;
	v2 =	vadd.s32 s18, v0  }
0x256: {  	s19 =	sadd.s32 $0x3, s17;
	v3 =	vadd.s32 s20, v0  }
0x257: {  	v4 =	vadd.s32 s19, v0;
	s20 =	sadd.s32 $0x4, s17  }
0x258: {  	s19 =	sadd.s32 $0x5, s17;
	v5 =	vadd.s32 s20, v0  }
0x259: {  	s20 =	sadd.s32 $0x6, s17;
	v8 =	vld.idx.msk [tilespmem:v1+s11+$0x0], $0xffff;
	v1 =	vadd.s32 s19, v0  }
0x25a: {  	s17 =	sadd.s32 $0x7, s17;
	v6 =	vadd.s32 s20, v0;
	v2 =	vld.idx.msk [tilespmem:v2+s11+$0x0], $0xffff  }
0x25b: {  	v9 =	vadd.s32 s17, v0;
	v3 =	vld.idx.msk [tilespmem:v3+s11+$0x0], $0xffff  }
0x25c: {  	s18 =	sadd.s32 $0x8, s15;
	v12 =	vld.idx.msk [tilespmem:v4+s11+$0x0], $0xffff  }
0x25d: {  	v10 =	vadd.s32 s18, v0;
	s19 =	sadd.s32 $0x1, s18;
	v4 =	vld.idx.msk [tilespmem:v5+s11+$0x0], $0xffff  }
0x25e: {  	s20 =	sadd.s32 $0x2, s18;
	v13 =	vadd.s32 s19, v0;
	v7 =	vld.idx.msk [tilespmem:v1+s11+$0x0], $0xffff  }
0x25f: {  	v15 =	vadd.s32 s20, v0;
	s19 =	sadd.s32 $0x3, s18;
	v1 =	vld.idx.msk [tilespmem:v6+s11+$0x0], $0xffff  }
0x260: {  	s17 =	sadd.s32 $0x4, s18;
	v5 =	vimm.f32 $0.0e+00;
	v6 =	vld.idx.msk [tilespmem:v9+s11+$0x0], $0xffff;
	v9 =	vadd.s32 s19, v0  }
0x261: {  	v11 =	vadd.s32 s17, v0;
	s19 =	sadd.s32 $0x5, s18;
	v14 =	vadd.f32 v8, v5;
	v16 =	vadd.f32 v2, v5  }
0x262: {  	s20 =	sadd.s32 $0x6, s18;
	v2 =	vld.idx.msk [tilespmem:v10+s11+$0x0], $0xffff;
	v10 =	vadd.s32 s19, v0  }
0x263: {  	v8 =	vadd.s32 s20, v0;
	s20 =	sadd.s32 $0x7, s18;
	v5 =	vld.idx.msk [tilespmem:v13+s11+$0x0], $0xffff;
	v13 =	vadd.f32 v3, v14;
	v14 =	vadd.f32 v12, v16  }
0x264: {  	s17 =	sadd.s32 $0x10, s15;
	s18 =	simm.s32 $0x18;
	v3 =	vld.idx.msk [tilespmem:v15+s11+$0x0], $0xffff;
	v12 =	vadd.s32 s20, v0  }
.LBB2_25:
0x265: {  	p1 =	sne.s32 s18, $0xC0;
	v15 =	vadd.s32 s17, v0;
	s19 =	sadd.s32 $0x1, s17;
	v16 =	vld.idx.msk [tilespmem:v9+s11+$0x0], $0xffff;
	v9 =	vadd.f32 v4, v13;
	v13 =	vadd.f32 v7, v14  }
0x266: {  	v14 =	vadd.s32 s19, v0;
	s19 =	sadd.s32 $0x2, s17;
	v4 =	vld.idx.msk [tilespmem:v11+s11+$0x0], $0xffff  }
0x267: {  	v17 =	vadd.s32 s19, v0;
	s19 =	sadd.s32 $0x3, s17;
	v7 =	vld.idx.msk [tilespmem:v10+s11+$0x0], $0xffff;
	v10 =	vadd.f32 v1, v9;
	v6 =	vadd.f32 v6, v13  }
.Ltmp11:
0x268: {  	v9 =	vadd.s32 s19, v0;
	s19 =	sadd.s32 $0x4, s17;
	v1 =	vld.idx.msk [tilespmem:v8+s11+$0x0], $0xffff;
	(pc) =	sbr.rel @p1 .LBB2_25-.Ltmp11, $4  }
0x269: {  	v11 =	vadd.s32 s19, v0;
	s19 =	sadd.s32 $0x5, s17;
	v13 =	vadd.f32 v2, v10;
	v18 =	vadd.f32 v5, v6;
	v6 =	vld.idx.msk [tilespmem:v12+s11+$0x0], $0xffff  }
0x26a: {  	v2 =	vld.idx.msk [tilespmem:v15+s11+$0x0], $0xffff;
	v10 =	vadd.s32 s19, v0;
	s19 =	sadd.s32 $0x6, s17  }
0x26b: {  	v5 =	vld.idx.msk [tilespmem:v14+s11+$0x0], $0xffff;
	v8 =	vadd.s32 s19, v0;
	s19 =	sadd.s32 $0x7, s17;
	v13 =	vadd.f32 v3, v13;
	v14 =	vadd.f32 v16, v18  }
0x26c: {  	s17 =	sadd.s32 s18, s15;
	s18 =	sadd.s32 $0x8, s18;
	v3 =	vld.idx.msk [tilespmem:v17+s11+$0x0], $0xffff;
	v12 =	vadd.s32 s19, v0  }
0x26d: {  	_ =	sdelay $0x2  }
0x26e: {  	v4 =	vadd.f32 v4, v13;
	v7 =	vadd.f32 v7, v14  }
0x26f: {  	v49 =	vadd.s32 s17, v0;
	s18 =	sadd.s32 $0x1, s17;
	v9 =	vld.idx.msk [tilespmem:v9+s11+$0x0], $0xffff  }
0x270: {  	s20 =	sadd.s32 $0x2, s17;
	v11 =	vld.idx.msk [tilespmem:v11+s11+$0x0], $0xffff;
	v50 =	vadd.s32 s18, v0;
	v1 =	vadd.f32 v1, v4;
	v51 =	vadd.f32 v6, v7  }
0x271: {  	s19 =	sadd.s32 $0x3, s17;
	v53 =	vld.idx.msk [tilespmem:v10+s11+$0x0], $0xffff;
	v52 =	vadd.s32 s20, v0  }
0x272: {  	v8 =	vld.idx.msk [tilespmem:v8+s11+$0x0], $0xffff;
	v54 =	vadd.s32 s19, v0;
	s20 =	sadd.s32 $0x4, s17;
	v1 =	vadd.f32 v2, v1;
	v2 =	vadd.f32 v5, v51  }
0x273: {  	v56 =	vld.idx.msk [tilespmem:v12+s11+$0x0], $0xffff;
	s19 =	sadd.s32 $0x5, s17;
	v55 =	vadd.s32 s20, v0  }
0x274: {  	v58 =	vadd.s32 s19, v0;
	s20 =	sadd.s32 $0x6, s17;
	v57 =	vld.idx.msk [tilespmem:v49+s11+$0x0], $0xffff;
	v1 =	vadd.f32 v3, v1;
	v2 =	vadd.f32 v9, v2  }
0x275: {  	s19 =	sadd.s32 $0x7, s17;
	v59 =	vadd.s32 s20, v0;
	v3 =	vld.idx.msk [tilespmem:v50+s11+$0x0], $0xffff  }
0x276: {  	v60 =	vadd.s32 s19, v0;
	v6 =	vld.idx.msk [tilespmem:v52+s11+$0x0], $0xffff;
	v1 =	vadd.f32 v11, v1;
	v2 =	vadd.f32 v53, v2  }
0x277: {  	v61 =	vld.idx.msk [tilespmem:v54+s11+$0x0], $0xffff  }
0x278: {  	v4 =	vld.idx.msk [tilespmem:v55+s11+$0x0], $0xffff;
	v1 =	vadd.f32 v8, v1;
	v2 =	vadd.f32 v56, v2  }
0x279: {  	v62 =	vld.idx.msk [tilespmem:v58+s11+$0x0], $0xffff  }
0x27a: {  	v63 =	vld.idx.msk [tilespmem:v59+s11+$0x0], $0xffff;
	v1 =	vadd.f32 v57, v1;
	v2 =	vadd.f32 v3, v2  }
0x27b: {  	v3 =	vld.idx.msk [tilespmem:v60+s11+$0x0], $0xffff  }
0x27c: {  	v1 =	vadd.f32 v6, v1;
	v2 =	vadd.f32 v61, v2;
	_ =	sdelay $0x1  }
0x27d: {  	s20 =	sshll.u32 s16, $0x4;
	s16 =	sadd.s32 $0x1, s16;
	v1 =	vadd.f32 v4, v1;
	v2 =	vadd.f32 v62, v2  }
0x27e: {  	p1 =	sne.s32 s16, $0x4  }
.Ltmp12:
0x27f: {  	v1 =	vadd.f32 v63, v1;
	v2 =	vadd.f32 v3, v2;
	(pc) =	sbr.rel @p1 .LBB2_24-.Ltmp12, $4  }
0x280: {  	_ = 	snop  }
0x281: {  	v1 =	vadd.f32 v2, v1  }
0x282: {  	s17 =	sand.u32 $0x3FFFFFF0, s20  }
0x283: {  	s15 =	sadd.s32 $0xC80, s15;
	[tilespmem:s17+$0x1D168] =	vst v1  }
0x284: {  	s15 =	simm.s32 $0x0  }
0x285: {  	[tilespmem:s10], [sflag:$0x3] =	stream.linear.gather [hbm4b:s3+s15], $0x3200, $0x38;
	[tilespmem:$0x1D228] =	vst v63  }
0x286: {  	_ =	swait.ge [sflag:s6], $0x3200  }
0x287: {  	[sflag:s6] =	ssyncset.done $0x0  }
0x288: {  	[sflag:s6] =	ssyncadd.s32 $0xFFFFCE00  }
0x289: {  	[tilespmem:s11], [sflag:$0x2] =	stream.indirect.gather [spmem:s28], $0x1, s10, s8, $0xb8;
	[tilespmem:$0x1D228] =	vst v63  }
0x28a: {  	_ =	swait.ge [sflag:s12], $0x3200  }
0x28b: {  	[sflag:s12] =	ssyncset.done $0x0  }
0x28c: {  	s16 =	simm.s32 $0x0;
	[sflag:s12] =	ssyncadd.s32 $0xFFFFCE00  }
.LBB2_28:
0x28d: {  	s17 =	sadd.s32 $0x0, s15  }
0x28e: {  	v1 =	vadd.s32 s17, v0;
	s18 =	sadd.s32 $0x1, s17  }
0x28f: {  	s20 =	sadd.s32 $0x2, s17;
	v2 =	vadd.s32 s18, v0  }
0x290: {  	s19 =	sadd.s32 $0x3, s17;
	v3 =	vadd.s32 s20, v0  }
0x291: {  	v4 =	vadd.s32 s19, v0;
	s20 =	sadd.s32 $0x4, s17  }
0x292: {  	s19 =	sadd.s32 $0x5, s17;
	v5 =	vadd.s32 s20, v0  }
0x293: {  	s20 =	sadd.s32 $0x6, s17;
	v8 =	vld.idx.msk [tilespmem:v1+s9+$0x0], $0xffff;
	v1 =	vadd.s32 s19, v0  }
0x294: {  	s17 =	sadd.s32 $0x7, s17;
	v6 =	vadd.s32 s20, v0;
	v2 =	vld.idx.msk [tilespmem:v2+s9+$0x0], $0xffff  }
0x295: {  	v9 =	vadd.s32 s17, v0;
	v3 =	vld.idx.msk [tilespmem:v3+s9+$0x0], $0xffff  }
0x296: {  	s18 =	sadd.s32 $0x8, s15;
	v12 =	vld.idx.msk [tilespmem:v4+s9+$0x0], $0xffff  }
0x297: {  	v10 =	vadd.s32 s18, v0;
	s19 =	sadd.s32 $0x1, s18;
	v4 =	vld.idx.msk [tilespmem:v5+s9+$0x0], $0xffff  }
0x298: {  	s20 =	sadd.s32 $0x2, s18;
	v13 =	vadd.s32 s19, v0;
	v7 =	vld.idx.msk [tilespmem:v1+s9+$0x0], $0xffff  }
0x299: {  	v15 =	vadd.s32 s20, v0;
	s19 =	sadd.s32 $0x3, s18;
	v1 =	vld.idx.msk [tilespmem:v6+s9+$0x0], $0xffff  }
0x29a: {  	s17 =	sadd.s32 $0x4, s18;
	v5 =	vimm.f32 $0.0e+00;
	v6 =	vld.idx.msk [tilespmem:v9+s9+$0x0], $0xffff;
	v9 =	vadd.s32 s19, v0  }
0x29b: {  	v11 =	vadd.s32 s17, v0;
	s19 =	sadd.s32 $0x5, s18;
	v14 =	vadd.f32 v8, v5;
	v16 =	vadd.f32 v2, v5  }
0x29c: {  	s20 =	sadd.s32 $0x6, s18;
	v2 =	vld.idx.msk [tilespmem:v10+s9+$0x0], $0xffff;
	v10 =	vadd.s32 s19, v0  }
0x29d: {  	v8 =	vadd.s32 s20, v0;
	s20 =	sadd.s32 $0x7, s18;
	v5 =	vld.idx.msk [tilespmem:v13+s9+$0x0], $0xffff;
	v13 =	vadd.f32 v3, v14;
	v14 =	vadd.f32 v12, v16  }
0x29e: {  	s17 =	sadd.s32 $0x10, s15;
	s18 =	simm.s32 $0x18;
	v3 =	vld.idx.msk [tilespmem:v15+s9+$0x0], $0xffff;
	v12 =	vadd.s32 s20, v0  }
.LBB2_29:
0x29f: {  	p1 =	sne.s32 s18, $0xC0;
	v15 =	vadd.s32 s17, v0;
	s19 =	sadd.s32 $0x1, s17;
	v16 =	vld.idx.msk [tilespmem:v9+s9+$0x0], $0xffff;
	v9 =	vadd.f32 v4, v13;
	v13 =	vadd.f32 v7, v14  }
0x2a0: {  	v14 =	vadd.s32 s19, v0;
	s19 =	sadd.s32 $0x2, s17;
	v4 =	vld.idx.msk [tilespmem:v11+s9+$0x0], $0xffff  }
0x2a1: {  	v17 =	vadd.s32 s19, v0;
	s19 =	sadd.s32 $0x3, s17;
	v7 =	vld.idx.msk [tilespmem:v10+s9+$0x0], $0xffff;
	v10 =	vadd.f32 v1, v9;
	v6 =	vadd.f32 v6, v13  }
.Ltmp13:
0x2a2: {  	v9 =	vadd.s32 s19, v0;
	s19 =	sadd.s32 $0x4, s17;
	v1 =	vld.idx.msk [tilespmem:v8+s9+$0x0], $0xffff;
	(pc) =	sbr.rel @p1 .LBB2_29-.Ltmp13, $4  }
0x2a3: {  	v11 =	vadd.s32 s19, v0;
	s19 =	sadd.s32 $0x5, s17;
	v13 =	vadd.f32 v2, v10;
	v18 =	vadd.f32 v5, v6;
	v6 =	vld.idx.msk [tilespmem:v12+s9+$0x0], $0xffff  }
0x2a4: {  	v2 =	vld.idx.msk [tilespmem:v15+s9+$0x0], $0xffff;
	v10 =	vadd.s32 s19, v0;
	s19 =	sadd.s32 $0x6, s17  }
0x2a5: {  	v5 =	vld.idx.msk [tilespmem:v14+s9+$0x0], $0xffff;
	v8 =	vadd.s32 s19, v0;
	s19 =	sadd.s32 $0x7, s17;
	v13 =	vadd.f32 v3, v13;
	v14 =	vadd.f32 v16, v18  }
0x2a6: {  	s17 =	sadd.s32 s18, s15;
	s18 =	sadd.s32 $0x8, s18;
	v3 =	vld.idx.msk [tilespmem:v17+s9+$0x0], $0xffff;
	v12 =	vadd.s32 s19, v0  }
0x2a7: {  	_ =	sdelay $0x2  }
0x2a8: {  	v4 =	vadd.f32 v4, v13;
	v7 =	vadd.f32 v7, v14  }
0x2a9: {  	v49 =	vadd.s32 s17, v0;
	s18 =	sadd.s32 $0x1, s17;
	v9 =	vld.idx.msk [tilespmem:v9+s9+$0x0], $0xffff  }
0x2aa: {  	s20 =	sadd.s32 $0x2, s17;
	v11 =	vld.idx.msk [tilespmem:v11+s9+$0x0], $0xffff;
	v50 =	vadd.s32 s18, v0;
	v1 =	vadd.f32 v1, v4;
	v51 =	vadd.f32 v6, v7  }
0x2ab: {  	s19 =	sadd.s32 $0x3, s17;
	v53 =	vld.idx.msk [tilespmem:v10+s9+$0x0], $0xffff;
	v52 =	vadd.s32 s20, v0  }
0x2ac: {  	v8 =	vld.idx.msk [tilespmem:v8+s9+$0x0], $0xffff;
	v54 =	vadd.s32 s19, v0;
	s20 =	sadd.s32 $0x4, s17;
	v1 =	vadd.f32 v2, v1;
	v2 =	vadd.f32 v5, v51  }
0x2ad: {  	v56 =	vld.idx.msk [tilespmem:v12+s9+$0x0], $0xffff;
	s19 =	sadd.s32 $0x5, s17;
	v55 =	vadd.s32 s20, v0  }
0x2ae: {  	v58 =	vadd.s32 s19, v0;
	s20 =	sadd.s32 $0x6, s17;
	v57 =	vld.idx.msk [tilespmem:v49+s9+$0x0], $0xffff;
	v1 =	vadd.f32 v3, v1;
	v2 =	vadd.f32 v9, v2  }
0x2af: {  	s19 =	sadd.s32 $0x7, s17;
	v59 =	vadd.s32 s20, v0;
	v3 =	vld.idx.msk [tilespmem:v50+s9+$0x0], $0xffff  }
0x2b0: {  	v60 =	vadd.s32 s19, v0;
	v6 =	vld.idx.msk [tilespmem:v52+s9+$0x0], $0xffff;
	v1 =	vadd.f32 v11, v1;
	v2 =	vadd.f32 v53, v2  }
0x2b1: {  	v61 =	vld.idx.msk [tilespmem:v54+s9+$0x0], $0xffff  }
0x2b2: {  	v4 =	vld.idx.msk [tilespmem:v55+s9+$0x0], $0xffff;
	v1 =	vadd.f32 v8, v1;
	v2 =	vadd.f32 v56, v2  }
0x2b3: {  	v62 =	vld.idx.msk [tilespmem:v58+s9+$0x0], $0xffff  }
0x2b4: {  	v63 =	vld.idx.msk [tilespmem:v59+s9+$0x0], $0xffff;
	v1 =	vadd.f32 v57, v1;
	v2 =	vadd.f32 v3, v2  }
0x2b5: {  	v3 =	vld.idx.msk [tilespmem:v60+s9+$0x0], $0xffff  }
0x2b6: {  	v1 =	vadd.f32 v6, v1;
	v2 =	vadd.f32 v61, v2;
	_ =	sdelay $0x1  }
0x2b7: {  	s20 =	sshll.u32 s16, $0x4;
	s16 =	sadd.s32 $0x1, s16;
	v1 =	vadd.f32 v4, v1;
	v2 =	vadd.f32 v62, v2  }
0x2b8: {  	p1 =	sne.s32 s16, $0x4  }
.Ltmp14:
0x2b9: {  	v1 =	vadd.f32 v63, v1;
	v2 =	vadd.f32 v3, v2;
	(pc) =	sbr.rel @p1 .LBB2_28-.Ltmp14, $4  }
0x2ba: {  	_ = 	snop  }
0x2bb: {  	v1 =	vadd.f32 v2, v1  }
0x2bc: {  	s17 =	sand.u32 $0x3FFFFFF0, s20  }
0x2bd: {  	s15 =	sadd.s32 $0xC80, s15;
	[tilespmem:s17+$0x1D1A8] =	vst v1  }
0x2be: {  	_ =	swait.ge [sflag:s13], $0x3200  }
0x2bf: {  	[sflag:s13] =	ssyncset.done $0x0  }
0x2c0: {  	s15 =	simm.s32 $0x0;
	s16 =	simm.s32 $0x0;
	[sflag:s13] =	ssyncadd.s32 $0xFFFFCE00  }
.LBB2_32:
0x2c1: {  	s17 =	sadd.s32 $0x0, s15  }
0x2c2: {  	v1 =	vadd.s32 s17, v0;
	s18 =	sadd.s32 $0x1, s17  }
0x2c3: {  	s20 =	sadd.s32 $0x2, s17;
	v2 =	vadd.s32 s18, v0  }
0x2c4: {  	s19 =	sadd.s32 $0x3, s17;
	v3 =	vadd.s32 s20, v0  }
0x2c5: {  	v4 =	vadd.s32 s19, v0;
	s20 =	sadd.s32 $0x4, s17  }
0x2c6: {  	s19 =	sadd.s32 $0x5, s17;
	v5 =	vadd.s32 s20, v0  }
0x2c7: {  	s20 =	sadd.s32 $0x6, s17;
	v8 =	vld.idx.msk [tilespmem:v1+s11+$0x0], $0xffff;
	v1 =	vadd.s32 s19, v0  }
0x2c8: {  	s17 =	sadd.s32 $0x7, s17;
	v6 =	vadd.s32 s20, v0;
	v2 =	vld.idx.msk [tilespmem:v2+s11+$0x0], $0xffff  }
0x2c9: {  	v9 =	vadd.s32 s17, v0;
	v3 =	vld.idx.msk [tilespmem:v3+s11+$0x0], $0xffff  }
0x2ca: {  	s18 =	sadd.s32 $0x8, s15;
	v12 =	vld.idx.msk [tilespmem:v4+s11+$0x0], $0xffff  }
0x2cb: {  	v10 =	vadd.s32 s18, v0;
	s19 =	sadd.s32 $0x1, s18;
	v4 =	vld.idx.msk [tilespmem:v5+s11+$0x0], $0xffff  }
0x2cc: {  	s20 =	sadd.s32 $0x2, s18;
	v13 =	vadd.s32 s19, v0;
	v7 =	vld.idx.msk [tilespmem:v1+s11+$0x0], $0xffff  }
0x2cd: {  	v15 =	vadd.s32 s20, v0;
	s19 =	sadd.s32 $0x3, s18;
	v1 =	vld.idx.msk [tilespmem:v6+s11+$0x0], $0xffff  }
0x2ce: {  	s17 =	sadd.s32 $0x4, s18;
	v5 =	vimm.f32 $0.0e+00;
	v6 =	vld.idx.msk [tilespmem:v9+s11+$0x0], $0xffff;
	v9 =	vadd.s32 s19, v0  }
0x2cf: {  	v11 =	vadd.s32 s17, v0;
	s19 =	sadd.s32 $0x5, s18;
	v14 =	vadd.f32 v8, v5;
	v16 =	vadd.f32 v2, v5  }
0x2d0: {  	s20 =	sadd.s32 $0x6, s18;
	v2 =	vld.idx.msk [tilespmem:v10+s11+$0x0], $0xffff;
	v10 =	vadd.s32 s19, v0  }
0x2d1: {  	v8 =	vadd.s32 s20, v0;
	s20 =	sadd.s32 $0x7, s18;
	v5 =	vld.idx.msk [tilespmem:v13+s11+$0x0], $0xffff;
	v13 =	vadd.f32 v3, v14;
	v14 =	vadd.f32 v12, v16  }
0x2d2: {  	s17 =	sadd.s32 $0x10, s15;
	s18 =	simm.s32 $0x18;
	v3 =	vld.idx.msk [tilespmem:v15+s11+$0x0], $0xffff;
	v12 =	vadd.s32 s20, v0  }
.LBB2_33:
0x2d3: {  	p1 =	sne.s32 s18, $0xC0;
	v15 =	vadd.s32 s17, v0;
	s19 =	sadd.s32 $0x1, s17;
	v16 =	vld.idx.msk [tilespmem:v9+s11+$0x0], $0xffff;
	v9 =	vadd.f32 v4, v13;
	v13 =	vadd.f32 v7, v14  }
0x2d4: {  	v14 =	vadd.s32 s19, v0;
	s19 =	sadd.s32 $0x2, s17;
	v4 =	vld.idx.msk [tilespmem:v11+s11+$0x0], $0xffff  }
0x2d5: {  	v17 =	vadd.s32 s19, v0;
	s19 =	sadd.s32 $0x3, s17;
	v7 =	vld.idx.msk [tilespmem:v10+s11+$0x0], $0xffff;
	v10 =	vadd.f32 v1, v9;
	v6 =	vadd.f32 v6, v13  }
.Ltmp15:
0x2d6: {  	v9 =	vadd.s32 s19, v0;
	s19 =	sadd.s32 $0x4, s17;
	v1 =	vld.idx.msk [tilespmem:v8+s11+$0x0], $0xffff;
	(pc) =	sbr.rel @p1 .LBB2_33-.Ltmp15, $4  }
0x2d7: {  	v11 =	vadd.s32 s19, v0;
	s19 =	sadd.s32 $0x5, s17;
	v13 =	vadd.f32 v2, v10;
	v18 =	vadd.f32 v5, v6;
	v6 =	vld.idx.msk [tilespmem:v12+s11+$0x0], $0xffff  }
0x2d8: {  	v2 =	vld.idx.msk [tilespmem:v15+s11+$0x0], $0xffff;
	v10 =	vadd.s32 s19, v0;
	s19 =	sadd.s32 $0x6, s17  }
0x2d9: {  	v5 =	vld.idx.msk [tilespmem:v14+s11+$0x0], $0xffff;
	v8 =	vadd.s32 s19, v0;
	s19 =	sadd.s32 $0x7, s17;
	v13 =	vadd.f32 v3, v13;
	v14 =	vadd.f32 v16, v18  }
0x2da: {  	s17 =	sadd.s32 s18, s15;
	s18 =	sadd.s32 $0x8, s18;
	v3 =	vld.idx.msk [tilespmem:v17+s11+$0x0], $0xffff;
	v12 =	vadd.s32 s19, v0  }
0x2db: {  	_ =	sdelay $0x2  }
0x2dc: {  	v4 =	vadd.f32 v4, v13;
	v7 =	vadd.f32 v7, v14  }
0x2dd: {  	v49 =	vadd.s32 s17, v0;
	s18 =	sadd.s32 $0x1, s17;
	v9 =	vld.idx.msk [tilespmem:v9+s11+$0x0], $0xffff  }
0x2de: {  	s20 =	sadd.s32 $0x2, s17;
	v11 =	vld.idx.msk [tilespmem:v11+s11+$0x0], $0xffff;
	v50 =	vadd.s32 s18, v0;
	v1 =	vadd.f32 v1, v4;
	v51 =	vadd.f32 v6, v7  }
0x2df: {  	s19 =	sadd.s32 $0x3, s17;
	v53 =	vld.idx.msk [tilespmem:v10+s11+$0x0], $0xffff;
	v52 =	vadd.s32 s20, v0  }
0x2e0: {  	v8 =	vld.idx.msk [tilespmem:v8+s11+$0x0], $0xffff;
	v54 =	vadd.s32 s19, v0;
	s20 =	sadd.s32 $0x4, s17;
	v1 =	vadd.f32 v2, v1;
	v2 =	vadd.f32 v5, v51  }
0x2e1: {  	v56 =	vld.idx.msk [tilespmem:v12+s11+$0x0], $0xffff;
	s19 =	sadd.s32 $0x5, s17;
	v55 =	vadd.s32 s20, v0  }
0x2e2: {  	v58 =	vadd.s32 s19, v0;
	s20 =	sadd.s32 $0x6, s17;
	v57 =	vld.idx.msk [tilespmem:v49+s11+$0x0], $0xffff;
	v1 =	vadd.f32 v3, v1;
	v2 =	vadd.f32 v9, v2  }
0x2e3: {  	s19 =	sadd.s32 $0x7, s17;
	v59 =	vadd.s32 s20, v0;
	v3 =	vld.idx.msk [tilespmem:v50+s11+$0x0], $0xffff  }
0x2e4: {  	v60 =	vadd.s32 s19, v0;
	v6 =	vld.idx.msk [tilespmem:v52+s11+$0x0], $0xffff;
	v1 =	vadd.f32 v11, v1;
	v2 =	vadd.f32 v53, v2  }
0x2e5: {  	v61 =	vld.idx.msk [tilespmem:v54+s11+$0x0], $0xffff  }
0x2e6: {  	v4 =	vld.idx.msk [tilespmem:v55+s11+$0x0], $0xffff;
	v1 =	vadd.f32 v8, v1;
	v2 =	vadd.f32 v56, v2  }
0x2e7: {  	v62 =	vld.idx.msk [tilespmem:v58+s11+$0x0], $0xffff  }
0x2e8: {  	v63 =	vld.idx.msk [tilespmem:v59+s11+$0x0], $0xffff;
	v1 =	vadd.f32 v57, v1;
	v2 =	vadd.f32 v3, v2  }
0x2e9: {  	v3 =	vld.idx.msk [tilespmem:v60+s11+$0x0], $0xffff  }
0x2ea: {  	v1 =	vadd.f32 v6, v1;
	v2 =	vadd.f32 v61, v2;
	_ =	sdelay $0x1  }
0x2eb: {  	s20 =	sshll.u32 s16, $0x4;
	s16 =	sadd.s32 $0x1, s16;
	v1 =	vadd.f32 v4, v1;
	v2 =	vadd.f32 v62, v2  }
0x2ec: {  	p1 =	sne.s32 s16, $0x4  }
.Ltmp16:
0x2ed: {  	v1 =	vadd.f32 v63, v1;
	v2 =	vadd.f32 v3, v2;
	(pc) =	sbr.rel @p1 .LBB2_32-.Ltmp16, $4  }
0x2ee: {  	_ = 	snop  }
0x2ef: {  	v1 =	vadd.f32 v2, v1  }
0x2f0: {  	s17 =	sand.u32 $0x3FFFFFF0, s20  }
0x2f1: {  	s15 =	sadd.s32 $0xC80, s15;
	[tilespmem:s17+$0x1D1E8] =	vst v1  }
0x2f2: {  	s14 =	sadd.s32 $0x1, s14  }
0x2f3: {  	p1 =	sne.s32 s14, s4  }
.Ltmp17:
0x2f4: {  	s15 =	simm.s32 $0x1D028;
	(pc) =	sbr.rel @p1 .LBB2_1-.Ltmp17, $4  }
0x2f5: {  	[hbm4b:s30+s1] =	stream.linear.scatter [tilespmem:s15], [sflag:$0x3], $0x200, $0x38;
	[tilespmem:$0x1D228] =	vst v63  }
0x2f6: {  	_ =	swait.ge [sflag:s6], $0x200  }
0x2f7: {  	[sflag:s6] =	ssyncset.done $0x0  }
0x2f8: {  	[sflag:s6] =	ssyncadd.s32 $0xFFFFFE00  }
0x2f9: {  	_ =	sfence.sel $0x180000  }
0x2fa: {  	[bflag:$0x0] =	sbarrier.arrive $0xFFFF  }
0x2fb: {  	_ =	strace $0x90000047  }
0x2fc: {  	s0 =	stileid.u32;
	[bflag:$0x2] =	sbarrier.arrive $0xFFFF  }
0x2fd: {  	p0 =	sne.s32 s0, $0x0;
	s0 =	rddreg [dreg:$0x3]  }
0x2fe: {  	s0 =	sadd.s32 @!p0 $0x100000, s0  }
0x2ff: {  	[sflag:s0] =	ssyncadd.tile.s32 @!p0 $0x1;
	_ =	shalt  }
.Lfunc_end2:
_tile_overlayer_lowered:
.L_overlay_start_2:
0x300: {  	(tag) =	ssettag $0x2  }
0x301: {  	s0 =	rddreg [dreg:$0x0];
	s2 =	stileid.u32  }
0x302: {  	s1 =	rddreg [dreg:$0x1];
	p0 =	sne.s32 s2, $0x0  }
0x303: {  	s3 =	rddreg [dreg:$0x2];
	[bflag:$0x3] =	sbarrier.arrive $0xFFFF;
	s2 =	simm.s32 @!p0 $0x1C03  }
0x304: {  	[timem:s3], [sflag:s2] =	dma.local @!p0 [hbm:s0], s1  }
0x305: {  	s0 =	simm.s32 @!p0 $0x3  }
0x306: {  	_ =	swait.ge @!p0 [sflag:s0], s1  }
0x307: {  	s1 =	ssub.s32 @!p0 $0x0, s1;
	[sflag:s0] =	ssyncset.done @!p0 $0x0  }
0x308: {  	[sflag:s0] =	ssyncadd.s32 @!p0 s1  }
0x309: {  	[bflag:$0x3] =	sbarrier.arrive $0xFFFF  }
0x30a: {  	_ =	shalt  }

</sc_bundles>
